<compile_context>
chip_gen: v7x
topology: tpu7x:2x2x1
jax: 0.10.2.dev20260603
libtpu: 0.0.44.dev20260713+nightly
codegen_flags: <defaults>
</compile_context>

<pallas_src>
import functools

import jax
import jax.numpy as jnp
from jax import lax
from jax.experimental import pallas as pl
from jax.experimental.pallas import tpu as pltpu
from jax.experimental.pallas import tpu_sc as plsc

_FIELD_SIZES = (1000000, 3, 100, 50, 1000000, 5000, 300)
_NF = 7
_OFFS = (0, 1000000, 1000003, 1000103, 1000153, 2000153, 2005153)
_TOTAL = 2005453

_N = 16384
_K = 16
_L = 16
_NC = 2
_NS = 16
_NW = _NC * _NS
_RPW = _N // _NW
_NBLK = _RPW // _L

_BIG = (0, 4)
_CACHED = (1, 2, 3, 6, 5)
_TSTART = {f: (_OFFS[f] // 8) * 8 for f in _CACHED}
_TREM = {f: _OFFS[f] - _TSTART[f] for f in _CACHED}
_TB = {1: 0, 2: 16, 3: 128, 6: 192, 5: 496}
_TCOPY = {1: 16, 2: 112, 3: 64, 6: 301, 5: 5008}
_TROWS = 5504

_DN = lax.GatherDimensionNumbers(offset_dims=(), collapsed_slice_dims=(0,),
                                 start_index_map=(0,))


def _perm(v, table):
    return lax.gather(v, table[:, None], _DN, slice_sizes=(1,),
                      mode=lax.GatherScatterMode.PROMISE_IN_BOUNDS)


def _fm_body(f0, f1, f2, f3, f4, f5, f6, w_so, w_lin, out,
             idx_v, bidx_v, so_tab, lin_tab, so_v, linbig_v, out_v, sem):
    fields = (f0, f1, f2, f3, f4, f5, f6)
    wid = lax.axis_index("s") * _NC + lax.axis_index("c")
    base = wid * _RPW
    lanes = lax.iota(jnp.int32, _L)

    copies = []
    for f in range(_NF):
        copies.append(pltpu.async_copy(fields[f].at[pl.ds(base, _RPW)],
                                       idx_v.at[f], sem))

    for f in _CACHED:
        copies.append(pltpu.async_copy(
            w_so.at[pl.ds(_TSTART[f], _TCOPY[f])],
            so_tab.at[pl.ds(_TB[f], _TCOPY[f])], sem))
        copies.append(pltpu.async_copy(
            w_lin.at[pl.ds(_TSTART[f], _TCOPY[f])],
            lin_tab.at[pl.ds(_TB[f], _TCOPY[f])], sem))
    for cp in copies:
        cp.wait()

    def _bld(i, c_):
        sl = pl.ds(i * _L, _L)
        bidx_v[sl] = idx_v[0, sl]
        bidx_v[pl.ds(_RPW + i * _L, _L)] = idx_v[4, sl] + _OFFS[4]
        return c_
    lax.fori_loop(0, _RPW // _L, _bld, 0)

    g1 = pltpu.async_copy(w_so.at[bidx_v.at[pl.ds(0, _RPW)]],
                          so_v.at[pl.ds(0, _RPW)], sem)
    g2 = pltpu.async_copy(w_so.at[bidx_v.at[pl.ds(_RPW, _RPW)]],
                          so_v.at[pl.ds(_RPW, _RPW)], sem)
    g3 = pltpu.async_copy(w_lin.at[bidx_v], linbig_v, sem)
    g1.wait(); g2.wait(); g3.wait()

    btabs = {h: (lanes ^ h, (lanes & h) == 0) for h in (8, 4, 2, 1)}
    lane0 = lanes == 0

    def _blk(i, c_):
        row0 = i * _L
        sl = pl.ds(row0, _L)
        tiv = [idx_v[f, sl] for f in _CACHED]
        vecs = []
        for r in range(_L):
            b = row0 + r
            s = so_v[b, :]
            t = s * s
            v = so_v[_RPW + b, :]
            s = s + v
            t = t + v * v
            linacc = None
            for q, f in enumerate(_CACHED):
                xi = tiv[q][r]
                trow = (_TB[f] + _TREM[f]) + xi
                v = so_tab[trow, :]
                s = s + v
                t = t + v * v
                lv = lin_tab[pl.ds(trow, _L)]
                linacc = lv if linacc is None else linacc + lv
            d = s * s - t + jnp.where(lane0, 2.0 * linacc, 0.0)
            vecs.append(d)
        h = 8
        while len(vecs) > 1:
            n = len(vecs) // 2
            partner, mask = btabs[h]
            vecs = [jnp.where(mask,
                              vecs[q] + _perm(vecs[q], partner),
                              _perm(vecs[q + n] + _perm(vecs[q + n], partner),
                                    partner))
                    for q in range(n)]
            h //= 2
        linsum = linbig_v[sl] + linbig_v[pl.ds(_RPW + row0, _L)]
        out_v[sl] = linsum + 0.5 * vecs[0]
        return c_
    lax.fori_loop(0, _NBLK, _blk, 0)

    pltpu.sync_copy(out_v, out.at[pl.ds(base, _RPW)])


_fm_sc = functools.partial(
    pl.kernel,
    out_type=jax.ShapeDtypeStruct((_N,), jnp.float32),
    mesh=plsc.VectorSubcoreMesh(core_axis_name="c", subcore_axis_name="s",
                                num_cores=_NC, num_subcores=_NS),
    compiler_params=pltpu.CompilerParams(use_tc_tiling_on_sc=False),
    scratch_types=[
        pltpu.VMEM((_NF, _RPW), jnp.int32),
        pltpu.VMEM((2 * _RPW,), jnp.int32),
        pltpu.VMEM((_TROWS, _K), jnp.float32),
        pltpu.VMEM((_TROWS + _L,), jnp.float32),
        pltpu.VMEM((2 * _RPW, _K), jnp.float32),
        pltpu.VMEM((2 * _RPW,), jnp.float32),
        pltpu.VMEM((_RPW,), jnp.float32),
        pltpu.SemaphoreType.DMA,
    ],
)(_fm_body)


def kernel(user_id, user_gender, user_occupation, user_address, product_id,
           product_store_id, product_category_id, W_lin, W_so, bias):
    out = _fm_sc(user_id, user_gender, user_occupation, user_address,
                 product_id, product_store_id, product_category_id,
                 W_so, W_lin.T.reshape(-1))
    return out + bias

# --- scband reference (transcript-rebuilt; emitter-appended) ---
"""Pipeline reference for scband-fmv0-75282186764752 (READ-ONLY COPY).

The authoritative reference and input builder live on the scoring server;
editing this copy changes nothing except your own understanding.
"""

import jax, jax.numpy as jnp
import numpy as np

FIELDS = [1000000, 3, 100, 50, 1000000, 5000, 300]
TOTAL = int(sum(FIELDS))
K = 16
N = 16384
OFFSETS = np.asarray((0, *np.cumsum(FIELDS)[:-1]), dtype=np.int32)
NAMES = ["user_id", "user_gender", "user_occupation", "user_address", "product_id", "product_store_id", "product_category_id"]


def setup_inputs(seed: int = 0) -> dict:
    key = jax.random.key(seed)
    ks = jax.random.split(key, len(FIELDS) + 3)
    inp = {}
    for i, (name, card) in enumerate(zip(NAMES, FIELDS)):
        inp[name] = jax.random.randint(ks[i], (N,), 0, card, dtype=jnp.int32)
    inp["W_lin"] = jax.random.normal(ks[len(FIELDS)], (TOTAL, 1), dtype=jnp.float32) * 0.01
    inp["W_so"] = jax.random.normal(ks[len(FIELDS) + 1], (TOTAL, K), dtype=jnp.float32) * 0.01
    inp["bias"] = jnp.zeros((1,), dtype=jnp.float32)
    return inp


def reference(user_id, user_gender, user_occupation, user_address, product_id, product_store_id, product_category_id, W_lin, W_so, bias):
    offsets = jnp.asarray(OFFSETS, dtype=user_id.dtype)
    x = jnp.stack([user_id, user_gender, user_occupation, user_address, product_id, product_store_id, product_category_id], axis=-1)
    x = x + offsets
    # first-order term: gather [N,7,1] -> squeeze -> sum over fields
    linear_feature = jnp.take(W_lin, x, axis=0)
    linear_feature = jnp.squeeze(linear_feature, axis=-1).sum(axis=1)
    # second-order FM term
    so = jnp.take(W_so, x, axis=0)  # [N, 7, K]
    a = jnp.sum(jnp.power(jnp.sum(so, axis=1), 2), axis=1)
    b = jnp.sum(jnp.sum(jnp.power(so, 2), axis=1), axis=1)
    second_order_feature = 0.5 * (a - b)
    return bias + linear_feature + second_order_feature

if __name__ == "__main__":
    import jax
    _d = setup_inputs()
    print(jax.jit(kernel)(*tuple(_d.values())))

</pallas_src>

<mosaic_0001>
#map = affine_map<(d0, d1) -> (0)>
#map1 = affine_map<(d0, d1) -> (0, 0)>
module attributes {stable_mosaic.version = 14 : i64} {
  func.func @_fm_body(%arg0: i32, %arg1: i32, %arg2: memref<16384xi32, #tpu.memory_space<hbm>>, %arg3: memref<16384xi32, #tpu.memory_space<hbm>>, %arg4: memref<16384xi32, #tpu.memory_space<hbm>>, %arg5: memref<16384xi32, #tpu.memory_space<hbm>>, %arg6: memref<16384xi32, #tpu.memory_space<hbm>>, %arg7: memref<16384xi32, #tpu.memory_space<hbm>>, %arg8: memref<16384xi32, #tpu.memory_space<hbm>>, %arg9: memref<2005453x16xf32, #tpu.memory_space<hbm>>, %arg10: memref<2005453xf32, #tpu.memory_space<hbm>>, %arg11: memref<16384xf32, #tpu.memory_space<hbm>>, %arg12: memref<7x512xi32, #tpu.memory_space<vmem>>, %arg13: memref<1024xi32, #tpu.memory_space<vmem>>, %arg14: memref<5504x16xf32, #tpu.memory_space<vmem>>, %arg15: memref<5520xf32, #tpu.memory_space<vmem>>, %arg16: memref<1024x16xf32, #tpu.memory_space<vmem>>, %arg17: memref<1024xf32, #tpu.memory_space<vmem>>, %arg18: memref<512xf32, #tpu.memory_space<vmem>>, %arg19: memref<!tpu.dma_semaphore, #tpu.memory_space<semaphore_mem>>) attributes {dimension_semantics = [#tpu.dimension_semantics<core_parallel>, #tpu.dimension_semantics<subcore_parallel>], iteration_bounds = array<i64: 2, 16>, scalar_prefetch = 0 : i64, scratch_operands = 8 : i64, tpu.core_type = #tpu.core_type<sc_vector_subcore>, window_params = [{transform_indices = #map}, {transform_indices = #map}, {transform_indices = #map}, {transform_indices = #map}, {transform_indices = #map}, {transform_indices = #map}, {transform_indices = #map}, {transform_indices = #map1}, {transform_indices = #map}, {transform_indices = #map}]} {
    %mul3A = arith.constant 2 : i32
    %mul3A_0 = arith.muli %arg1, %mul3A : i32
    %add3A = arith.addi %mul3A_0, %arg0 : i32
    %mul3A_1 = arith.constant 512 : i32
    %mul3A_2 = arith.muli %add3A, %mul3A_1 : i32
    %iota3A = tpu.iota {dimensions = array<i32: 0>} : vector<16xi32>
    %dma_start3A = arith.constant 0 : i32
    %dma_start3A_3 = arith.constant 0 : i32
    %dma_start3A_4 = tpu.memref_slice %arg12[%dma_start3A, %dma_start3A_3] : memref<7x512xi32, #tpu.memory_space<vmem>> -> memref<1x512xi32, #tpu.memory_space<vmem>>
    %dma_start3A_5 = tpu.memref_squeeze %dma_start3A_4 : memref<1x512xi32, #tpu.memory_space<vmem>> -> memref<512xi32, #tpu.memory_space<vmem>>
    %dma_start3A_6 = tpu.memref_slice %arg2[%mul3A_2] : memref<16384xi32, #tpu.memory_space<hbm>> -> memref<512xi32, #tpu.memory_space<hbm>>
    %dma_start3A_7 = arith.constant 0 : i32
    %dma_start3A_8 = tpu.memref_slice %arg12[%dma_start3A, %dma_start3A_7] : memref<7x512xi32, #tpu.memory_space<vmem>> -> memref<1x512xi32, #tpu.memory_space<vmem>>
    %dma_start3A_9 = tpu.memref_squeeze %dma_start3A_8 : memref<1x512xi32, #tpu.memory_space<vmem>> -> memref<512xi32, #tpu.memory_space<vmem>>
    %dma_start3A_10 = tpu.memref_slice %arg2[%mul3A_2] : memref<16384xi32, #tpu.memory_space<hbm>> -> memref<512xi32, #tpu.memory_space<hbm>>
    tpu.enqueue_dma source(%dma_start3A_10 : memref<512xi32, #tpu.memory_space<hbm>>) target(%dma_start3A_9 : memref<512xi32, #tpu.memory_space<vmem>>) target_semaphore(%arg19 : memref<!tpu.dma_semaphore, #tpu.memory_space<semaphore_mem>>)
    %dma_start3A_11 = arith.constant 1 : i32
    %dma_start3A_12 = arith.constant 0 : i32
    %dma_start3A_13 = tpu.memref_slice %arg12[%dma_start3A_11, %dma_start3A_12] : memref<7x512xi32, #tpu.memory_space<vmem>> -> memref<1x512xi32, #tpu.memory_space<vmem>>
    %dma_start3A_14 = tpu.memref_squeeze %dma_start3A_13 : memref<1x512xi32, #tpu.memory_space<vmem>> -> memref<512xi32, #tpu.memory_space<vmem>>
    %dma_start3A_15 = tpu.memref_slice %arg3[%mul3A_2] : memref<16384xi32, #tpu.memory_space<hbm>> -> memref<512xi32, #tpu.memory_space<hbm>>
    %dma_start3A_16 = arith.constant 0 : i32
    %dma_start3A_17 = tpu.memref_slice %arg12[%dma_start3A_11, %dma_start3A_16] : memref<7x512xi32, #tpu.memory_space<vmem>> -> memref<1x512xi32, #tpu.memory_space<vmem>>
    %dma_start3A_18 = tpu.memref_squeeze %dma_start3A_17 : memref<1x512xi32, #tpu.memory_space<vmem>> -> memref<512xi32, #tpu.memory_space<vmem>>
    %dma_start3A_19 = tpu.memref_slice %arg3[%mul3A_2] : memref<16384xi32, #tpu.memory_space<hbm>> -> memref<512xi32, #tpu.memory_space<hbm>>
    tpu.enqueue_dma source(%dma_start3A_19 : memref<512xi32, #tpu.memory_space<hbm>>) target(%dma_start3A_18 : memref<512xi32, #tpu.memory_space<vmem>>) target_semaphore(%arg19 : memref<!tpu.dma_semaphore, #tpu.memory_space<semaphore_mem>>)
    %dma_start3A_20 = arith.constant 2 : i32
    %dma_start3A_21 = arith.constant 0 : i32
    %dma_start3A_22 = tpu.memref_slice %arg12[%dma_start3A_20, %dma_start3A_21] : memref<7x512xi32, #tpu.memory_space<vmem>> -> memref<1x512xi32, #tpu.memory_space<vmem>>
    %dma_start3A_23 = tpu.memref_squeeze %dma_start3A_22 : memref<1x512xi32, #tpu.memory_space<vmem>> -> memref<512xi32, #tpu.memory_space<vmem>>
    %dma_start3A_24 = tpu.memref_slice %arg4[%mul3A_2] : memref<16384xi32, #tpu.memory_space<hbm>> -> memref<512xi32, #tpu.memory_space<hbm>>
    %dma_start3A_25 = arith.constant 0 : i32
    %dma_start3A_26 = tpu.memref_slice %arg12[%dma_start3A_20, %dma_start3A_25] : memref<7x512xi32, #tpu.memory_space<vmem>> -> memref<1x512xi32, #tpu.memory_space<vmem>>
    %dma_start3A_27 = tpu.memref_squeeze %dma_start3A_26 : memref<1x512xi32, #tpu.memory_space<vmem>> -> memref<512xi32, #tpu.memory_space<vmem>>
    %dma_start3A_28 = tpu.memref_slice %arg4[%mul3A_2] : memref<16384xi32, #tpu.memory_space<hbm>> -> memref<512xi32, #tpu.memory_space<hbm>>
    tpu.enqueue_dma source(%dma_start3A_28 : memref<512xi32, #tpu.memory_space<hbm>>) target(%dma_start3A_27 : memref<512xi32, #tpu.memory_space<vmem>>) target_semaphore(%arg19 : memref<!tpu.dma_semaphore, #tpu.memory_space<semaphore_mem>>)
    %dma_start3A_29 = arith.constant 3 : i32
    %dma_start3A_30 = arith.constant 0 : i32
    %dma_start3A_31 = tpu.memref_slice %arg12[%dma_start3A_29, %dma_start3A_30] : memref<7x512xi32, #tpu.memory_space<vmem>> -> memref<1x512xi32, #tpu.memory_space<vmem>>
    %dma_start3A_32 = tpu.memref_squeeze %dma_start3A_31 : memref<1x512xi32, #tpu.memory_space<vmem>> -> memref<512xi32, #tpu.memory_space<vmem>>
    %dma_start3A_33 = tpu.memref_slice %arg5[%mul3A_2] : memref<16384xi32, #tpu.memory_space<hbm>> -> memref<512xi32, #tpu.memory_space<hbm>>
    %dma_start3A_34 = arith.constant 0 : i32
    %dma_start3A_35 = tpu.memref_slice %arg12[%dma_start3A_29, %dma_start3A_34] : memref<7x512xi32, #tpu.memory_space<vmem>> -> memref<1x512xi32, #tpu.memory_space<vmem>>
    %dma_start3A_36 = tpu.memref_squeeze %dma_start3A_35 : memref<1x512xi32, #tpu.memory_space<vmem>> -> memref<512xi32, #tpu.memory_space<vmem>>
    %dma_start3A_37 = tpu.memref_slice %arg5[%mul3A_2] : memref<16384xi32, #tpu.memory_space<hbm>> -> memref<512xi32, #tpu.memory_space<hbm>>
    tpu.enqueue_dma source(%dma_start3A_37 : memref<512xi32, #tpu.memory_space<hbm>>) target(%dma_start3A_36 : memref<512xi32, #tpu.memory_space<vmem>>) target_semaphore(%arg19 : memref<!tpu.dma_semaphore, #tpu.memory_space<semaphore_mem>>)
    %dma_start3A_38 = arith.constant 4 : i32
    %dma_start3A_39 = arith.constant 0 : i32
    %dma_start3A_40 = tpu.memref_slice %arg12[%dma_start3A_38, %dma_start3A_39] : memref<7x512xi32, #tpu.memory_space<vmem>> -> memref<1x512xi32, #tpu.memory_space<vmem>>
    %dma_start3A_41 = tpu.memref_squeeze %dma_start3A_40 : memref<1x512xi32, #tpu.memory_space<vmem>> -> memref<512xi32, #tpu.memory_space<vmem>>
    %dma_start3A_42 = tpu.memref_slice %arg6[%mul3A_2] : memref<16384xi32, #tpu.memory_space<hbm>> -> memref<512xi32, #tpu.memory_space<hbm>>
    %dma_start3A_43 = arith.constant 0 : i32
    %dma_start3A_44 = tpu.memref_slice %arg12[%dma_start3A_38, %dma_start3A_43] : memref<7x512xi32, #tpu.memory_space<vmem>> -> memref<1x512xi32, #tpu.memory_space<vmem>>
    %dma_start3A_45 = tpu.memref_squeeze %dma_start3A_44 : memref<1x512xi32, #tpu.memory_space<vmem>> -> memref<512xi32, #tpu.memory_space<vmem>>
    %dma_start3A_46 = tpu.memref_slice %arg6[%mul3A_2] : memref<16384xi32, #tpu.memory_space<hbm>> -> memref<512xi32, #tpu.memory_space<hbm>>
    tpu.enqueue_dma source(%dma_start3A_46 : memref<512xi32, #tpu.memory_space<hbm>>) target(%dma_start3A_45 : memref<512xi32, #tpu.memory_space<vmem>>) target_semaphore(%arg19 : memref<!tpu.dma_semaphore, #tpu.memory_space<semaphore_mem>>)
    %dma_start3A_47 = arith.constant 5 : i32
    %dma_start3A_48 = arith.constant 0 : i32
    %dma_start3A_49 = tpu.memref_slice %arg12[%dma_start3A_47, %dma_start3A_48] : memref<7x512xi32, #tpu.memory_space<vmem>> -> memref<1x512xi32, #tpu.memory_space<vmem>>
    %dma_start3A_50 = tpu.memref_squeeze %dma_start3A_49 : memref<1x512xi32, #tpu.memory_space<vmem>> -> memref<512xi32, #tpu.memory_space<vmem>>
    %dma_start3A_51 = tpu.memref_slice %arg7[%mul3A_2] : memref<16384xi32, #tpu.memory_space<hbm>> -> memref<512xi32, #tpu.memory_space<hbm>>
    %dma_start3A_52 = arith.constant 0 : i32
    %dma_start3A_53 = tpu.memref_slice %arg12[%dma_start3A_47, %dma_start3A_52] : memref<7x512xi32, #tpu.memory_space<vmem>> -> memref<1x512xi32, #tpu.memory_space<vmem>>
    %dma_start3A_54 = tpu.memref_squeeze %dma_start3A_53 : memref<1x512xi32, #tpu.memory_space<vmem>> -> memref<512xi32, #tpu.memory_space<vmem>>
    %dma_start3A_55 = tpu.memref_slice %arg7[%mul3A_2] : memref<16384xi32, #tpu.memory_space<hbm>> -> memref<512xi32, #tpu.memory_space<hbm>>
    tpu.enqueue_dma source(%dma_start3A_55 : memref<512xi32, #tpu.memory_space<hbm>>) target(%dma_start3A_54 : memref<512xi32, #tpu.memory_space<vmem>>) target_semaphore(%arg19 : memref<!tpu.dma_semaphore, #tpu.memory_space<semaphore_mem>>)
    %dma_start3A_56 = arith.constant 6 : i32
    %dma_start3A_57 = arith.constant 0 : i32
    %dma_start3A_58 = tpu.memref_slice %arg12[%dma_start3A_56, %dma_start3A_57] : memref<7x512xi32, #tpu.memory_space<vmem>> -> memref<1x512xi32, #tpu.memory_space<vmem>>
    %dma_start3A_59 = tpu.memref_squeeze %dma_start3A_58 : memref<1x512xi32, #tpu.memory_space<vmem>> -> memref<512xi32, #tpu.memory_space<vmem>>
    %dma_start3A_60 = tpu.memref_slice %arg8[%mul3A_2] : memref<16384xi32, #tpu.memory_space<hbm>> -> memref<512xi32, #tpu.memory_space<hbm>>
    %dma_start3A_61 = arith.constant 0 : i32
    %dma_start3A_62 = tpu.memref_slice %arg12[%dma_start3A_56, %dma_start3A_61] : memref<7x512xi32, #tpu.memory_space<vmem>> -> memref<1x512xi32, #tpu.memory_space<vmem>>
    %dma_start3A_63 = tpu.memref_squeeze %dma_start3A_62 : memref<1x512xi32, #tpu.memory_space<vmem>> -> memref<512xi32, #tpu.memory_space<vmem>>
    %dma_start3A_64 = tpu.memref_slice %arg8[%mul3A_2] : memref<16384xi32, #tpu.memory_space<hbm>> -> memref<512xi32, #tpu.memory_space<hbm>>
    tpu.enqueue_dma source(%dma_start3A_64 : memref<512xi32, #tpu.memory_space<hbm>>) target(%dma_start3A_63 : memref<512xi32, #tpu.memory_space<vmem>>) target_semaphore(%arg19 : memref<!tpu.dma_semaphore, #tpu.memory_space<semaphore_mem>>)
    %dma_start3A_65 = arith.constant 0 : i32
    %dma_start3A_66 = arith.constant 0 : i32
    %dma_start3A_67 = tpu.memref_slice %arg14[%dma_start3A_65, %dma_start3A_66] : memref<5504x16xf32, #tpu.memory_space<vmem>> -> memref<16x16xf32, #tpu.memory_space<vmem>>
    %dma_start3A_68 = arith.constant 1000000 : i32
    %dma_start3A_69 = arith.constant 0 : i32
    %dma_start3A_70 = tpu.memref_slice %arg9[%dma_start3A_68, %dma_start3A_69] : memref<2005453x16xf32, #tpu.memory_space<hbm>> -> memref<16x16xf32, #tpu.memory_space<hbm>>
    %dma_start3A_71 = arith.constant 0 : i32
    %dma_start3A_72 = arith.constant 0 : i32
    %dma_start3A_73 = tpu.memref_slice %arg14[%dma_start3A_71, %dma_start3A_72] : memref<5504x16xf32, #tpu.memory_space<vmem>> -> memref<16x16xf32, #tpu.memory_space<vmem>>
    %dma_start3A_74 = arith.constant 1000000 : i32
    %dma_start3A_75 = arith.constant 0 : i32
    %dma_start3A_76 = tpu.memref_slice %arg9[%dma_start3A_74, %dma_start3A_75] : memref<2005453x16xf32, #tpu.memory_space<hbm>> -> memref<16x16xf32, #tpu.memory_space<hbm>>
    tpu.enqueue_dma source(%dma_start3A_76 : memref<16x16xf32, #tpu.memory_space<hbm>>) target(%dma_start3A_73 : memref<16x16xf32, #tpu.memory_space<vmem>>) target_semaphore(%arg19 : memref<!tpu.dma_semaphore, #tpu.memory_space<semaphore_mem>>)
    %dma_start3A_77 = arith.constant 0 : i32
    %dma_start3A_78 = tpu.memref_slice %arg15[%dma_start3A_77] : memref<5520xf32, #tpu.memory_space<vmem>> -> memref<16xf32, #tpu.memory_space<vmem>>
    %dma_start3A_79 = arith.constant 1000000 : i32
    %dma_start3A_80 = tpu.memref_slice %arg10[%dma_start3A_79] : memref<2005453xf32, #tpu.memory_space<hbm>> -> memref<16xf32, #tpu.memory_space<hbm>>
    %dma_start3A_81 = arith.constant 0 : i32
    %dma_start3A_82 = tpu.memref_slice %arg15[%dma_start3A_81] : memref<5520xf32, #tpu.memory_space<vmem>> -> memref<16xf32, #tpu.memory_space<vmem>>
    %dma_start3A_83 = arith.constant 1000000 : i32
    %dma_start3A_84 = tpu.memref_slice %arg10[%dma_start3A_83] : memref<2005453xf32, #tpu.memory_space<hbm>> -> memref<16xf32, #tpu.memory_space<hbm>>
    tpu.enqueue_dma source(%dma_start3A_84 : memref<16xf32, #tpu.memory_space<hbm>>) target(%dma_start3A_82 : memref<16xf32, #tpu.memory_space<vmem>>) target_semaphore(%arg19 : memref<!tpu.dma_semaphore, #tpu.memory_space<semaphore_mem>>)
    %dma_start3A_85 = arith.constant 16 : i32
    %dma_start3A_86 = arith.constant 0 : i32
    %dma_start3A_87 = tpu.memref_slice %arg14[%dma_start3A_85, %dma_start3A_86] : memref<5504x16xf32, #tpu.memory_space<vmem>> -> memref<112x16xf32, #tpu.memory_space<vmem>>
    %dma_start3A_88 = arith.constant 1000000 : i32
    %dma_start3A_89 = arith.constant 0 : i32
    %dma_start3A_90 = tpu.memref_slice %arg9[%dma_start3A_88, %dma_start3A_89] : memref<2005453x16xf32, #tpu.memory_space<hbm>> -> memref<112x16xf32, #tpu.memory_space<hbm>>
    %dma_start3A_91 = arith.constant 16 : i32
    %dma_start3A_92 = arith.constant 0 : i32
    %dma_start3A_93 = tpu.memref_slice %arg14[%dma_start3A_91, %dma_start3A_92] : memref<5504x16xf32, #tpu.memory_space<vmem>> -> memref<112x16xf32, #tpu.memory_space<vmem>>
    %dma_start3A_94 = arith.constant 1000000 : i32
    %dma_start3A_95 = arith.constant 0 : i32
    %dma_start3A_96 = tpu.memref_slice %arg9[%dma_start3A_94, %dma_start3A_95] : memref<2005453x16xf32, #tpu.memory_space<hbm>> -> memref<112x16xf32, #tpu.memory_space<hbm>>
    tpu.enqueue_dma source(%dma_start3A_96 : memref<112x16xf32, #tpu.memory_space<hbm>>) target(%dma_start3A_93 : memref<112x16xf32, #tpu.memory_space<vmem>>) target_semaphore(%arg19 : memref<!tpu.dma_semaphore, #tpu.memory_space<semaphore_mem>>)
    %dma_start3A_97 = arith.constant 16 : i32
    %dma_start3A_98 = tpu.memref_slice %arg15[%dma_start3A_97] : memref<5520xf32, #tpu.memory_space<vmem>> -> memref<112xf32, #tpu.memory_space<vmem>>
    %dma_start3A_99 = arith.constant 1000000 : i32
    %dma_start3A_100 = tpu.memref_slice %arg10[%dma_start3A_99] : memref<2005453xf32, #tpu.memory_space<hbm>> -> memref<112xf32, #tpu.memory_space<hbm>>
    %dma_start3A_101 = arith.constant 16 : i32
    %dma_start3A_102 = tpu.memref_slice %arg15[%dma_start3A_101] : memref<5520xf32, #tpu.memory_space<vmem>> -> memref<112xf32, #tpu.memory_space<vmem>>
    %dma_start3A_103 = arith.constant 1000000 : i32
    %dma_start3A_104 = tpu.memref_slice %arg10[%dma_start3A_103] : memref<2005453xf32, #tpu.memory_space<hbm>> -> memref<112xf32, #tpu.memory_space<hbm>>
    tpu.enqueue_dma source(%dma_start3A_104 : memref<112xf32, #tpu.memory_space<hbm>>) target(%dma_start3A_102 : memref<112xf32, #tpu.memory_space<vmem>>) target_semaphore(%arg19 : memref<!tpu.dma_semaphore, #tpu.memory_space<semaphore_mem>>)
    %dma_start3A_105 = arith.constant 128 : i32
    %dma_start3A_106 = arith.constant 0 : i32
    %dma_start3A_107 = tpu.memref_slice %arg14[%dma_start3A_105, %dma_start3A_106] : memref<5504x16xf32, #tpu.memory_space<vmem>> -> memref<64x16xf32, #tpu.memory_space<vmem>>
    %dma_start3A_108 = arith.constant 1000096 : i32
    %dma_start3A_109 = arith.constant 0 : i32
    %dma_start3A_110 = tpu.memref_slice %arg9[%dma_start3A_108, %dma_start3A_109] : memref<2005453x16xf32, #tpu.memory_space<hbm>> -> memref<64x16xf32, #tpu.memory_space<hbm>>
    %dma_start3A_111 = arith.constant 128 : i32
    %dma_start3A_112 = arith.constant 0 : i32
    %dma_start3A_113 = tpu.memref_slice %arg14[%dma_start3A_111, %dma_start3A_112] : memref<5504x16xf32, #tpu.memory_space<vmem>> -> memref<64x16xf32, #tpu.memory_space<vmem>>
    %dma_start3A_114 = arith.constant 1000096 : i32
    %dma_start3A_115 = arith.constant 0 : i32
    %dma_start3A_116 = tpu.memref_slice %arg9[%dma_start3A_114, %dma_start3A_115] : memref<2005453x16xf32, #tpu.memory_space<hbm>> -> memref<64x16xf32, #tpu.memory_space<hbm>>
    tpu.enqueue_dma source(%dma_start3A_116 : memref<64x16xf32, #tpu.memory_space<hbm>>) target(%dma_start3A_113 : memref<64x16xf32, #tpu.memory_space<vmem>>) target_semaphore(%arg19 : memref<!tpu.dma_semaphore, #tpu.memory_space<semaphore_mem>>)
    %dma_start3A_117 = arith.constant 128 : i32
    %dma_start3A_118 = tpu.memref_slice %arg15[%dma_start3A_117] : memref<5520xf32, #tpu.memory_space<vmem>> -> memref<64xf32, #tpu.memory_space<vmem>>
    %dma_start3A_119 = arith.constant 1000096 : i32
    %dma_start3A_120 = tpu.memref_slice %arg10[%dma_start3A_119] : memref<2005453xf32, #tpu.memory_space<hbm>> -> memref<64xf32, #tpu.memory_space<hbm>>
    %dma_start3A_121 = arith.constant 128 : i32
    %dma_start3A_122 = tpu.memref_slice %arg15[%dma_start3A_121] : memref<5520xf32, #tpu.memory_space<vmem>> -> memref<64xf32, #tpu.memory_space<vmem>>
    %dma_start3A_123 = arith.constant 1000096 : i32
    %dma_start3A_124 = tpu.memref_slice %arg10[%dma_start3A_123] : memref<2005453xf32, #tpu.memory_space<hbm>> -> memref<64xf32, #tpu.memory_space<hbm>>
    tpu.enqueue_dma source(%dma_start3A_124 : memref<64xf32, #tpu.memory_space<hbm>>) target(%dma_start3A_122 : memref<64xf32, #tpu.memory_space<vmem>>) target_semaphore(%arg19 : memref<!tpu.dma_semaphore, #tpu.memory_space<semaphore_mem>>)
    %dma_start3A_125 = arith.constant 192 : i32
    %dma_start3A_126 = arith.constant 0 : i32
    %dma_start3A_127 = tpu.memref_slice %arg14[%dma_start3A_125, %dma_start3A_126] : memref<5504x16xf32, #tpu.memory_space<vmem>> -> memref<301x16xf32, #tpu.memory_space<vmem>>
    %dma_start3A_128 = arith.constant 2005152 : i32
    %dma_start3A_129 = arith.constant 0 : i32
    %dma_start3A_130 = tpu.memref_slice %arg9[%dma_start3A_128, %dma_start3A_129] : memref<2005453x16xf32, #tpu.memory_space<hbm>> -> memref<301x16xf32, #tpu.memory_space<hbm>>
    %dma_start3A_131 = arith.constant 192 : i32
    %dma_start3A_132 = arith.constant 0 : i32
    %dma_start3A_133 = tpu.memref_slice %arg14[%dma_start3A_131, %dma_start3A_132] : memref<5504x16xf32, #tpu.memory_space<vmem>> -> memref<301x16xf32, #tpu.memory_space<vmem>>
    %dma_start3A_134 = arith.constant 2005152 : i32
    %dma_start3A_135 = arith.constant 0 : i32
    %dma_start3A_136 = tpu.memref_slice %arg9[%dma_start3A_134, %dma_start3A_135] : memref<2005453x16xf32, #tpu.memory_space<hbm>> -> memref<301x16xf32, #tpu.memory_space<hbm>>
    tpu.enqueue_dma source(%dma_start3A_136 : memref<301x16xf32, #tpu.memory_space<hbm>>) target(%dma_start3A_133 : memref<301x16xf32, #tpu.memory_space<vmem>>) target_semaphore(%arg19 : memref<!tpu.dma_semaphore, #tpu.memory_space<semaphore_mem>>)
    %dma_start3A_137 = arith.constant 192 : i32
    %dma_start3A_138 = tpu.memref_slice %arg15[%dma_start3A_137] : memref<5520xf32, #tpu.memory_space<vmem>> -> memref<301xf32, #tpu.memory_space<vmem>>
    %dma_start3A_139 = arith.constant 2005152 : i32
    %dma_start3A_140 = tpu.memref_slice %arg10[%dma_start3A_139] : memref<2005453xf32, #tpu.memory_space<hbm>> -> memref<301xf32, #tpu.memory_space<hbm>>
    %dma_start3A_141 = arith.constant 192 : i32
    %dma_start3A_142 = tpu.memref_slice %arg15[%dma_start3A_141] : memref<5520xf32, #tpu.memory_space<vmem>> -> memref<301xf32, #tpu.memory_space<vmem>>
    %dma_start3A_143 = arith.constant 2005152 : i32
    %dma_start3A_144 = tpu.memref_slice %arg10[%dma_start3A_143] : memref<2005453xf32, #tpu.memory_space<hbm>> -> memref<301xf32, #tpu.memory_space<hbm>>
    tpu.enqueue_dma source(%dma_start3A_144 : memref<301xf32, #tpu.memory_space<hbm>>) target(%dma_start3A_142 : memref<301xf32, #tpu.memory_space<vmem>>) target_semaphore(%arg19 : memref<!tpu.dma_semaphore, #tpu.memory_space<semaphore_mem>>)
    %dma_start3A_145 = arith.constant 496 : i32
    %dma_start3A_146 = arith.constant 0 : i32
    %dma_start3A_147 = tpu.memref_slice %arg14[%dma_start3A_145, %dma_start3A_146] : memref<5504x16xf32, #tpu.memory_space<vmem>> -> memref<5008x16xf32, #tpu.memory_space<vmem>>
    %dma_start3A_148 = arith.constant 2000152 : i32
    %dma_start3A_149 = arith.constant 0 : i32
    %dma_start3A_150 = tpu.memref_slice %arg9[%dma_start3A_148, %dma_start3A_149] : memref<2005453x16xf32, #tpu.memory_space<hbm>> -> memref<5008x16xf32, #tpu.memory_space<hbm>>
    %dma_start3A_151 = arith.constant 496 : i32
    %dma_start3A_152 = arith.constant 0 : i32
    %dma_start3A_153 = tpu.memref_slice %arg14[%dma_start3A_151, %dma_start3A_152] : memref<5504x16xf32, #tpu.memory_space<vmem>> -> memref<5008x16xf32, #tpu.memory_space<vmem>>
    %dma_start3A_154 = arith.constant 2000152 : i32
    %dma_start3A_155 = arith.constant 0 : i32
    %dma_start3A_156 = tpu.memref_slice %arg9[%dma_start3A_154, %dma_start3A_155] : memref<2005453x16xf32, #tpu.memory_space<hbm>> -> memref<5008x16xf32, #tpu.memory_space<hbm>>
    tpu.enqueue_dma source(%dma_start3A_156 : memref<5008x16xf32, #tpu.memory_space<hbm>>) target(%dma_start3A_153 : memref<5008x16xf32, #tpu.memory_space<vmem>>) target_semaphore(%arg19 : memref<!tpu.dma_semaphore, #tpu.memory_space<semaphore_mem>>)
    %dma_start3A_157 = arith.constant 496 : i32
    %dma_start3A_158 = tpu.memref_slice %arg15[%dma_start3A_157] : memref<5520xf32, #tpu.memory_space<vmem>> -> memref<5008xf32, #tpu.memory_space<vmem>>
    %dma_start3A_159 = arith.constant 2000152 : i32
    %dma_start3A_160 = tpu.memref_slice %arg10[%dma_start3A_159] : memref<2005453xf32, #tpu.memory_space<hbm>> -> memref<5008xf32, #tpu.memory_space<hbm>>
    %dma_start3A_161 = arith.constant 496 : i32
    %dma_start3A_162 = tpu.memref_slice %arg15[%dma_start3A_161] : memref<5520xf32, #tpu.memory_space<vmem>> -> memref<5008xf32, #tpu.memory_space<vmem>>
    %dma_start3A_163 = arith.constant 2000152 : i32
    %dma_start3A_164 = tpu.memref_slice %arg10[%dma_start3A_163] : memref<2005453xf32, #tpu.memory_space<hbm>> -> memref<5008xf32, #tpu.memory_space<hbm>>
    tpu.enqueue_dma source(%dma_start3A_164 : memref<5008xf32, #tpu.memory_space<hbm>>) target(%dma_start3A_162 : memref<5008xf32, #tpu.memory_space<vmem>>) target_semaphore(%arg19 : memref<!tpu.dma_semaphore, #tpu.memory_space<semaphore_mem>>)
    %dma_wait3A = arith.constant 0 : i32
    %dma_wait3A_165 = arith.constant 0 : i32
    %dma_wait3A_166 = tpu.memref_slice %arg12[%dma_wait3A, %dma_wait3A_165] : memref<7x512xi32, #tpu.memory_space<vmem>> -> memref<1x512xi32, #tpu.memory_space<vmem>>
    %dma_wait3A_167 = tpu.memref_squeeze %dma_wait3A_166 : memref<1x512xi32, #tpu.memory_space<vmem>> -> memref<512xi32, #tpu.memory_space<vmem>>
    %dma_wait3A_168 = tpu.memref_slice %arg2[%mul3A_2] : memref<16384xi32, #tpu.memory_space<hbm>> -> memref<512xi32, #tpu.memory_space<hbm>>
    %dma_wait3A_169 = arith.constant 0 : i32
    %dma_wait3A_170 = tpu.memref_slice %arg12[%dma_wait3A, %dma_wait3A_169] : memref<7x512xi32, #tpu.memory_space<vmem>> -> memref<1x512xi32, #tpu.memory_space<vmem>>
    %dma_wait3A_171 = tpu.memref_squeeze %dma_wait3A_170 : memref<1x512xi32, #tpu.memory_space<vmem>> -> memref<512xi32, #tpu.memory_space<vmem>>
    %dma_wait3A_172 = tpu.memref_slice %arg2[%mul3A_2] : memref<16384xi32, #tpu.memory_space<hbm>> -> memref<512xi32, #tpu.memory_space<hbm>>
    tpu.wait_dma2 semaphore(%arg19 : memref<!tpu.dma_semaphore, #tpu.memory_space<semaphore_mem>>) src(%dma_wait3A_172 : memref<512xi32, #tpu.memory_space<hbm>>) dst(%dma_wait3A_171 : memref<512xi32, #tpu.memory_space<vmem>>)
    %dma_wait3A_173 = arith.constant 1 : i32
    %dma_wait3A_174 = arith.constant 0 : i32
    %dma_wait3A_175 = tpu.memref_slice %arg12[%dma_wait3A_173, %dma_wait3A_174] : memref<7x512xi32, #tpu.memory_space<vmem>> -> memref<1x512xi32, #tpu.memory_space<vmem>>
    %dma_wait3A_176 = tpu.memref_squeeze %dma_wait3A_175 : memref<1x512xi32, #tpu.memory_space<vmem>> -> memref<512xi32, #tpu.memory_space<vmem>>
    %dma_wait3A_177 = tpu.memref_slice %arg3[%mul3A_2] : memref<16384xi32, #tpu.memory_space<hbm>> -> memref<512xi32, #tpu.memory_space<hbm>>
    %dma_wait3A_178 = arith.constant 0 : i32
    %dma_wait3A_179 = tpu.memref_slice %arg12[%dma_wait3A_173, %dma_wait3A_178] : memref<7x512xi32, #tpu.memory_space<vmem>> -> memref<1x512xi32, #tpu.memory_space<vmem>>
    %dma_wait3A_180 = tpu.memref_squeeze %dma_wait3A_179 : memref<1x512xi32, #tpu.memory_space<vmem>> -> memref<512xi32, #tpu.memory_space<vmem>>
    %dma_wait3A_181 = tpu.memref_slice %arg3[%mul3A_2] : memref<16384xi32, #tpu.memory_space<hbm>> -> memref<512xi32, #tpu.memory_space<hbm>>
    tpu.wait_dma2 semaphore(%arg19 : memref<!tpu.dma_semaphore, #tpu.memory_space<semaphore_mem>>) src(%dma_wait3A_181 : memref<512xi32, #tpu.memory_space<hbm>>) dst(%dma_wait3A_180 : memref<512xi32, #tpu.memory_space<vmem>>)
    %dma_wait3A_182 = arith.constant 2 : i32
    %dma_wait3A_183 = arith.constant 0 : i32
    %dma_wait3A_184 = tpu.memref_slice %arg12[%dma_wait3A_182, %dma_wait3A_183] : memref<7x512xi32, #tpu.memory_space<vmem>> -> memref<1x512xi32, #tpu.memory_space<vmem>>
    %dma_wait3A_185 = tpu.memref_squeeze %dma_wait3A_184 : memref<1x512xi32, #tpu.memory_space<vmem>> -> memref<512xi32, #tpu.memory_space<vmem>>
    %dma_wait3A_186 = tpu.memref_slice %arg4[%mul3A_2] : memref<16384xi32, #tpu.memory_space<hbm>> -> memref<512xi32, #tpu.memory_space<hbm>>
    %dma_wait3A_187 = arith.constant 0 : i32
    %dma_wait3A_188 = tpu.memref_slice %arg12[%dma_wait3A_182, %dma_wait3A_187] : memref<7x512xi32, #tpu.memory_space<vmem>> -> memref<1x512xi32, #tpu.memory_space<vmem>>
    %dma_wait3A_189 = tpu.memref_squeeze %dma_wait3A_188 : memref<1x512xi32, #tpu.memory_space<vmem>> -> memref<512xi32, #tpu.memory_space<vmem>>
    %dma_wait3A_190 = tpu.memref_slice %arg4[%mul3A_2] : memref<16384xi32, #tpu.memory_space<hbm>> -> memref<512xi32, #tpu.memory_space<hbm>>
    tpu.wait_dma2 semaphore(%arg19 : memref<!tpu.dma_semaphore, #tpu.memory_space<semaphore_mem>>) src(%dma_wait3A_190 : memref<512xi32, #tpu.memory_space<hbm>>) dst(%dma_wait3A_189 : memref<512xi32, #tpu.memory_space<vmem>>)
    %dma_wait3A_191 = arith.constant 3 : i32
    %dma_wait3A_192 = arith.constant 0 : i32
    %dma_wait3A_193 = tpu.memref_slice %arg12[%dma_wait3A_191, %dma_wait3A_192] : memref<7x512xi32, #tpu.memory_space<vmem>> -> memref<1x512xi32, #tpu.memory_space<vmem>>
    %dma_wait3A_194 = tpu.memref_squeeze %dma_wait3A_193 : memref<1x512xi32, #tpu.memory_space<vmem>> -> memref<512xi32, #tpu.memory_space<vmem>>
    %dma_wait3A_195 = tpu.memref_slice %arg5[%mul3A_2] : memref<16384xi32, #tpu.memory_space<hbm>> -> memref<512xi32, #tpu.memory_space<hbm>>
    %dma_wait3A_196 = arith.constant 0 : i32
    %dma_wait3A_197 = tpu.memref_slice %arg12[%dma_wait3A_191, %dma_wait3A_196] : memref<7x512xi32, #tpu.memory_space<vmem>> -> memref<1x512xi32, #tpu.memory_space<vmem>>
    %dma_wait3A_198 = tpu.memref_squeeze %dma_wait3A_197 : memref<1x512xi32, #tpu.memory_space<vmem>> -> memref<512xi32, #tpu.memory_space<vmem>>
    %dma_wait3A_199 = tpu.memref_slice %arg5[%mul3A_2] : memref<16384xi32, #tpu.memory_space<hbm>> -> memref<512xi32, #tpu.memory_space<hbm>>
    tpu.wait_dma2 semaphore(%arg19 : memref<!tpu.dma_semaphore, #tpu.memory_space<semaphore_mem>>) src(%dma_wait3A_199 : memref<512xi32, #tpu.memory_space<hbm>>) dst(%dma_wait3A_198 : memref<512xi32, #tpu.memory_space<vmem>>)
    %dma_wait3A_200 = arith.constant 4 : i32
    %dma_wait3A_201 = arith.constant 0 : i32
    %dma_wait3A_202 = tpu.memref_slice %arg12[%dma_wait3A_200, %dma_wait3A_201] : memref<7x512xi32, #tpu.memory_space<vmem>> -> memref<1x512xi32, #tpu.memory_space<vmem>>
    %dma_wait3A_203 = tpu.memref_squeeze %dma_wait3A_202 : memref<1x512xi32, #tpu.memory_space<vmem>> -> memref<512xi32, #tpu.memory_space<vmem>>
    %dma_wait3A_204 = tpu.memref_slice %arg6[%mul3A_2] : memref<16384xi32, #tpu.memory_space<hbm>> -> memref<512xi32, #tpu.memory_space<hbm>>
    %dma_wait3A_205 = arith.constant 0 : i32
    %dma_wait3A_206 = tpu.memref_slice %arg12[%dma_wait3A_200, %dma_wait3A_205] : memref<7x512xi32, #tpu.memory_space<vmem>> -> memref<1x512xi32, #tpu.memory_space<vmem>>
    %dma_wait3A_207 = tpu.memref_squeeze %dma_wait3A_206 : memref<1x512xi32, #tpu.memory_space<vmem>> -> memref<512xi32, #tpu.memory_space<vmem>>
    %dma_wait3A_208 = tpu.memref_slice %arg6[%mul3A_2] : memref<16384xi32, #tpu.memory_space<hbm>> -> memref<512xi32, #tpu.memory_space<hbm>>
    tpu.wait_dma2 semaphore(%arg19 : memref<!tpu.dma_semaphore, #tpu.memory_space<semaphore_mem>>) src(%dma_wait3A_208 : memref<512xi32, #tpu.memory_space<hbm>>) dst(%dma_wait3A_207 : memref<512xi32, #tpu.memory_space<vmem>>)
    %dma_wait3A_209 = arith.constant 5 : i32
    %dma_wait3A_210 = arith.constant 0 : i32
    %dma_wait3A_211 = tpu.memref_slice %arg12[%dma_wait3A_209, %dma_wait3A_210] : memref<7x512xi32, #tpu.memory_space<vmem>> -> memref<1x512xi32, #tpu.memory_space<vmem>>
    %dma_wait3A_212 = tpu.memref_squeeze %dma_wait3A_211 : memref<1x512xi32, #tpu.memory_space<vmem>> -> memref<512xi32, #tpu.memory_space<vmem>>
    %dma_wait3A_213 = tpu.memref_slice %arg7[%mul3A_2] : memref<16384xi32, #tpu.memory_space<hbm>> -> memref<512xi32, #tpu.memory_space<hbm>>
    %dma_wait3A_214 = arith.constant 0 : i32
    %dma_wait3A_215 = tpu.memref_slice %arg12[%dma_wait3A_209, %dma_wait3A_214] : memref<7x512xi32, #tpu.memory_space<vmem>> -> memref<1x512xi32, #tpu.memory_space<vmem>>
    %dma_wait3A_216 = tpu.memref_squeeze %dma_wait3A_215 : memref<1x512xi32, #tpu.memory_space<vmem>> -> memref<512xi32, #tpu.memory_space<vmem>>
    %dma_wait3A_217 = tpu.memref_slice %arg7[%mul3A_2] : memref<16384xi32, #tpu.memory_space<hbm>> -> memref<512xi32, #tpu.memory_space<hbm>>
    tpu.wait_dma2 semaphore(%arg19 : memref<!tpu.dma_semaphore, #tpu.memory_space<semaphore_mem>>) src(%dma_wait3A_217 : memref<512xi32, #tpu.memory_space<hbm>>) dst(%dma_wait3A_216 : memref<512xi32, #tpu.memory_space<vmem>>)
    %dma_wait3A_218 = arith.constant 6 : i32
    %dma_wait3A_219 = arith.constant 0 : i32
    %dma_wait3A_220 = tpu.memref_slice %arg12[%dma_wait3A_218, %dma_wait3A_219] : memref<7x512xi32, #tpu.memory_space<vmem>> -> memref<1x512xi32, #tpu.memory_space<vmem>>
    %dma_wait3A_221 = tpu.memref_squeeze %dma_wait3A_220 : memref<1x512xi32, #tpu.memory_space<vmem>> -> memref<512xi32, #tpu.memory_space<vmem>>
    %dma_wait3A_222 = tpu.memref_slice %arg8[%mul3A_2] : memref<16384xi32, #tpu.memory_space<hbm>> -> memref<512xi32, #tpu.memory_space<hbm>>
    %dma_wait3A_223 = arith.constant 0 : i32
    %dma_wait3A_224 = tpu.memref_slice %arg12[%dma_wait3A_218, %dma_wait3A_223] : memref<7x512xi32, #tpu.memory_space<vmem>> -> memref<1x512xi32, #tpu.memory_space<vmem>>
    %dma_wait3A_225 = tpu.memref_squeeze %dma_wait3A_224 : memref<1x512xi32, #tpu.memory_space<vmem>> -> memref<512xi32, #tpu.memory_space<vmem>>
    %dma_wait3A_226 = tpu.memref_slice %arg8[%mul3A_2] : memref<16384xi32, #tpu.memory_space<hbm>> -> memref<512xi32, #tpu.memory_space<hbm>>
    tpu.wait_dma2 semaphore(%arg19 : memref<!tpu.dma_semaphore, #tpu.memory_space<semaphore_mem>>) src(%dma_wait3A_226 : memref<512xi32, #tpu.memory_space<hbm>>) dst(%dma_wait3A_225 : memref<512xi32, #tpu.memory_space<vmem>>)
    %dma_wait3A_227 = arith.constant 0 : i32
    %dma_wait3A_228 = arith.constant 0 : i32
    %dma_wait3A_229 = tpu.memref_slice %arg14[%dma_wait3A_227, %dma_wait3A_228] : memref<5504x16xf32, #tpu.memory_space<vmem>> -> memref<16x16xf32, #tpu.memory_space<vmem>>
    %dma_wait3A_230 = arith.constant 1000000 : i32
    %dma_wait3A_231 = arith.constant 0 : i32
    %dma_wait3A_232 = tpu.memref_slice %arg9[%dma_wait3A_230, %dma_wait3A_231] : memref<2005453x16xf32, #tpu.memory_space<hbm>> -> memref<16x16xf32, #tpu.memory_space<hbm>>
    %dma_wait3A_233 = arith.constant 0 : i32
    %dma_wait3A_234 = arith.constant 0 : i32
    %dma_wait3A_235 = tpu.memref_slice %arg14[%dma_wait3A_233, %dma_wait3A_234] : memref<5504x16xf32, #tpu.memory_space<vmem>> -> memref<16x16xf32, #tpu.memory_space<vmem>>
    %dma_wait3A_236 = arith.constant 1000000 : i32
    %dma_wait3A_237 = arith.constant 0 : i32
    %dma_wait3A_238 = tpu.memref_slice %arg9[%dma_wait3A_236, %dma_wait3A_237] : memref<2005453x16xf32, #tpu.memory_space<hbm>> -> memref<16x16xf32, #tpu.memory_space<hbm>>
    tpu.wait_dma2 semaphore(%arg19 : memref<!tpu.dma_semaphore, #tpu.memory_space<semaphore_mem>>) src(%dma_wait3A_238 : memref<16x16xf32, #tpu.memory_space<hbm>>) dst(%dma_wait3A_235 : memref<16x16xf32, #tpu.memory_space<vmem>>)
    %dma_wait3A_239 = arith.constant 0 : i32
    %dma_wait3A_240 = tpu.memref_slice %arg15[%dma_wait3A_239] : memref<5520xf32, #tpu.memory_space<vmem>> -> memref<16xf32, #tpu.memory_space<vmem>>
    %dma_wait3A_241 = arith.constant 1000000 : i32
    %dma_wait3A_242 = tpu.memref_slice %arg10[%dma_wait3A_241] : memref<2005453xf32, #tpu.memory_space<hbm>> -> memref<16xf32, #tpu.memory_space<hbm>>
    %dma_wait3A_243 = arith.constant 0 : i32
    %dma_wait3A_244 = tpu.memref_slice %arg15[%dma_wait3A_243] : memref<5520xf32, #tpu.memory_space<vmem>> -> memref<16xf32, #tpu.memory_space<vmem>>
    %dma_wait3A_245 = arith.constant 1000000 : i32
    %dma_wait3A_246 = tpu.memref_slice %arg10[%dma_wait3A_245] : memref<2005453xf32, #tpu.memory_space<hbm>> -> memref<16xf32, #tpu.memory_space<hbm>>
    tpu.wait_dma2 semaphore(%arg19 : memref<!tpu.dma_semaphore, #tpu.memory_space<semaphore_mem>>) src(%dma_wait3A_246 : memref<16xf32, #tpu.memory_space<hbm>>) dst(%dma_wait3A_244 : memref<16xf32, #tpu.memory_space<vmem>>)
    %dma_wait3A_247 = arith.constant 16 : i32
    %dma_wait3A_248 = arith.constant 0 : i32
    %dma_wait3A_249 = tpu.memref_slice %arg14[%dma_wait3A_247, %dma_wait3A_248] : memref<5504x16xf32, #tpu.memory_space<vmem>> -> memref<112x16xf32, #tpu.memory_space<vmem>>
    %dma_wait3A_250 = arith.constant 1000000 : i32
    %dma_wait3A_251 = arith.constant 0 : i32
    %dma_wait3A_252 = tpu.memref_slice %arg9[%dma_wait3A_250, %dma_wait3A_251] : memref<2005453x16xf32, #tpu.memory_space<hbm>> -> memref<112x16xf32, #tpu.memory_space<hbm>>
    %dma_wait3A_253 = arith.constant 16 : i32
    %dma_wait3A_254 = arith.constant 0 : i32
    %dma_wait3A_255 = tpu.memref_slice %arg14[%dma_wait3A_253, %dma_wait3A_254] : memref<5504x16xf32, #tpu.memory_space<vmem>> -> memref<112x16xf32, #tpu.memory_space<vmem>>
    %dma_wait3A_256 = arith.constant 1000000 : i32
    %dma_wait3A_257 = arith.constant 0 : i32
    %dma_wait3A_258 = tpu.memref_slice %arg9[%dma_wait3A_256, %dma_wait3A_257] : memref<2005453x16xf32, #tpu.memory_space<hbm>> -> memref<112x16xf32, #tpu.memory_space<hbm>>
    tpu.wait_dma2 semaphore(%arg19 : memref<!tpu.dma_semaphore, #tpu.memory_space<semaphore_mem>>) src(%dma_wait3A_258 : memref<112x16xf32, #tpu.memory_space<hbm>>) dst(%dma_wait3A_255 : memref<112x16xf32, #tpu.memory_space<vmem>>)
    %dma_wait3A_259 = arith.constant 16 : i32
    %dma_wait3A_260 = tpu.memref_slice %arg15[%dma_wait3A_259] : memref<5520xf32, #tpu.memory_space<vmem>> -> memref<112xf32, #tpu.memory_space<vmem>>
    %dma_wait3A_261 = arith.constant 1000000 : i32
    %dma_wait3A_262 = tpu.memref_slice %arg10[%dma_wait3A_261] : memref<2005453xf32, #tpu.memory_space<hbm>> -> memref<112xf32, #tpu.memory_space<hbm>>
    %dma_wait3A_263 = arith.constant 16 : i32
    %dma_wait3A_264 = tpu.memref_slice %arg15[%dma_wait3A_263] : memref<5520xf32, #tpu.memory_space<vmem>> -> memref<112xf32, #tpu.memory_space<vmem>>
    %dma_wait3A_265 = arith.constant 1000000 : i32
    %dma_wait3A_266 = tpu.memref_slice %arg10[%dma_wait3A_265] : memref<2005453xf32, #tpu.memory_space<hbm>> -> memref<112xf32, #tpu.memory_space<hbm>>
    tpu.wait_dma2 semaphore(%arg19 : memref<!tpu.dma_semaphore, #tpu.memory_space<semaphore_mem>>) src(%dma_wait3A_266 : memref<112xf32, #tpu.memory_space<hbm>>) dst(%dma_wait3A_264 : memref<112xf32, #tpu.memory_space<vmem>>)
    %dma_wait3A_267 = arith.constant 128 : i32
    %dma_wait3A_268 = arith.constant 0 : i32
    %dma_wait3A_269 = tpu.memref_slice %arg14[%dma_wait3A_267, %dma_wait3A_268] : memref<5504x16xf32, #tpu.memory_space<vmem>> -> memref<64x16xf32, #tpu.memory_space<vmem>>
    %dma_wait3A_270 = arith.constant 1000096 : i32
    %dma_wait3A_271 = arith.constant 0 : i32
    %dma_wait3A_272 = tpu.memref_slice %arg9[%dma_wait3A_270, %dma_wait3A_271] : memref<2005453x16xf32, #tpu.memory_space<hbm>> -> memref<64x16xf32, #tpu.memory_space<hbm>>
    %dma_wait3A_273 = arith.constant 128 : i32
    %dma_wait3A_274 = arith.constant 0 : i32
    %dma_wait3A_275 = tpu.memref_slice %arg14[%dma_wait3A_273, %dma_wait3A_274] : memref<5504x16xf32, #tpu.memory_space<vmem>> -> memref<64x16xf32, #tpu.memory_space<vmem>>
    %dma_wait3A_276 = arith.constant 1000096 : i32
    %dma_wait3A_277 = arith.constant 0 : i32
    %dma_wait3A_278 = tpu.memref_slice %arg9[%dma_wait3A_276, %dma_wait3A_277] : memref<2005453x16xf32, #tpu.memory_space<hbm>> -> memref<64x16xf32, #tpu.memory_space<hbm>>
    tpu.wait_dma2 semaphore(%arg19 : memref<!tpu.dma_semaphore, #tpu.memory_space<semaphore_mem>>) src(%dma_wait3A_278 : memref<64x16xf32, #tpu.memory_space<hbm>>) dst(%dma_wait3A_275 : memref<64x16xf32, #tpu.memory_space<vmem>>)
    %dma_wait3A_279 = arith.constant 128 : i32
    %dma_wait3A_280 = tpu.memref_slice %arg15[%dma_wait3A_279] : memref<5520xf32, #tpu.memory_space<vmem>> -> memref<64xf32, #tpu.memory_space<vmem>>
    %dma_wait3A_281 = arith.constant 1000096 : i32
    %dma_wait3A_282 = tpu.memref_slice %arg10[%dma_wait3A_281] : memref<2005453xf32, #tpu.memory_space<hbm>> -> memref<64xf32, #tpu.memory_space<hbm>>
    %dma_wait3A_283 = arith.constant 128 : i32
    %dma_wait3A_284 = tpu.memref_slice %arg15[%dma_wait3A_283] : memref<5520xf32, #tpu.memory_space<vmem>> -> memref<64xf32, #tpu.memory_space<vmem>>
    %dma_wait3A_285 = arith.constant 1000096 : i32
    %dma_wait3A_286 = tpu.memref_slice %arg10[%dma_wait3A_285] : memref<2005453xf32, #tpu.memory_space<hbm>> -> memref<64xf32, #tpu.memory_space<hbm>>
    tpu.wait_dma2 semaphore(%arg19 : memref<!tpu.dma_semaphore, #tpu.memory_space<semaphore_mem>>) src(%dma_wait3A_286 : memref<64xf32, #tpu.memory_space<hbm>>) dst(%dma_wait3A_284 : memref<64xf32, #tpu.memory_space<vmem>>)
    %dma_wait3A_287 = arith.constant 192 : i32
    %dma_wait3A_288 = arith.constant 0 : i32
    %dma_wait3A_289 = tpu.memref_slice %arg14[%dma_wait3A_287, %dma_wait3A_288] : memref<5504x16xf32, #tpu.memory_space<vmem>> -> memref<301x16xf32, #tpu.memory_space<vmem>>
    %dma_wait3A_290 = arith.constant 2005152 : i32
    %dma_wait3A_291 = arith.constant 0 : i32
    %dma_wait3A_292 = tpu.memref_slice %arg9[%dma_wait3A_290, %dma_wait3A_291] : memref<2005453x16xf32, #tpu.memory_space<hbm>> -> memref<301x16xf32, #tpu.memory_space<hbm>>
    %dma_wait3A_293 = arith.constant 192 : i32
    %dma_wait3A_294 = arith.constant 0 : i32
    %dma_wait3A_295 = tpu.memref_slice %arg14[%dma_wait3A_293, %dma_wait3A_294] : memref<5504x16xf32, #tpu.memory_space<vmem>> -> memref<301x16xf32, #tpu.memory_space<vmem>>
    %dma_wait3A_296 = arith.constant 2005152 : i32
    %dma_wait3A_297 = arith.constant 0 : i32
    %dma_wait3A_298 = tpu.memref_slice %arg9[%dma_wait3A_296, %dma_wait3A_297] : memref<2005453x16xf32, #tpu.memory_space<hbm>> -> memref<301x16xf32, #tpu.memory_space<hbm>>
    tpu.wait_dma2 semaphore(%arg19 : memref<!tpu.dma_semaphore, #tpu.memory_space<semaphore_mem>>) src(%dma_wait3A_298 : memref<301x16xf32, #tpu.memory_space<hbm>>) dst(%dma_wait3A_295 : memref<301x16xf32, #tpu.memory_space<vmem>>)
    %dma_wait3A_299 = arith.constant 192 : i32
    %dma_wait3A_300 = tpu.memref_slice %arg15[%dma_wait3A_299] : memref<5520xf32, #tpu.memory_space<vmem>> -> memref<301xf32, #tpu.memory_space<vmem>>
    %dma_wait3A_301 = arith.constant 2005152 : i32
    %dma_wait3A_302 = tpu.memref_slice %arg10[%dma_wait3A_301] : memref<2005453xf32, #tpu.memory_space<hbm>> -> memref<301xf32, #tpu.memory_space<hbm>>
    %dma_wait3A_303 = arith.constant 192 : i32
    %dma_wait3A_304 = tpu.memref_slice %arg15[%dma_wait3A_303] : memref<5520xf32, #tpu.memory_space<vmem>> -> memref<301xf32, #tpu.memory_space<vmem>>
    %dma_wait3A_305 = arith.constant 2005152 : i32
    %dma_wait3A_306 = tpu.memref_slice %arg10[%dma_wait3A_305] : memref<2005453xf32, #tpu.memory_space<hbm>> -> memref<301xf32, #tpu.memory_space<hbm>>
    tpu.wait_dma2 semaphore(%arg19 : memref<!tpu.dma_semaphore, #tpu.memory_space<semaphore_mem>>) src(%dma_wait3A_306 : memref<301xf32, #tpu.memory_space<hbm>>) dst(%dma_wait3A_304 : memref<301xf32, #tpu.memory_space<vmem>>)
    %dma_wait3A_307 = arith.constant 496 : i32
    %dma_wait3A_308 = arith.constant 0 : i32
    %dma_wait3A_309 = tpu.memref_slice %arg14[%dma_wait3A_307, %dma_wait3A_308] : memref<5504x16xf32, #tpu.memory_space<vmem>> -> memref<5008x16xf32, #tpu.memory_space<vmem>>
    %dma_wait3A_310 = arith.constant 2000152 : i32
    %dma_wait3A_311 = arith.constant 0 : i32
    %dma_wait3A_312 = tpu.memref_slice %arg9[%dma_wait3A_310, %dma_wait3A_311] : memref<2005453x16xf32, #tpu.memory_space<hbm>> -> memref<5008x16xf32, #tpu.memory_space<hbm>>
    %dma_wait3A_313 = arith.constant 496 : i32
    %dma_wait3A_314 = arith.constant 0 : i32
    %dma_wait3A_315 = tpu.memref_slice %arg14[%dma_wait3A_313, %dma_wait3A_314] : memref<5504x16xf32, #tpu.memory_space<vmem>> -> memref<5008x16xf32, #tpu.memory_space<vmem>>
    %dma_wait3A_316 = arith.constant 2000152 : i32
    %dma_wait3A_317 = arith.constant 0 : i32
    %dma_wait3A_318 = tpu.memref_slice %arg9[%dma_wait3A_316, %dma_wait3A_317] : memref<2005453x16xf32, #tpu.memory_space<hbm>> -> memref<5008x16xf32, #tpu.memory_space<hbm>>
    tpu.wait_dma2 semaphore(%arg19 : memref<!tpu.dma_semaphore, #tpu.memory_space<semaphore_mem>>) src(%dma_wait3A_318 : memref<5008x16xf32, #tpu.memory_space<hbm>>) dst(%dma_wait3A_315 : memref<5008x16xf32, #tpu.memory_space<vmem>>)
    %dma_wait3A_319 = arith.constant 496 : i32
    %dma_wait3A_320 = tpu.memref_slice %arg15[%dma_wait3A_319] : memref<5520xf32, #tpu.memory_space<vmem>> -> memref<5008xf32, #tpu.memory_space<vmem>>
    %dma_wait3A_321 = arith.constant 2000152 : i32
    %dma_wait3A_322 = tpu.memref_slice %arg10[%dma_wait3A_321] : memref<2005453xf32, #tpu.memory_space<hbm>> -> memref<5008xf32, #tpu.memory_space<hbm>>
    %dma_wait3A_323 = arith.constant 496 : i32
    %dma_wait3A_324 = tpu.memref_slice %arg15[%dma_wait3A_323] : memref<5520xf32, #tpu.memory_space<vmem>> -> memref<5008xf32, #tpu.memory_space<vmem>>
    %dma_wait3A_325 = arith.constant 2000152 : i32
    %dma_wait3A_326 = tpu.memref_slice %arg10[%dma_wait3A_325] : memref<2005453xf32, #tpu.memory_space<hbm>> -> memref<5008xf32, #tpu.memory_space<hbm>>
    tpu.wait_dma2 semaphore(%arg19 : memref<!tpu.dma_semaphore, #tpu.memory_space<semaphore_mem>>) src(%dma_wait3A_326 : memref<5008xf32, #tpu.memory_space<hbm>>) dst(%dma_wait3A_324 : memref<5008xf32, #tpu.memory_space<vmem>>)
    %scan3A = arith.constant 0 : i32
    %scan3A_327 = arith.constant 0 : i32
    %scan3A_328 = arith.constant 32 : i32
    %scan3A_329 = arith.addi %scan3A_327, %scan3A_328 : i32
    %scan3A_330 = arith.constant 1 : i32
    scf.for %scan3A_410 = %scan3A_327 to %scan3A_329 step %scan3A_330  : i32 {
      %mul3A_411 = arith.constant 16 : i32
      %mul3A_412 = arith.muli %scan3A_410, %mul3A_411 : i32
      %get3A = arith.constant 0 : i32
      %get3A_413 = arith.index_cast %get3A : i32 to index
      %get3A_414 = arith.index_cast %mul3A_412 : i32 to index
      %get3A_415 = tpu.vector_load %arg12[%get3A_413, %get3A_414] {strides = array<i32>} : memref<7x512xi32, #tpu.memory_space<vmem>>, vector<1x16xi32>,
      %get3A_416 = vector.shape_cast %get3A_415 : vector<1x16xi32> to vector<16xi32>
      %swap3A = arith.index_cast %mul3A_412 : i32 to index
      %swap3A_417 = tpu.vector_load %arg13[%swap3A] {strides = array<i32>} : memref<1024xi32, #tpu.memory_space<vmem>>, vector<16xi32>,
      %swap3A_418 = vector.shape_cast %swap3A_417 : vector<16xi32> to vector<16xi32>
      %swap3A_419 = vector.shape_cast %get3A_416 : vector<16xi32> to vector<16xi32>
      tpu.vector_store %arg13[%swap3A], %swap3A_419 {strides = array<i32>} : memref<1024xi32, #tpu.memory_space<vmem>>, vector<16xi32>,
      %get3A_420 = arith.constant 4 : i32
      %get3A_421 = arith.index_cast %get3A_420 : i32 to index
      %get3A_422 = arith.index_cast %mul3A_412 : i32 to index
      %get3A_423 = tpu.vector_load %arg12[%get3A_421, %get3A_422] {strides = array<i32>} : memref<7x512xi32, #tpu.memory_space<vmem>>, vector<1x16xi32>,
      %get3A_424 = vector.shape_cast %get3A_423 : vector<1x16xi32> to vector<16xi32>
      %add3A_425 = arith.constant 1000153 : i32
      %add3A_426 = vector.broadcast %add3A_425 : i32 to vector<16xi32>
      %add3A_427 = arith.addi %get3A_424, %add3A_426 : vector<16xi32>
      %mul3A_428 = arith.constant 16 : i32
      %mul3A_429 = arith.muli %scan3A_410, %mul3A_428 : i32
      %add3A_430 = arith.constant 512 : i32
      %add3A_431 = arith.addi %add3A_430, %mul3A_429 : i32
      %swap3A_432 = arith.index_cast %add3A_431 : i32 to index
      %swap3A_433 = tpu.vector_load %arg13[%swap3A_432] {strides = array<i32>} : memref<1024xi32, #tpu.memory_space<vmem>>, vector<16xi32>,
      %swap3A_434 = vector.shape_cast %swap3A_433 : vector<16xi32> to vector<16xi32>
      %swap3A_435 = vector.shape_cast %add3A_427 : vector<16xi32> to vector<16xi32>
      tpu.vector_store %arg13[%swap3A_432], %swap3A_435 {strides = array<i32>} : memref<1024xi32, #tpu.memory_space<vmem>>, vector<16xi32>,
    }
    %scan3A_331 = arith.constant 32 : i32
    %dma_start3A_332 = arith.constant 0 : i32
    %dma_start3A_333 = arith.constant 0 : i32
    %dma_start3A_334 = tpu.memref_slice %arg16[%dma_start3A_332, %dma_start3A_333] : memref<1024x16xf32, #tpu.memory_space<vmem>> -> memref<512x16xf32, #tpu.memory_space<vmem>>
    %dma_start3A_335 = arith.constant 0 : i32
    %dma_start3A_336 = tpu.memref_slice %arg13[%dma_start3A_335] : memref<1024xi32, #tpu.memory_space<vmem>> -> memref<512xi32, #tpu.memory_space<vmem>>
    %dma_start3A_337 = arith.constant 0 : i32
    %dma_start3A_338 = arith.constant 0 : i32
    %dma_start3A_339 = tpu.memref_slice %arg9[%dma_start3A_337, %dma_start3A_338] : memref<2005453x16xf32, #tpu.memory_space<hbm>> -> memref<2005453x16xf32, #tpu.memory_space<hbm>>
    tpu.enqueue_indirect_dma source(%dma_start3A_339 : memref<2005453x16xf32, #tpu.memory_space<hbm>>) target(%dma_start3A_334 : memref<512x16xf32, #tpu.memory_space<vmem>>) offsets(%dma_start3A_336 : memref<512xi32, #tpu.memory_space<vmem>>) semaphore(%arg19 : memref<!tpu.dma_semaphore, #tpu.memory_space<semaphore_mem>>)
    %dma_start3A_340 = arith.constant 512 : i32
    %dma_start3A_341 = arith.constant 0 : i32
    %dma_start3A_342 = tpu.memref_slice %arg16[%dma_start3A_340, %dma_start3A_341] : memref<1024x16xf32, #tpu.memory_space<vmem>> -> memref<512x16xf32, #tpu.memory_space<vmem>>
    %dma_start3A_343 = arith.constant 512 : i32
    %dma_start3A_344 = tpu.memref_slice %arg13[%dma_start3A_343] : memref<1024xi32, #tpu.memory_space<vmem>> -> memref<512xi32, #tpu.memory_space<vmem>>
    %dma_start3A_345 = arith.constant 0 : i32
    %dma_start3A_346 = arith.constant 0 : i32
    %dma_start3A_347 = tpu.memref_slice %arg9[%dma_start3A_345, %dma_start3A_346] : memref<2005453x16xf32, #tpu.memory_space<hbm>> -> memref<2005453x16xf32, #tpu.memory_space<hbm>>
    tpu.enqueue_indirect_dma source(%dma_start3A_347 : memref<2005453x16xf32, #tpu.memory_space<hbm>>) target(%dma_start3A_342 : memref<512x16xf32, #tpu.memory_space<vmem>>) offsets(%dma_start3A_344 : memref<512xi32, #tpu.memory_space<vmem>>) semaphore(%arg19 : memref<!tpu.dma_semaphore, #tpu.memory_space<semaphore_mem>>)
    %dma_start3A_348 = arith.constant 0 : i32
    %dma_start3A_349 = tpu.memref_slice %arg10[%dma_start3A_348] : memref<2005453xf32, #tpu.memory_space<hbm>> -> memref<2005453xf32, #tpu.memory_space<hbm>>
    tpu.enqueue_indirect_dma source(%dma_start3A_349 : memref<2005453xf32, #tpu.memory_space<hbm>>) target(%arg17 : memref<1024xf32, #tpu.memory_space<vmem>>) offsets(%arg13 : memref<1024xi32, #tpu.memory_space<vmem>>) semaphore(%arg19 : memref<!tpu.dma_semaphore, #tpu.memory_space<semaphore_mem>>)
    %dma_wait3A_350 = arith.constant 0 : i32
    %dma_wait3A_351 = arith.constant 0 : i32
    %dma_wait3A_352 = tpu.memref_slice %arg16[%dma_wait3A_350, %dma_wait3A_351] : memref<1024x16xf32, #tpu.memory_space<vmem>> -> memref<512x16xf32, #tpu.memory_space<vmem>>
    %dma_wait3A_353 = arith.constant 0 : i32
    %dma_wait3A_354 = tpu.memref_slice %arg13[%dma_wait3A_353] : memref<1024xi32, #tpu.memory_space<vmem>> -> memref<512xi32, #tpu.memory_space<vmem>>
    %dma_wait3A_355 = arith.constant 0 : i32
    %dma_wait3A_356 = arith.constant 0 : i32
    %dma_wait3A_357 = tpu.memref_slice %arg9[%dma_wait3A_355, %dma_wait3A_356] : memref<2005453x16xf32, #tpu.memory_space<hbm>> -> memref<2005453x16xf32, #tpu.memory_space<hbm>>
    tpu.wait_indirect_dma semaphore(%arg19 : memref<!tpu.dma_semaphore, #tpu.memory_space<semaphore_mem>>) src(%dma_wait3A_357 : memref<2005453x16xf32, #tpu.memory_space<hbm>>) dst(%dma_wait3A_352 : memref<512x16xf32, #tpu.memory_space<vmem>>)
    %dma_wait3A_358 = arith.constant 512 : i32
    %dma_wait3A_359 = arith.constant 0 : i32
    %dma_wait3A_360 = tpu.memref_slice %arg16[%dma_wait3A_358, %dma_wait3A_359] : memref<1024x16xf32, #tpu.memory_space<vmem>> -> memref<512x16xf32, #tpu.memory_space<vmem>>
    %dma_wait3A_361 = arith.constant 512 : i32
    %dma_wait3A_362 = tpu.memref_slice %arg13[%dma_wait3A_361] : memref<1024xi32, #tpu.memory_space<vmem>> -> memref<512xi32, #tpu.memory_space<vmem>>
    %dma_wait3A_363 = arith.constant 0 : i32
    %dma_wait3A_364 = arith.constant 0 : i32
    %dma_wait3A_365 = tpu.memref_slice %arg9[%dma_wait3A_363, %dma_wait3A_364] : memref<2005453x16xf32, #tpu.memory_space<hbm>> -> memref<2005453x16xf32, #tpu.memory_space<hbm>>
    tpu.wait_indirect_dma semaphore(%arg19 : memref<!tpu.dma_semaphore, #tpu.memory_space<semaphore_mem>>) src(%dma_wait3A_365 : memref<2005453x16xf32, #tpu.memory_space<hbm>>) dst(%dma_wait3A_360 : memref<512x16xf32, #tpu.memory_space<vmem>>)
    %dma_wait3A_366 = arith.constant 0 : i32
    %dma_wait3A_367 = tpu.memref_slice %arg10[%dma_wait3A_366] : memref<2005453xf32, #tpu.memory_space<hbm>> -> memref<2005453xf32, #tpu.memory_space<hbm>>
    tpu.wait_indirect_dma semaphore(%arg19 : memref<!tpu.dma_semaphore, #tpu.memory_space<semaphore_mem>>) src(%dma_wait3A_367 : memref<2005453xf32, #tpu.memory_space<hbm>>) dst(%arg17 : memref<1024xf32, #tpu.memory_space<vmem>>)
    %xor3A = arith.constant 8 : i32
    %xor3A_368 = vector.broadcast %xor3A : i32 to vector<16xi32>
    %xor3A_369 = arith.xori %iota3A, %xor3A_368 : vector<16xi32>
    %and3A = arith.constant 8 : i32
    %and3A_370 = vector.broadcast %and3A : i32 to vector<16xi32>
    %and3A_371 = arith.andi %iota3A, %and3A_370 : vector<16xi32>
    %eq3A = arith.constant 0 : i32
    %eq3A_372 = vector.broadcast %eq3A : i32 to vector<16xi32>
    %eq3A_373 = arith.cmpi eq, %and3A_371, %eq3A_372 : vector<16xi32>
    %xor3A_374 = arith.constant 4 : i32
    %xor3A_375 = vector.broadcast %xor3A_374 : i32 to vector<16xi32>
    %xor3A_376 = arith.xori %iota3A, %xor3A_375 : vector<16xi32>
    %and3A_377 = arith.constant 4 : i32
    %and3A_378 = vector.broadcast %and3A_377 : i32 to vector<16xi32>
    %and3A_379 = arith.andi %iota3A, %and3A_378 : vector<16xi32>
    %eq3A_380 = arith.constant 0 : i32
    %eq3A_381 = vector.broadcast %eq3A_380 : i32 to vector<16xi32>
    %eq3A_382 = arith.cmpi eq, %and3A_379, %eq3A_381 : vector<16xi32>
    %xor3A_383 = arith.constant 2 : i32
    %xor3A_384 = vector.broadcast %xor3A_383 : i32 to vector<16xi32>
    %xor3A_385 = arith.xori %iota3A, %xor3A_384 : vector<16xi32>
    %and3A_386 = arith.constant 2 : i32
    %and3A_387 = vector.broadcast %and3A_386 : i32 to vector<16xi32>
    %and3A_388 = arith.andi %iota3A, %and3A_387 : vector<16xi32>
    %eq3A_389 = arith.constant 0 : i32
    %eq3A_390 = vector.broadcast %eq3A_389 : i32 to vector<16xi32>
    %eq3A_391 = arith.cmpi eq, %and3A_388, %eq3A_390 : vector<16xi32>
    %xor3A_392 = arith.constant 1 : i32
    %xor3A_393 = vector.broadcast %xor3A_392 : i32 to vector<16xi32>
    %xor3A_394 = arith.xori %iota3A, %xor3A_393 : vector<16xi32>
    %and3A_395 = arith.constant 1 : i32
    %and3A_396 = vector.broadcast %and3A_395 : i32 to vector<16xi32>
    %and3A_397 = arith.andi %iota3A, %and3A_396 : vector<16xi32>
    %eq3A_398 = arith.constant 0 : i32
    %eq3A_399 = vector.broadcast %eq3A_398 : i32 to vector<16xi32>
    %eq3A_400 = arith.cmpi eq, %and3A_397, %eq3A_399 : vector<16xi32>
    %eq3A_401 = arith.constant 0 : i32
    %eq3A_402 = vector.broadcast %eq3A_401 : i32 to vector<16xi32>
    %eq3A_403 = arith.cmpi eq, %iota3A, %eq3A_402 : vector<16xi32>
    %scan3A_404 = arith.constant 0 : i32
    %scan3A_405 = arith.constant 0 : i32
    %scan3A_406 = arith.constant 32 : i32
    %scan3A_407 = arith.addi %scan3A_405, %scan3A_406 : i32
    %scan3A_408 = arith.constant 1 : i32
    scf.for %scan3A_410 = %scan3A_405 to %scan3A_407 step %scan3A_408  : i32 {
      %mul3A_411 = arith.constant 16 : i32
      %mul3A_412 = arith.muli %scan3A_410, %mul3A_411 : i32
      %get3A = arith.constant 1 : i32
      %get3A_413 = arith.index_cast %get3A : i32 to index
      %get3A_414 = arith.index_cast %mul3A_412 : i32 to index
      %get3A_415 = tpu.vector_load %arg12[%get3A_413, %get3A_414] {strides = array<i32>} : memref<7x512xi32, #tpu.memory_space<vmem>>, vector<1x16xi32>,
      %get3A_416 = vector.shape_cast %get3A_415 : vector<1x16xi32> to vector<16xi32>
      %get3A_417 = arith.constant 2 : i32
      %get3A_418 = arith.index_cast %get3A_417 : i32 to index
      %get3A_419 = arith.index_cast %mul3A_412 : i32 to index
      %get3A_420 = tpu.vector_load %arg12[%get3A_418, %get3A_419] {strides = array<i32>} : memref<7x512xi32, #tpu.memory_space<vmem>>, vector<1x16xi32>,
      %get3A_421 = vector.shape_cast %get3A_420 : vector<1x16xi32> to vector<16xi32>
      %get3A_422 = arith.constant 3 : i32
      %get3A_423 = arith.index_cast %get3A_422 : i32 to index
      %get3A_424 = arith.index_cast %mul3A_412 : i32 to index
      %get3A_425 = tpu.vector_load %arg12[%get3A_423, %get3A_424] {strides = array<i32>} : memref<7x512xi32, #tpu.memory_space<vmem>>, vector<1x16xi32>,
      %get3A_426 = vector.shape_cast %get3A_425 : vector<1x16xi32> to vector<16xi32>
      %get3A_427 = arith.constant 6 : i32
      %get3A_428 = arith.index_cast %get3A_427 : i32 to index
      %get3A_429 = arith.index_cast %mul3A_412 : i32 to index
      %get3A_430 = tpu.vector_load %arg12[%get3A_428, %get3A_429] {strides = array<i32>} : memref<7x512xi32, #tpu.memory_space<vmem>>, vector<1x16xi32>,
      %get3A_431 = vector.shape_cast %get3A_430 : vector<1x16xi32> to vector<16xi32>
      %get3A_432 = arith.constant 5 : i32
      %get3A_433 = arith.index_cast %get3A_432 : i32 to index
      %get3A_434 = arith.index_cast %mul3A_412 : i32 to index
      %get3A_435 = tpu.vector_load %arg12[%get3A_433, %get3A_434] {strides = array<i32>} : memref<7x512xi32, #tpu.memory_space<vmem>>, vector<1x16xi32>,
      %get3A_436 = vector.shape_cast %get3A_435 : vector<1x16xi32> to vector<16xi32>
      %add3A_437 = arith.constant 0 : i32
      %add3A_438 = arith.addi %mul3A_412, %add3A_437 : i32
      %get3A_439 = arith.index_cast %add3A_438 : i32 to index
      %get3A_440 = arith.constant 0 : index
      %get3A_441 = tpu.vector_load %arg16[%get3A_439, %get3A_440] {strides = array<i32>} : memref<1024x16xf32, #tpu.memory_space<vmem>>, vector<1x16xf32>,
      %get3A_442 = vector.shape_cast %get3A_441 : vector<1x16xf32> to vector<16xf32>
      %mul3A_443 = arith.mulf %get3A_442, %get3A_442 : vector<16xf32>
      %add3A_444 = arith.constant 512 : i32
      %add3A_445 = arith.addi %add3A_444, %add3A_438 : i32
      %get3A_446 = arith.index_cast %add3A_445 : i32 to index
      %get3A_447 = arith.constant 0 : index
      %get3A_448 = tpu.vector_load %arg16[%get3A_446, %get3A_447] {strides = array<i32>} : memref<1024x16xf32, #tpu.memory_space<vmem>>, vector<1x16xf32>,
      %get3A_449 = vector.shape_cast %get3A_448 : vector<1x16xf32> to vector<16xf32>
      %add3A_450 = arith.addf %get3A_442, %get3A_449 : vector<16xf32>
      %mul3A_451 = arith.mulf %get3A_449, %get3A_449 : vector<16xf32>
      %add3A_452 = arith.addf %mul3A_443, %mul3A_451 : vector<16xf32>
      %slice3A = vector.extract_strided_slice %get3A_416 {offsets = [0], sizes = [1], strides = [1]} : vector<16xi32> to vector<1xi32>
      %squeeze3A = vector.extract %slice3A[0] : i32 from vector<1xi32>
      %add3A_453 = arith.constant 0 : i32
      %add3A_454 = arith.addi %add3A_453, %squeeze3A : i32
      %get3A_455 = arith.index_cast %add3A_454 : i32 to index
      %get3A_456 = arith.constant 0 : index
      %get3A_457 = tpu.vector_load %arg14[%get3A_455, %get3A_456] {strides = array<i32>} : memref<5504x16xf32, #tpu.memory_space<vmem>>, vector<1x16xf32>,
      %get3A_458 = vector.shape_cast %get3A_457 : vector<1x16xf32> to vector<16xf32>
      %add3A_459 = arith.addf %add3A_450, %get3A_458 : vector<16xf32>
      %mul3A_460 = arith.mulf %get3A_458, %get3A_458 : vector<16xf32>
      %add3A_461 = arith.addf %add3A_452, %mul3A_460 : vector<16xf32>
      %get3A_462 = arith.index_cast %add3A_454 : i32 to index
      %get3A_463 = tpu.vector_load %arg15[%get3A_462] {strides = array<i32>} : memref<5520xf32, #tpu.memory_space<vmem>>, vector<16xf32>,
      %get3A_464 = vector.shape_cast %get3A_463 : vector<16xf32> to vector<16xf32>
      %slice3A_465 = vector.extract_strided_slice %get3A_421 {offsets = [0], sizes = [1], strides = [1]} : vector<16xi32> to vector<1xi32>
      %squeeze3A_466 = vector.extract %slice3A_465[0] : i32 from vector<1xi32>
      %add3A_467 = arith.constant 19 : i32
      %add3A_468 = arith.addi %add3A_467, %squeeze3A_466 : i32
      %get3A_469 = arith.index_cast %add3A_468 : i32 to index
      %get3A_470 = arith.constant 0 : index
      %get3A_471 = tpu.vector_load %arg14[%get3A_469, %get3A_470] {strides = array<i32>} : memref<5504x16xf32, #tpu.memory_space<vmem>>, vector<1x16xf32>,
      %get3A_472 = vector.shape_cast %get3A_471 : vector<1x16xf32> to vector<16xf32>
      %add3A_473 = arith.addf %add3A_459, %get3A_472 : vector<16xf32>
      %mul3A_474 = arith.mulf %get3A_472, %get3A_472 : vector<16xf32>
      %add3A_475 = arith.addf %add3A_461, %mul3A_474 : vector<16xf32>
      %get3A_476 = arith.index_cast %add3A_468 : i32 to index
      %get3A_477 = tpu.vector_load %arg15[%get3A_476] {strides = array<i32>} : memref<5520xf32, #tpu.memory_space<vmem>>, vector<16xf32>,
      %get3A_478 = vector.shape_cast %get3A_477 : vector<16xf32> to vector<16xf32>
      %add3A_479 = arith.addf %get3A_464, %get3A_478 : vector<16xf32>
      %slice3A_480 = vector.extract_strided_slice %get3A_426 {offsets = [0], sizes = [1], strides = [1]} : vector<16xi32> to vector<1xi32>
      %squeeze3A_481 = vector.extract %slice3A_480[0] : i32 from vector<1xi32>
      %add3A_482 = arith.constant 135 : i32
      %add3A_483 = arith.addi %add3A_482, %squeeze3A_481 : i32
      %get3A_484 = arith.index_cast %add3A_483 : i32 to index
      %get3A_485 = arith.constant 0 : index
      %get3A_486 = tpu.vector_load %arg14[%get3A_484, %get3A_485] {strides = array<i32>} : memref<5504x16xf32, #tpu.memory_space<vmem>>, vector<1x16xf32>,
      %get3A_487 = vector.shape_cast %get3A_486 : vector<1x16xf32> to vector<16xf32>
      %add3A_488 = arith.addf %add3A_473, %get3A_487 : vector<16xf32>
      %mul3A_489 = arith.mulf %get3A_487, %get3A_487 : vector<16xf32>
      %add3A_490 = arith.addf %add3A_475, %mul3A_489 : vector<16xf32>
      %get3A_491 = arith.index_cast %add3A_483 : i32 to index
      %get3A_492 = tpu.vector_load %arg15[%get3A_491] {strides = array<i32>} : memref<5520xf32, #tpu.memory_space<vmem>>, vector<16xf32>,
      %get3A_493 = vector.shape_cast %get3A_492 : vector<16xf32> to vector<16xf32>
      %add3A_494 = arith.addf %add3A_479, %get3A_493 : vector<16xf32>
      %slice3A_495 = vector.extract_strided_slice %get3A_431 {offsets = [0], sizes = [1], strides = [1]} : vector<16xi32> to vector<1xi32>
      %squeeze3A_496 = vector.extract %slice3A_495[0] : i32 from vector<1xi32>
      %add3A_497 = arith.constant 193 : i32
      %add3A_498 = arith.addi %add3A_497, %squeeze3A_496 : i32
      %get3A_499 = arith.index_cast %add3A_498 : i32 to index
      %get3A_500 = arith.constant 0 : index
      %get3A_501 = tpu.vector_load %arg14[%get3A_499, %get3A_500] {strides = array<i32>} : memref<5504x16xf32, #tpu.memory_space<vmem>>, vector<1x16xf32>,
      %get3A_502 = vector.shape_cast %get3A_501 : vector<1x16xf32> to vector<16xf32>
      %add3A_503 = arith.addf %add3A_488, %get3A_502 : vector<16xf32>
      %mul3A_504 = arith.mulf %get3A_502, %get3A_502 : vector<16xf32>
      %add3A_505 = arith.addf %add3A_490, %mul3A_504 : vector<16xf32>
      %get3A_506 = arith.index_cast %add3A_498 : i32 to index
      %get3A_507 = tpu.vector_load %arg15[%get3A_506] {strides = array<i32>} : memref<5520xf32, #tpu.memory_space<vmem>>, vector<16xf32>,
      %get3A_508 = vector.shape_cast %get3A_507 : vector<16xf32> to vector<16xf32>
      %add3A_509 = arith.addf %add3A_494, %get3A_508 : vector<16xf32>
      %slice3A_510 = vector.extract_strided_slice %get3A_436 {offsets = [0], sizes = [1], strides = [1]} : vector<16xi32> to vector<1xi32>
      %squeeze3A_511 = vector.extract %slice3A_510[0] : i32 from vector<1xi32>
      %add3A_512 = arith.constant 497 : i32
      %add3A_513 = arith.addi %add3A_512, %squeeze3A_511 : i32
      %get3A_514 = arith.index_cast %add3A_513 : i32 to index
      %get3A_515 = arith.constant 0 : index
      %get3A_516 = tpu.vector_load %arg14[%get3A_514, %get3A_515] {strides = array<i32>} : memref<5504x16xf32, #tpu.memory_space<vmem>>, vector<1x16xf32>,
      %get3A_517 = vector.shape_cast %get3A_516 : vector<1x16xf32> to vector<16xf32>
      %add3A_518 = arith.addf %add3A_503, %get3A_517 : vector<16xf32>
      %mul3A_519 = arith.mulf %get3A_517, %get3A_517 : vector<16xf32>
      %add3A_520 = arith.addf %add3A_505, %mul3A_519 : vector<16xf32>
      %get3A_521 = arith.index_cast %add3A_513 : i32 to index
      %get3A_522 = tpu.vector_load %arg15[%get3A_521] {strides = array<i32>} : memref<5520xf32, #tpu.memory_space<vmem>>, vector<16xf32>,
      %get3A_523 = vector.shape_cast %get3A_522 : vector<16xf32> to vector<16xf32>
      %add3A_524 = arith.addf %add3A_509, %get3A_523 : vector<16xf32>
      %mul3A_525 = arith.mulf %add3A_518, %add3A_518 : vector<16xf32>
      %sub3A = arith.subf %mul3A_525, %add3A_520 : vector<16xf32>
      %mul3A_526 = arith.constant 2.000000e+00 : f32
      %mul3A_527 = vector.broadcast %mul3A_526 : f32 to vector<16xf32>
      %mul3A_528 = arith.mulf %mul3A_527, %add3A_524 : vector<16xf32>
      %jit3A = arith.constant 0.000000e+00 : f32
      %broadcast_in_dim3A = vector.broadcast %jit3A : f32 to vector<16xf32>
      %select_n3A = arith.select %eq3A_403, %mul3A_528, %broadcast_in_dim3A : vector<16xi1>, vector<16xf32>
      %add3A_529 = arith.addf %sub3A, %select_n3A : vector<16xf32>
      %add3A_530 = arith.constant 1 : i32
      %add3A_531 = arith.addi %mul3A_412, %add3A_530 : i32
      %get3A_532 = arith.index_cast %add3A_531 : i32 to index
      %get3A_533 = arith.constant 0 : index
      %get3A_534 = tpu.vector_load %arg16[%get3A_532, %get3A_533] {strides = array<i32>} : memref<1024x16xf32, #tpu.memory_space<vmem>>, vector<1x16xf32>,
      %get3A_535 = vector.shape_cast %get3A_534 : vector<1x16xf32> to vector<16xf32>
      %mul3A_536 = arith.mulf %get3A_535, %get3A_535 : vector<16xf32>
      %add3A_537 = arith.constant 512 : i32
      %add3A_538 = arith.addi %add3A_537, %add3A_531 : i32
      %get3A_539 = arith.index_cast %add3A_538 : i32 to index
      %get3A_540 = arith.constant 0 : index
      %get3A_541 = tpu.vector_load %arg16[%get3A_539, %get3A_540] {strides = array<i32>} : memref<1024x16xf32, #tpu.memory_space<vmem>>, vector<1x16xf32>,
      %get3A_542 = vector.shape_cast %get3A_541 : vector<1x16xf32> to vector<16xf32>
      %add3A_543 = arith.addf %get3A_535, %get3A_542 : vector<16xf32>
      %mul3A_544 = arith.mulf %get3A_542, %get3A_542 : vector<16xf32>
      %add3A_545 = arith.addf %mul3A_536, %mul3A_544 : vector<16xf32>
      %slice3A_546 = vector.extract_strided_slice %get3A_416 {offsets = [1], sizes = [1], strides = [1]} : vector<16xi32> to vector<1xi32>
      %squeeze3A_547 = vector.extract %slice3A_546[0] : i32 from vector<1xi32>
      %add3A_548 = arith.constant 0 : i32
      %add3A_549 = arith.addi %add3A_548, %squeeze3A_547 : i32
      %get3A_550 = arith.index_cast %add3A_549 : i32 to index
      %get3A_551 = arith.constant 0 : index
      %get3A_552 = tpu.vector_load %arg14[%get3A_550, %get3A_551] {strides = array<i32>} : memref<5504x16xf32, #tpu.memory_space<vmem>>, vector<1x16xf32>,
      %get3A_553 = vector.shape_cast %get3A_552 : vector<1x16xf32> to vector<16xf32>
      %add3A_554 = arith.addf %add3A_543, %get3A_553 : vector<16xf32>
      %mul3A_555 = arith.mulf %get3A_553, %get3A_553 : vector<16xf32>
      %add3A_556 = arith.addf %add3A_545, %mul3A_555 : vector<16xf32>
      %get3A_557 = arith.index_cast %add3A_549 : i32 to index
      %get3A_558 = tpu.vector_load %arg15[%get3A_557] {strides = array<i32>} : memref<5520xf32, #tpu.memory_space<vmem>>, vector<16xf32>,
      %get3A_559 = vector.shape_cast %get3A_558 : vector<16xf32> to vector<16xf32>
      %slice3A_560 = vector.extract_strided_slice %get3A_421 {offsets = [1], sizes = [1], strides = [1]} : vector<16xi32> to vector<1xi32>
      %squeeze3A_561 = vector.extract %slice3A_560[0] : i32 from vector<1xi32>
      %add3A_562 = arith.constant 19 : i32
      %add3A_563 = arith.addi %add3A_562, %squeeze3A_561 : i32
      %get3A_564 = arith.index_cast %add3A_563 : i32 to index
      %get3A_565 = arith.constant 0 : index
      %get3A_566 = tpu.vector_load %arg14[%get3A_564, %get3A_565] {strides = array<i32>} : memref<5504x16xf32, #tpu.memory_space<vmem>>, vector<1x16xf32>,
      %get3A_567 = vector.shape_cast %get3A_566 : vector<1x16xf32> to vector<16xf32>
      %add3A_568 = arith.addf %add3A_554, %get3A_567 : vector<16xf32>
      %mul3A_569 = arith.mulf %get3A_567, %get3A_567 : vector<16xf32>
      %add3A_570 = arith.addf %add3A_556, %mul3A_569 : vector<16xf32>
      %get3A_571 = arith.index_cast %add3A_563 : i32 to index
      %get3A_572 = tpu.vector_load %arg15[%get3A_571] {strides = array<i32>} : memref<5520xf32, #tpu.memory_space<vmem>>, vector<16xf32>,
      %get3A_573 = vector.shape_cast %get3A_572 : vector<16xf32> to vector<16xf32>
      %add3A_574 = arith.addf %get3A_559, %get3A_573 : vector<16xf32>
      %slice3A_575 = vector.extract_strided_slice %get3A_426 {offsets = [1], sizes = [1], strides = [1]} : vector<16xi32> to vector<1xi32>
      %squeeze3A_576 = vector.extract %slice3A_575[0] : i32 from vector<1xi32>
      %add3A_577 = arith.constant 135 : i32
      %add3A_578 = arith.addi %add3A_577, %squeeze3A_576 : i32
      %get3A_579 = arith.index_cast %add3A_578 : i32 to index
      %get3A_580 = arith.constant 0 : index
      %get3A_581 = tpu.vector_load %arg14[%get3A_579, %get3A_580] {strides = array<i32>} : memref<5504x16xf32, #tpu.memory_space<vmem>>, vector<1x16xf32>,
      %get3A_582 = vector.shape_cast %get3A_581 : vector<1x16xf32> to vector<16xf32>
      %add3A_583 = arith.addf %add3A_568, %get3A_582 : vector<16xf32>
      %mul3A_584 = arith.mulf %get3A_582, %get3A_582 : vector<16xf32>
      %add3A_585 = arith.addf %add3A_570, %mul3A_584 : vector<16xf32>
      %get3A_586 = arith.index_cast %add3A_578 : i32 to index
      %get3A_587 = tpu.vector_load %arg15[%get3A_586] {strides = array<i32>} : memref<5520xf32, #tpu.memory_space<vmem>>, vector<16xf32>,
      %get3A_588 = vector.shape_cast %get3A_587 : vector<16xf32> to vector<16xf32>
      %add3A_589 = arith.addf %add3A_574, %get3A_588 : vector<16xf32>
      %slice3A_590 = vector.extract_strided_slice %get3A_431 {offsets = [1], sizes = [1], strides = [1]} : vector<16xi32> to vector<1xi32>
      %squeeze3A_591 = vector.extract %slice3A_590[0] : i32 from vector<1xi32>
      %add3A_592 = arith.constant 193 : i32
      %add3A_593 = arith.addi %add3A_592, %squeeze3A_591 : i32
      %get3A_594 = arith.index_cast %add3A_593 : i32 to index
      %get3A_595 = arith.constant 0 : index
      %get3A_596 = tpu.vector_load %arg14[%get3A_594, %get3A_595] {strides = array<i32>} : memref<5504x16xf32, #tpu.memory_space<vmem>>, vector<1x16xf32>,
      %get3A_597 = vector.shape_cast %get3A_596 : vector<1x16xf32> to vector<16xf32>
      %add3A_598 = arith.addf %add3A_583, %get3A_597 : vector<16xf32>
      %mul3A_599 = arith.mulf %get3A_597, %get3A_597 : vector<16xf32>
      %add3A_600 = arith.addf %add3A_585, %mul3A_599 : vector<16xf32>
      %get3A_601 = arith.index_cast %add3A_593 : i32 to index
      %get3A_602 = tpu.vector_load %arg15[%get3A_601] {strides = array<i32>} : memref<5520xf32, #tpu.memory_space<vmem>>, vector<16xf32>,
      %get3A_603 = vector.shape_cast %get3A_602 : vector<16xf32> to vector<16xf32>
      %add3A_604 = arith.addf %add3A_589, %get3A_603 : vector<16xf32>
      %slice3A_605 = vector.extract_strided_slice %get3A_436 {offsets = [1], sizes = [1], strides = [1]} : vector<16xi32> to vector<1xi32>
      %squeeze3A_606 = vector.extract %slice3A_605[0] : i32 from vector<1xi32>
      %add3A_607 = arith.constant 497 : i32
      %add3A_608 = arith.addi %add3A_607, %squeeze3A_606 : i32
      %get3A_609 = arith.index_cast %add3A_608 : i32 to index
      %get3A_610 = arith.constant 0 : index
      %get3A_611 = tpu.vector_load %arg14[%get3A_609, %get3A_610] {strides = array<i32>} : memref<5504x16xf32, #tpu.memory_space<vmem>>, vector<1x16xf32>,
      %get3A_612 = vector.shape_cast %get3A_611 : vector<1x16xf32> to vector<16xf32>
      %add3A_613 = arith.addf %add3A_598, %get3A_612 : vector<16xf32>
      %mul3A_614 = arith.mulf %get3A_612, %get3A_612 : vector<16xf32>
      %add3A_615 = arith.addf %add3A_600, %mul3A_614 : vector<16xf32>
      %get3A_616 = arith.index_cast %add3A_608 : i32 to index
      %get3A_617 = tpu.vector_load %arg15[%get3A_616] {strides = array<i32>} : memref<5520xf32, #tpu.memory_space<vmem>>, vector<16xf32>,
      %get3A_618 = vector.shape_cast %get3A_617 : vector<16xf32> to vector<16xf32>
      %add3A_619 = arith.addf %add3A_604, %get3A_618 : vector<16xf32>
      %mul3A_620 = arith.mulf %add3A_613, %add3A_613 : vector<16xf32>
      %sub3A_621 = arith.subf %mul3A_620, %add3A_615 : vector<16xf32>
      %mul3A_622 = arith.constant 2.000000e+00 : f32
      %mul3A_623 = vector.broadcast %mul3A_622 : f32 to vector<16xf32>
      %mul3A_624 = arith.mulf %mul3A_623, %add3A_619 : vector<16xf32>
      %jit3A_625 = arith.constant 0.000000e+00 : f32
      %broadcast_in_dim3A_626 = vector.broadcast %jit3A_625 : f32 to vector<16xf32>
      %select_n3A_627 = arith.select %eq3A_403, %mul3A_624, %broadcast_in_dim3A_626 : vector<16xi1>, vector<16xf32>
      %add3A_628 = arith.addf %sub3A_621, %select_n3A_627 : vector<16xf32>
      %add3A_629 = arith.constant 2 : i32
      %add3A_630 = arith.addi %mul3A_412, %add3A_629 : i32
      %get3A_631 = arith.index_cast %add3A_630 : i32 to index
      %get3A_632 = arith.constant 0 : index
      %get3A_633 = tpu.vector_load %arg16[%get3A_631, %get3A_632] {strides = array<i32>} : memref<1024x16xf32, #tpu.memory_space<vmem>>, vector<1x16xf32>,
      %get3A_634 = vector.shape_cast %get3A_633 : vector<1x16xf32> to vector<16xf32>
      %mul3A_635 = arith.mulf %get3A_634, %get3A_634 : vector<16xf32>
      %add3A_636 = arith.constant 512 : i32
      %add3A_637 = arith.addi %add3A_636, %add3A_630 : i32
      %get3A_638 = arith.index_cast %add3A_637 : i32 to index
      %get3A_639 = arith.constant 0 : index
      %get3A_640 = tpu.vector_load %arg16[%get3A_638, %get3A_639] {strides = array<i32>} : memref<1024x16xf32, #tpu.memory_space<vmem>>, vector<1x16xf32>,
      %get3A_641 = vector.shape_cast %get3A_640 : vector<1x16xf32> to vector<16xf32>
      %add3A_642 = arith.addf %get3A_634, %get3A_641 : vector<16xf32>
      %mul3A_643 = arith.mulf %get3A_641, %get3A_641 : vector<16xf32>
      %add3A_644 = arith.addf %mul3A_635, %mul3A_643 : vector<16xf32>
      %slice3A_645 = vector.extract_strided_slice %get3A_416 {offsets = [2], sizes = [1], strides = [1]} : vector<16xi32> to vector<1xi32>
      %squeeze3A_646 = vector.extract %slice3A_645[0] : i32 from vector<1xi32>
      %add3A_647 = arith.constant 0 : i32
      %add3A_648 = arith.addi %add3A_647, %squeeze3A_646 : i32
      %get3A_649 = arith.index_cast %add3A_648 : i32 to index
      %get3A_650 = arith.constant 0 : index
      %get3A_651 = tpu.vector_load %arg14[%get3A_649, %get3A_650] {strides = array<i32>} : memref<5504x16xf32, #tpu.memory_space<vmem>>, vector<1x16xf32>,
      %get3A_652 = vector.shape_cast %get3A_651 : vector<1x16xf32> to vector<16xf32>
      %add3A_653 = arith.addf %add3A_642, %get3A_652 : vector<16xf32>
      %mul3A_654 = arith.mulf %get3A_652, %get3A_652 : vector<16xf32>
      %add3A_655 = arith.addf %add3A_644, %mul3A_654 : vector<16xf32>
      %get3A_656 = arith.index_cast %add3A_648 : i32 to index
      %get3A_657 = tpu.vector_load %arg15[%get3A_656] {strides = array<i32>} : memref<5520xf32, #tpu.memory_space<vmem>>, vector<16xf32>,
      %get3A_658 = vector.shape_cast %get3A_657 : vector<16xf32> to vector<16xf32>
      %slice3A_659 = vector.extract_strided_slice %get3A_421 {offsets = [2], sizes = [1], strides = [1]} : vector<16xi32> to vector<1xi32>
      %squeeze3A_660 = vector.extract %slice3A_659[0] : i32 from vector<1xi32>
      %add3A_661 = arith.constant 19 : i32
      %add3A_662 = arith.addi %add3A_661, %squeeze3A_660 : i32
      %get3A_663 = arith.index_cast %add3A_662 : i32 to index
      %get3A_664 = arith.constant 0 : index
      %get3A_665 = tpu.vector_load %arg14[%get3A_663, %get3A_664] {strides = array<i32>} : memref<5504x16xf32, #tpu.memory_space<vmem>>, vector<1x16xf32>,
      %get3A_666 = vector.shape_cast %get3A_665 : vector<1x16xf32> to vector<16xf32>
      %add3A_667 = arith.addf %add3A_653, %get3A_666 : vector<16xf32>
      %mul3A_668 = arith.mulf %get3A_666, %get3A_666 : vector<16xf32>
      %add3A_669 = arith.addf %add3A_655, %mul3A_668 : vector<16xf32>
      %get3A_670 = arith.index_cast %add3A_662 : i32 to index
      %get3A_671 = tpu.vector_load %arg15[%get3A_670] {strides = array<i32>} : memref<5520xf32, #tpu.memory_space<vmem>>, vector<16xf32>,
      %get3A_672 = vector.shape_cast %get3A_671 : vector<16xf32> to vector<16xf32>
      %add3A_673 = arith.addf %get3A_658, %get3A_672 : vector<16xf32>
      %slice3A_674 = vector.extract_strided_slice %get3A_426 {offsets = [2], sizes = [1], strides = [1]} : vector<16xi32> to vector<1xi32>
      %squeeze3A_675 = vector.extract %slice3A_674[0] : i32 from vector<1xi32>
      %add3A_676 = arith.constant 135 : i32
      %add3A_677 = arith.addi %add3A_676, %squeeze3A_675 : i32
      %get3A_678 = arith.index_cast %add3A_677 : i32 to index
      %get3A_679 = arith.constant 0 : index
      %get3A_680 = tpu.vector_load %arg14[%get3A_678, %get3A_679] {strides = array<i32>} : memref<5504x16xf32, #tpu.memory_space<vmem>>, vector<1x16xf32>,
      %get3A_681 = vector.shape_cast %get3A_680 : vector<1x16xf32> to vector<16xf32>
      %add3A_682 = arith.addf %add3A_667, %get3A_681 : vector<16xf32>
      %mul3A_683 = arith.mulf %get3A_681, %get3A_681 : vector<16xf32>
      %add3A_684 = arith.addf %add3A_669, %mul3A_683 : vector<16xf32>
      %get3A_685 = arith.index_cast %add3A_677 : i32 to index
      %get3A_686 = tpu.vector_load %arg15[%get3A_685] {strides = array<i32>} : memref<5520xf32, #tpu.memory_space<vmem>>, vector<16xf32>,
      %get3A_687 = vector.shape_cast %get3A_686 : vector<16xf32> to vector<16xf32>
      %add3A_688 = arith.addf %add3A_673, %get3A_687 : vector<16xf32>
      %slice3A_689 = vector.extract_strided_slice %get3A_431 {offsets = [2], sizes = [1], strides = [1]} : vector<16xi32> to vector<1xi32>
      %squeeze3A_690 = vector.extract %slice3A_689[0] : i32 from vector<1xi32>
      %add3A_691 = arith.constant 193 : i32
      %add3A_692 = arith.addi %add3A_691, %squeeze3A_690 : i32
      %get3A_693 = arith.index_cast %add3A_692 : i32 to index
      %get3A_694 = arith.constant 0 : index
      %get3A_695 = tpu.vector_load %arg14[%get3A_693, %get3A_694] {strides = array<i32>} : memref<5504x16xf32, #tpu.memory_space<vmem>>, vector<1x16xf32>,
      %get3A_696 = vector.shape_cast %get3A_695 : vector<1x16xf32> to vector<16xf32>
      %add3A_697 = arith.addf %add3A_682, %get3A_696 : vector<16xf32>
      %mul3A_698 = arith.mulf %get3A_696, %get3A_696 : vector<16xf32>
      %add3A_699 = arith.addf %add3A_684, %mul3A_698 : vector<16xf32>
      %get3A_700 = arith.index_cast %add3A_692 : i32 to index
      %get3A_701 = tpu.vector_load %arg15[%get3A_700] {strides = array<i32>} : memref<5520xf32, #tpu.memory_space<vmem>>, vector<16xf32>,
      %get3A_702 = vector.shape_cast %get3A_701 : vector<16xf32> to vector<16xf32>
      %add3A_703 = arith.addf %add3A_688, %get3A_702 : vector<16xf32>
      %slice3A_704 = vector.extract_strided_slice %get3A_436 {offsets = [2], sizes = [1], strides = [1]} : vector<16xi32> to vector<1xi32>
      %squeeze3A_705 = vector.extract %slice3A_704[0] : i32 from vector<1xi32>
      %add3A_706 = arith.constant 497 : i32
      %add3A_707 = arith.addi %add3A_706, %squeeze3A_705 : i32
      %get3A_708 = arith.index_cast %add3A_707 : i32 to index
      %get3A_709 = arith.constant 0 : index
      %get3A_710 = tpu.vector_load %arg14[%get3A_708, %get3A_709] {strides = array<i32>} : memref<5504x16xf32, #tpu.memory_space<vmem>>, vector<1x16xf32>,
      %get3A_711 = vector.shape_cast %get3A_710 : vector<1x16xf32> to vector<16xf32>
      %add3A_712 = arith.addf %add3A_697, %get3A_711 : vector<16xf32>
      %mul3A_713 = arith.mulf %get3A_711, %get3A_711 : vector<16xf32>
      %add3A_714 = arith.addf %add3A_699, %mul3A_713 : vector<16xf32>
      %get3A_715 = arith.index_cast %add3A_707 : i32 to index
      %get3A_716 = tpu.vector_load %arg15[%get3A_715] {strides = array<i32>} : memref<5520xf32, #tpu.memory_space<vmem>>, vector<16xf32>,
      %get3A_717 = vector.shape_cast %get3A_716 : vector<16xf32> to vector<16xf32>
      %add3A_718 = arith.addf %add3A_703, %get3A_717 : vector<16xf32>
      %mul3A_719 = arith.mulf %add3A_712, %add3A_712 : vector<16xf32>
      %sub3A_720 = arith.subf %mul3A_719, %add3A_714 : vector<16xf32>
      %mul3A_721 = arith.constant 2.000000e+00 : f32
      %mul3A_722 = vector.broadcast %mul3A_721 : f32 to vector<16xf32>
      %mul3A_723 = arith.mulf %mul3A_722, %add3A_718 : vector<16xf32>
      %jit3A_724 = arith.constant 0.000000e+00 : f32
      %broadcast_in_dim3A_725 = vector.broadcast %jit3A_724 : f32 to vector<16xf32>
      %select_n3A_726 = arith.select %eq3A_403, %mul3A_723, %broadcast_in_dim3A_725 : vector<16xi1>, vector<16xf32>
      %add3A_727 = arith.addf %sub3A_720, %select_n3A_726 : vector<16xf32>
      %add3A_728 = arith.constant 3 : i32
      %add3A_729 = arith.addi %mul3A_412, %add3A_728 : i32
      %get3A_730 = arith.index_cast %add3A_729 : i32 to index
      %get3A_731 = arith.constant 0 : index
      %get3A_732 = tpu.vector_load %arg16[%get3A_730, %get3A_731] {strides = array<i32>} : memref<1024x16xf32, #tpu.memory_space<vmem>>, vector<1x16xf32>,
      %get3A_733 = vector.shape_cast %get3A_732 : vector<1x16xf32> to vector<16xf32>
      %mul3A_734 = arith.mulf %get3A_733, %get3A_733 : vector<16xf32>
      %add3A_735 = arith.constant 512 : i32
      %add3A_736 = arith.addi %add3A_735, %add3A_729 : i32
      %get3A_737 = arith.index_cast %add3A_736 : i32 to index
      %get3A_738 = arith.constant 0 : index
      %get3A_739 = tpu.vector_load %arg16[%get3A_737, %get3A_738] {strides = array<i32>} : memref<1024x16xf32, #tpu.memory_space<vmem>>, vector<1x16xf32>,
      %get3A_740 = vector.shape_cast %get3A_739 : vector<1x16xf32> to vector<16xf32>
      %add3A_741 = arith.addf %get3A_733, %get3A_740 : vector<16xf32>
      %mul3A_742 = arith.mulf %get3A_740, %get3A_740 : vector<16xf32>
      %add3A_743 = arith.addf %mul3A_734, %mul3A_742 : vector<16xf32>
      %slice3A_744 = vector.extract_strided_slice %get3A_416 {offsets = [3], sizes = [1], strides = [1]} : vector<16xi32> to vector<1xi32>
      %squeeze3A_745 = vector.extract %slice3A_744[0] : i32 from vector<1xi32>
      %add3A_746 = arith.constant 0 : i32
      %add3A_747 = arith.addi %add3A_746, %squeeze3A_745 : i32
      %get3A_748 = arith.index_cast %add3A_747 : i32 to index
      %get3A_749 = arith.constant 0 : index
      %get3A_750 = tpu.vector_load %arg14[%get3A_748, %get3A_749] {strides = array<i32>} : memref<5504x16xf32, #tpu.memory_space<vmem>>, vector<1x16xf32>,
      %get3A_751 = vector.shape_cast %get3A_750 : vector<1x16xf32> to vector<16xf32>
      %add3A_752 = arith.addf %add3A_741, %get3A_751 : vector<16xf32>
      %mul3A_753 = arith.mulf %get3A_751, %get3A_751 : vector<16xf32>
      %add3A_754 = arith.addf %add3A_743, %mul3A_753 : vector<16xf32>
      %get3A_755 = arith.index_cast %add3A_747 : i32 to index
      %get3A_756 = tpu.vector_load %arg15[%get3A_755] {strides = array<i32>} : memref<5520xf32, #tpu.memory_space<vmem>>, vector<16xf32>,
      %get3A_757 = vector.shape_cast %get3A_756 : vector<16xf32> to vector<16xf32>
      %slice3A_758 = vector.extract_strided_slice %get3A_421 {offsets = [3], sizes = [1], strides = [1]} : vector<16xi32> to vector<1xi32>
      %squeeze3A_759 = vector.extract %slice3A_758[0] : i32 from vector<1xi32>
      %add3A_760 = arith.constant 19 : i32
      %add3A_761 = arith.addi %add3A_760, %squeeze3A_759 : i32
      %get3A_762 = arith.index_cast %add3A_761 : i32 to index
      %get3A_763 = arith.constant 0 : index
      %get3A_764 = tpu.vector_load %arg14[%get3A_762, %get3A_763] {strides = array<i32>} : memref<5504x16xf32, #tpu.memory_space<vmem>>, vector<1x16xf32>,
      %get3A_765 = vector.shape_cast %get3A_764 : vector<1x16xf32> to vector<16xf32>
      %add3A_766 = arith.addf %add3A_752, %get3A_765 : vector<16xf32>
      %mul3A_767 = arith.mulf %get3A_765, %get3A_765 : vector<16xf32>
      %add3A_768 = arith.addf %add3A_754, %mul3A_767 : vector<16xf32>
      %get3A_769 = arith.index_cast %add3A_761 : i32 to index
      %get3A_770 = tpu.vector_load %arg15[%get3A_769] {strides = array<i32>} : memref<5520xf32, #tpu.memory_space<vmem>>, vector<16xf32>,
      %get3A_771 = vector.shape_cast %get3A_770 : vector<16xf32> to vector<16xf32>
      %add3A_772 = arith.addf %get3A_757, %get3A_771 : vector<16xf32>
      %slice3A_773 = vector.extract_strided_slice %get3A_426 {offsets = [3], sizes = [1], strides = [1]} : vector<16xi32> to vector<1xi32>
      %squeeze3A_774 = vector.extract %slice3A_773[0] : i32 from vector<1xi32>
      %add3A_775 = arith.constant 135 : i32
      %add3A_776 = arith.addi %add3A_775, %squeeze3A_774 : i32
      %get3A_777 = arith.index_cast %add3A_776 : i32 to index
      %get3A_778 = arith.constant 0 : index
      %get3A_779 = tpu.vector_load %arg14[%get3A_777, %get3A_778] {strides = array<i32>} : memref<5504x16xf32, #tpu.memory_space<vmem>>, vector<1x16xf32>,
      %get3A_780 = vector.shape_cast %get3A_779 : vector<1x16xf32> to vector<16xf32>
      %add3A_781 = arith.addf %add3A_766, %get3A_780 : vector<16xf32>
      %mul3A_782 = arith.mulf %get3A_780, %get3A_780 : vector<16xf32>
      %add3A_783 = arith.addf %add3A_768, %mul3A_782 : vector<16xf32>
      %get3A_784 = arith.index_cast %add3A_776 : i32 to index
      %get3A_785 = tpu.vector_load %arg15[%get3A_784] {strides = array<i32>} : memref<5520xf32, #tpu.memory_space<vmem>>, vector<16xf32>,
      %get3A_786 = vector.shape_cast %get3A_785 : vector<16xf32> to vector<16xf32>
      %add3A_787 = arith.addf %add3A_772, %get3A_786 : vector<16xf32>
      %slice3A_788 = vector.extract_strided_slice %get3A_431 {offsets = [3], sizes = [1], strides = [1]} : vector<16xi32> to vector<1xi32>
      %squeeze3A_789 = vector.extract %slice3A_788[0] : i32 from vector<1xi32>
      %add3A_790 = arith.constant 193 : i32
      %add3A_791 = arith.addi %add3A_790, %squeeze3A_789 : i32
      %get3A_792 = arith.index_cast %add3A_791 : i32 to index
      %get3A_793 = arith.constant 0 : index
      %get3A_794 = tpu.vector_load %arg14[%get3A_792, %get3A_793] {strides = array<i32>} : memref<5504x16xf32, #tpu.memory_space<vmem>>, vector<1x16xf32>,
      %get3A_795 = vector.shape_cast %get3A_794 : vector<1x16xf32> to vector<16xf32>
      %add3A_796 = arith.addf %add3A_781, %get3A_795 : vector<16xf32>
      %mul3A_797 = arith.mulf %get3A_795, %get3A_795 : vector<16xf32>
      %add3A_798 = arith.addf %add3A_783, %mul3A_797 : vector<16xf32>
      %get3A_799 = arith.index_cast %add3A_791 : i32 to index
      %get3A_800 = tpu.vector_load %arg15[%get3A_799] {strides = array<i32>} : memref<5520xf32, #tpu.memory_space<vmem>>, vector<16xf32>,
      %get3A_801 = vector.shape_cast %get3A_800 : vector<16xf32> to vector<16xf32>
      %add3A_802 = arith.addf %add3A_787, %get3A_801 : vector<16xf32>
      %slice3A_803 = vector.extract_strided_slice %get3A_436 {offsets = [3], sizes = [1], strides = [1]} : vector<16xi32> to vector<1xi32>
      %squeeze3A_804 = vector.extract %slice3A_803[0] : i32 from vector<1xi32>
      %add3A_805 = arith.constant 497 : i32
      %add3A_806 = arith.addi %add3A_805, %squeeze3A_804 : i32
      %get3A_807 = arith.index_cast %add3A_806 : i32 to index
      %get3A_808 = arith.constant 0 : index
      %get3A_809 = tpu.vector_load %arg14[%get3A_807, %get3A_808] {strides = array<i32>} : memref<5504x16xf32, #tpu.memory_space<vmem>>, vector<1x16xf32>,
      %get3A_810 = vector.shape_cast %get3A_809 : vector<1x16xf32> to vector<16xf32>
      %add3A_811 = arith.addf %add3A_796, %get3A_810 : vector<16xf32>
      %mul3A_812 = arith.mulf %get3A_810, %get3A_810 : vector<16xf32>
      %add3A_813 = arith.addf %add3A_798, %mul3A_812 : vector<16xf32>
      %get3A_814 = arith.index_cast %add3A_806 : i32 to index
      %get3A_815 = tpu.vector_load %arg15[%get3A_814] {strides = array<i32>} : memref<5520xf32, #tpu.memory_space<vmem>>, vector<16xf32>,
      %get3A_816 = vector.shape_cast %get3A_815 : vector<16xf32> to vector<16xf32>
      %add3A_817 = arith.addf %add3A_802, %get3A_816 : vector<16xf32>
      %mul3A_818 = arith.mulf %add3A_811, %add3A_811 : vector<16xf32>
      %sub3A_819 = arith.subf %mul3A_818, %add3A_813 : vector<16xf32>
      %mul3A_820 = arith.constant 2.000000e+00 : f32
      %mul3A_821 = vector.broadcast %mul3A_820 : f32 to vector<16xf32>
      %mul3A_822 = arith.mulf %mul3A_821, %add3A_817 : vector<16xf32>
      %jit3A_823 = arith.constant 0.000000e+00 : f32
      %broadcast_in_dim3A_824 = vector.broadcast %jit3A_823 : f32 to vector<16xf32>
      %select_n3A_825 = arith.select %eq3A_403, %mul3A_822, %broadcast_in_dim3A_824 : vector<16xi1>, vector<16xf32>
      %add3A_826 = arith.addf %sub3A_819, %select_n3A_825 : vector<16xf32>
      %add3A_827 = arith.constant 4 : i32
      %add3A_828 = arith.addi %mul3A_412, %add3A_827 : i32
      %get3A_829 = arith.index_cast %add3A_828 : i32 to index
      %get3A_830 = arith.constant 0 : index
      %get3A_831 = tpu.vector_load %arg16[%get3A_829, %get3A_830] {strides = array<i32>} : memref<1024x16xf32, #tpu.memory_space<vmem>>, vector<1x16xf32>,
      %get3A_832 = vector.shape_cast %get3A_831 : vector<1x16xf32> to vector<16xf32>
      %mul3A_833 = arith.mulf %get3A_832, %get3A_832 : vector<16xf32>
      %add3A_834 = arith.constant 512 : i32
      %add3A_835 = arith.addi %add3A_834, %add3A_828 : i32
      %get3A_836 = arith.index_cast %add3A_835 : i32 to index
      %get3A_837 = arith.constant 0 : index
      %get3A_838 = tpu.vector_load %arg16[%get3A_836, %get3A_837] {strides = array<i32>} : memref<1024x16xf32, #tpu.memory_space<vmem>>, vector<1x16xf32>,
      %get3A_839 = vector.shape_cast %get3A_838 : vector<1x16xf32> to vector<16xf32>
      %add3A_840 = arith.addf %get3A_832, %get3A_839 : vector<16xf32>
      %mul3A_841 = arith.mulf %get3A_839, %get3A_839 : vector<16xf32>
      %add3A_842 = arith.addf %mul3A_833, %mul3A_841 : vector<16xf32>
      %slice3A_843 = vector.extract_strided_slice %get3A_416 {offsets = [4], sizes = [1], strides = [1]} : vector<16xi32> to vector<1xi32>
      %squeeze3A_844 = vector.extract %slice3A_843[0] : i32 from vector<1xi32>
      %add3A_845 = arith.constant 0 : i32
      %add3A_846 = arith.addi %add3A_845, %squeeze3A_844 : i32
      %get3A_847 = arith.index_cast %add3A_846 : i32 to index
      %get3A_848 = arith.constant 0 : index
      %get3A_849 = tpu.vector_load %arg14[%get3A_847, %get3A_848] {strides = array<i32>} : memref<5504x16xf32, #tpu.memory_space<vmem>>, vector<1x16xf32>,
      %get3A_850 = vector.shape_cast %get3A_849 : vector<1x16xf32> to vector<16xf32>
      %add3A_851 = arith.addf %add3A_840, %get3A_850 : vector<16xf32>
      %mul3A_852 = arith.mulf %get3A_850, %get3A_850 : vector<16xf32>
      %add3A_853 = arith.addf %add3A_842, %mul3A_852 : vector<16xf32>
      %get3A_854 = arith.index_cast %add3A_846 : i32 to index
      %get3A_855 = tpu.vector_load %arg15[%get3A_854] {strides = array<i32>} : memref<5520xf32, #tpu.memory_space<vmem>>, vector<16xf32>,
      %get3A_856 = vector.shape_cast %get3A_855 : vector<16xf32> to vector<16xf32>
      %slice3A_857 = vector.extract_strided_slice %get3A_421 {offsets = [4], sizes = [1], strides = [1]} : vector<16xi32> to vector<1xi32>
      %squeeze3A_858 = vector.extract %slice3A_857[0] : i32 from vector<1xi32>
      %add3A_859 = arith.constant 19 : i32
      %add3A_860 = arith.addi %add3A_859, %squeeze3A_858 : i32
      %get3A_861 = arith.index_cast %add3A_860 : i32 to index
      %get3A_862 = arith.constant 0 : index
      %get3A_863 = tpu.vector_load %arg14[%get3A_861, %get3A_862] {strides = array<i32>} : memref<5504x16xf32, #tpu.memory_space<vmem>>, vector<1x16xf32>,
      %get3A_864 = vector.shape_cast %get3A_863 : vector<1x16xf32> to vector<16xf32>
      %add3A_865 = arith.addf %add3A_851, %get3A_864 : vector<16xf32>
      %mul3A_866 = arith.mulf %get3A_864, %get3A_864 : vector<16xf32>
      %add3A_867 = arith.addf %add3A_853, %mul3A_866 : vector<16xf32>
      %get3A_868 = arith.index_cast %add3A_860 : i32 to index
      %get3A_869 = tpu.vector_load %arg15[%get3A_868] {strides = array<i32>} : memref<5520xf32, #tpu.memory_space<vmem>>, vector<16xf32>,
      %get3A_870 = vector.shape_cast %get3A_869 : vector<16xf32> to vector<16xf32>
      %add3A_871 = arith.addf %get3A_856, %get3A_870 : vector<16xf32>
      %slice3A_872 = vector.extract_strided_slice %get3A_426 {offsets = [4], sizes = [1], strides = [1]} : vector<16xi32> to vector<1xi32>
      %squeeze3A_873 = vector.extract %slice3A_872[0] : i32 from vector<1xi32>
      %add3A_874 = arith.constant 135 : i32
      %add3A_875 = arith.addi %add3A_874, %squeeze3A_873 : i32
      %get3A_876 = arith.index_cast %add3A_875 : i32 to index
      %get3A_877 = arith.constant 0 : index
      %get3A_878 = tpu.vector_load %arg14[%get3A_876, %get3A_877] {strides = array<i32>} : memref<5504x16xf32, #tpu.memory_space<vmem>>, vector<1x16xf32>,
      %get3A_879 = vector.shape_cast %get3A_878 : vector<1x16xf32> to vector<16xf32>
      %add3A_880 = arith.addf %add3A_865, %get3A_879 : vector<16xf32>
      %mul3A_881 = arith.mulf %get3A_879, %get3A_879 : vector<16xf32>
      %add3A_882 = arith.addf %add3A_867, %mul3A_881 : vector<16xf32>
      %get3A_883 = arith.index_cast %add3A_875 : i32 to index
      %get3A_884 = tpu.vector_load %arg15[%get3A_883] {strides = array<i32>} : memref<5520xf32, #tpu.memory_space<vmem>>, vector<16xf32>,
      %get3A_885 = vector.shape_cast %get3A_884 : vector<16xf32> to vector<16xf32>
      %add3A_886 = arith.addf %add3A_871, %get3A_885 : vector<16xf32>
      %slice3A_887 = vector.extract_strided_slice %get3A_431 {offsets = [4], sizes = [1], strides = [1]} : vector<16xi32> to vector<1xi32>
      %squeeze3A_888 = vector.extract %slice3A_887[0] : i32 from vector<1xi32>
      %add3A_889 = arith.constant 193 : i32
      %add3A_890 = arith.addi %add3A_889, %squeeze3A_888 : i32
      %get3A_891 = arith.index_cast %add3A_890 : i32 to index
      %get3A_892 = arith.constant 0 : index
      %get3A_893 = tpu.vector_load %arg14[%get3A_891, %get3A_892] {strides = array<i32>} : memref<5504x16xf32, #tpu.memory_space<vmem>>, vector<1x16xf32>,
      %get3A_894 = vector.shape_cast %get3A_893 : vector<1x16xf32> to vector<16xf32>
      %add3A_895 = arith.addf %add3A_880, %get3A_894 : vector<16xf32>
      %mul3A_896 = arith.mulf %get3A_894, %get3A_894 : vector<16xf32>
      %add3A_897 = arith.addf %add3A_882, %mul3A_896 : vector<16xf32>
      %get3A_898 = arith.index_cast %add3A_890 : i32 to index
      %get3A_899 = tpu.vector_load %arg15[%get3A_898] {strides = array<i32>} : memref<5520xf32, #tpu.memory_space<vmem>>, vector<16xf32>,
      %get3A_900 = vector.shape_cast %get3A_899 : vector<16xf32> to vector<16xf32>
      %add3A_901 = arith.addf %add3A_886, %get3A_900 : vector<16xf32>
      %slice3A_902 = vector.extract_strided_slice %get3A_436 {offsets = [4], sizes = [1], strides = [1]} : vector<16xi32> to vector<1xi32>
      %squeeze3A_903 = vector.extract %slice3A_902[0] : i32 from vector<1xi32>
      %add3A_904 = arith.constant 497 : i32
      %add3A_905 = arith.addi %add3A_904, %squeeze3A_903 : i32
      %get3A_906 = arith.index_cast %add3A_905 : i32 to index
      %get3A_907 = arith.constant 0 : index
      %get3A_908 = tpu.vector_load %arg14[%get3A_906, %get3A_907] {strides = array<i32>} : memref<5504x16xf32, #tpu.memory_space<vmem>>, vector<1x16xf32>,
      %get3A_909 = vector.shape_cast %get3A_908 : vector<1x16xf32> to vector<16xf32>
      %add3A_910 = arith.addf %add3A_895, %get3A_909 : vector<16xf32>
      %mul3A_911 = arith.mulf %get3A_909, %get3A_909 : vector<16xf32>
      %add3A_912 = arith.addf %add3A_897, %mul3A_911 : vector<16xf32>
      %get3A_913 = arith.index_cast %add3A_905 : i32 to index
      %get3A_914 = tpu.vector_load %arg15[%get3A_913] {strides = array<i32>} : memref<5520xf32, #tpu.memory_space<vmem>>, vector<16xf32>,
      %get3A_915 = vector.shape_cast %get3A_914 : vector<16xf32> to vector<16xf32>
      %add3A_916 = arith.addf %add3A_901, %get3A_915 : vector<16xf32>
      %mul3A_917 = arith.mulf %add3A_910, %add3A_910 : vector<16xf32>
      %sub3A_918 = arith.subf %mul3A_917, %add3A_912 : vector<16xf32>
      %mul3A_919 = arith.constant 2.000000e+00 : f32
      %mul3A_920 = vector.broadcast %mul3A_919 : f32 to vector<16xf32>
      %mul3A_921 = arith.mulf %mul3A_920, %add3A_916 : vector<16xf32>
      %jit3A_922 = arith.constant 0.000000e+00 : f32
      %broadcast_in_dim3A_923 = vector.broadcast %jit3A_922 : f32 to vector<16xf32>
      %select_n3A_924 = arith.select %eq3A_403, %mul3A_921, %broadcast_in_dim3A_923 : vector<16xi1>, vector<16xf32>
      %add3A_925 = arith.addf %sub3A_918, %select_n3A_924 : vector<16xf32>
      %add3A_926 = arith.constant 5 : i32
      %add3A_927 = arith.addi %mul3A_412, %add3A_926 : i32
      %get3A_928 = arith.index_cast %add3A_927 : i32 to index
      %get3A_929 = arith.constant 0 : index
      %get3A_930 = tpu.vector_load %arg16[%get3A_928, %get3A_929] {strides = array<i32>} : memref<1024x16xf32, #tpu.memory_space<vmem>>, vector<1x16xf32>,
      %get3A_931 = vector.shape_cast %get3A_930 : vector<1x16xf32> to vector<16xf32>
      %mul3A_932 = arith.mulf %get3A_931, %get3A_931 : vector<16xf32>
      %add3A_933 = arith.constant 512 : i32
      %add3A_934 = arith.addi %add3A_933, %add3A_927 : i32
      %get3A_935 = arith.index_cast %add3A_934 : i32 to index
      %get3A_936 = arith.constant 0 : index
      %get3A_937 = tpu.vector_load %arg16[%get3A_935, %get3A_936] {strides = array<i32>} : memref<1024x16xf32, #tpu.memory_space<vmem>>, vector<1x16xf32>,
      %get3A_938 = vector.shape_cast %get3A_937 : vector<1x16xf32> to vector<16xf32>
      %add3A_939 = arith.addf %get3A_931, %get3A_938 : vector<16xf32>
      %mul3A_940 = arith.mulf %get3A_938, %get3A_938 : vector<16xf32>
      %add3A_941 = arith.addf %mul3A_932, %mul3A_940 : vector<16xf32>
      %slice3A_942 = vector.extract_strided_slice %get3A_416 {offsets = [5], sizes = [1], strides = [1]} : vector<16xi32> to vector<1xi32>
      %squeeze3A_943 = vector.extract %slice3A_942[0] : i32 from vector<1xi32>
      %add3A_944 = arith.constant 0 : i32
      %add3A_945 = arith.addi %add3A_944, %squeeze3A_943 : i32
      %get3A_946 = arith.index_cast %add3A_945 : i32 to index
      %get3A_947 = arith.constant 0 : index
      %get3A_948 = tpu.vector_load %arg14[%get3A_946, %get3A_947] {strides = array<i32>} : memref<5504x16xf32, #tpu.memory_space<vmem>>, vector<1x16xf32>,
      %get3A_949 = vector.shape_cast %get3A_948 : vector<1x16xf32> to vector<16xf32>
      %add3A_950 = arith.addf %add3A_939, %get3A_949 : vector<16xf32>
      %mul3A_951 = arith.mulf %get3A_949, %get3A_949 : vector<16xf32>
      %add3A_952 = arith.addf %add3A_941, %mul3A_951 : vector<16xf32>
      %get3A_953 = arith.index_cast %add3A_945 : i32 to index
      %get3A_954 = tpu.vector_load %arg15[%get3A_953] {strides = array<i32>} : memref<5520xf32, #tpu.memory_space<vmem>>, vector<16xf32>,
      %get3A_955 = vector.shape_cast %get3A_954 : vector<16xf32> to vector<16xf32>
      %slice3A_956 = vector.extract_strided_slice %get3A_421 {offsets = [5], sizes = [1], strides = [1]} : vector<16xi32> to vector<1xi32>
      %squeeze3A_957 = vector.extract %slice3A_956[0] : i32 from vector<1xi32>
      %add3A_958 = arith.constant 19 : i32
      %add3A_959 = arith.addi %add3A_958, %squeeze3A_957 : i32
      %get3A_960 = arith.index_cast %add3A_959 : i32 to index
      %get3A_961 = arith.constant 0 : index
      %get3A_962 = tpu.vector_load %arg14[%get3A_960, %get3A_961] {strides = array<i32>} : memref<5504x16xf32, #tpu.memory_space<vmem>>, vector<1x16xf32>,
      %get3A_963 = vector.shape_cast %get3A_962 : vector<1x16xf32> to vector<16xf32>
      %add3A_964 = arith.addf %add3A_950, %get3A_963 : vector<16xf32>
      %mul3A_965 = arith.mulf %get3A_963, %get3A_963 : vector<16xf32>
      %add3A_966 = arith.addf %add3A_952, %mul3A_965 : vector<16xf32>
      %get3A_967 = arith.index_cast %add3A_959 : i32 to index
      %get3A_968 = tpu.vector_load %arg15[%get3A_967] {strides = array<i32>} : memref<5520xf32, #tpu.memory_space<vmem>>, vector<16xf32>,
      %get3A_969 = vector.shape_cast %get3A_968 : vector<16xf32> to vector<16xf32>
      %add3A_970 = arith.addf %get3A_955, %get3A_969 : vector<16xf32>
      %slice3A_971 = vector.extract_strided_slice %get3A_426 {offsets = [5], sizes = [1], strides = [1]} : vector<16xi32> to vector<1xi32>
      %squeeze3A_972 = vector.extract %slice3A_971[0] : i32 from vector<1xi32>
      %add3A_973 = arith.constant 135 : i32
      %add3A_974 = arith.addi %add3A_973, %squeeze3A_972 : i32
      %get3A_975 = arith.index_cast %add3A_974 : i32 to index
      %get3A_976 = arith.constant 0 : index
      %get3A_977 = tpu.vector_load %arg14[%get3A_975, %get3A_976] {strides = array<i32>} : memref<5504x16xf32, #tpu.memory_space<vmem>>, vector<1x16xf32>,
      %get3A_978 = vector.shape_cast %get3A_977 : vector<1x16xf32> to vector<16xf32>
      %add3A_979 = arith.addf %add3A_964, %get3A_978 : vector<16xf32>
      %mul3A_980 = arith.mulf %get3A_978, %get3A_978 : vector<16xf32>
      %add3A_981 = arith.addf %add3A_966, %mul3A_980 : vector<16xf32>
      %get3A_982 = arith.index_cast %add3A_974 : i32 to index
      %get3A_983 = tpu.vector_load %arg15[%get3A_982] {strides = array<i32>} : memref<5520xf32, #tpu.memory_space<vmem>>, vector<16xf32>,
      %get3A_984 = vector.shape_cast %get3A_983 : vector<16xf32> to vector<16xf32>
      %add3A_985 = arith.addf %add3A_970, %get3A_984 : vector<16xf32>
      %slice3A_986 = vector.extract_strided_slice %get3A_431 {offsets = [5], sizes = [1], strides = [1]} : vector<16xi32> to vector<1xi32>
      %squeeze3A_987 = vector.extract %slice3A_986[0] : i32 from vector<1xi32>
      %add3A_988 = arith.constant 193 : i32
      %add3A_989 = arith.addi %add3A_988, %squeeze3A_987 : i32
      %get3A_990 = arith.index_cast %add3A_989 : i32 to index
      %get3A_991 = arith.constant 0 : index
      %get3A_992 = tpu.vector_load %arg14[%get3A_990, %get3A_991] {strides = array<i32>} : memref<5504x16xf32, #tpu.memory_space<vmem>>, vector<1x16xf32>,
      %get3A_993 = vector.shape_cast %get3A_992 : vector<1x16xf32> to vector<16xf32>
      %add3A_994 = arith.addf %add3A_979, %get3A_993 : vector<16xf32>
      %mul3A_995 = arith.mulf %get3A_993, %get3A_993 : vector<16xf32>
      %add3A_996 = arith.addf %add3A_981, %mul3A_995 : vector<16xf32>
      %get3A_997 = arith.index_cast %add3A_989 : i32 to index
      %get3A_998 = tpu.vector_load %arg15[%get3A_997] {strides = array<i32>} : memref<5520xf32, #tpu.memory_space<vmem>>, vector<16xf32>,
      %get3A_999 = vector.shape_cast %get3A_998 : vector<16xf32> to vector<16xf32>
      %add3A_1000 = arith.addf %add3A_985, %get3A_999 : vector<16xf32>
      %slice3A_1001 = vector.extract_strided_slice %get3A_436 {offsets = [5], sizes = [1], strides = [1]} : vector<16xi32> to vector<1xi32>
      %squeeze3A_1002 = vector.extract %slice3A_1001[0] : i32 from vector<1xi32>
      %add3A_1003 = arith.constant 497 : i32
      %add3A_1004 = arith.addi %add3A_1003, %squeeze3A_1002 : i32
      %get3A_1005 = arith.index_cast %add3A_1004 : i32 to index
      %get3A_1006 = arith.constant 0 : index
      %get3A_1007 = tpu.vector_load %arg14[%get3A_1005, %get3A_1006] {strides = array<i32>} : memref<5504x16xf32, #tpu.memory_space<vmem>>, vector<1x16xf32>,
      %get3A_1008 = vector.shape_cast %get3A_1007 : vector<1x16xf32> to vector<16xf32>
      %add3A_1009 = arith.addf %add3A_994, %get3A_1008 : vector<16xf32>
      %mul3A_1010 = arith.mulf %get3A_1008, %get3A_1008 : vector<16xf32>
      %add3A_1011 = arith.addf %add3A_996, %mul3A_1010 : vector<16xf32>
      %get3A_1012 = arith.index_cast %add3A_1004 : i32 to index
      %get3A_1013 = tpu.vector_load %arg15[%get3A_1012] {strides = array<i32>} : memref<5520xf32, #tpu.memory_space<vmem>>, vector<16xf32>,
      %get3A_1014 = vector.shape_cast %get3A_1013 : vector<16xf32> to vector<16xf32>
      %add3A_1015 = arith.addf %add3A_1000, %get3A_1014 : vector<16xf32>
      %mul3A_1016 = arith.mulf %add3A_1009, %add3A_1009 : vector<16xf32>
      %sub3A_1017 = arith.subf %mul3A_1016, %add3A_1011 : vector<16xf32>
      %mul3A_1018 = arith.constant 2.000000e+00 : f32
      %mul3A_1019 = vector.broadcast %mul3A_1018 : f32 to vector<16xf32>
      %mul3A_1020 = arith.mulf %mul3A_1019, %add3A_1015 : vector<16xf32>
      %jit3A_1021 = arith.constant 0.000000e+00 : f32
      %broadcast_in_dim3A_1022 = vector.broadcast %jit3A_1021 : f32 to vector<16xf32>
      %select_n3A_1023 = arith.select %eq3A_403, %mul3A_1020, %broadcast_in_dim3A_1022 : vector<16xi1>, vector<16xf32>
      %add3A_1024 = arith.addf %sub3A_1017, %select_n3A_1023 : vector<16xf32>
      %add3A_1025 = arith.constant 6 : i32
      %add3A_1026 = arith.addi %mul3A_412, %add3A_1025 : i32
      %get3A_1027 = arith.index_cast %add3A_1026 : i32 to index
      %get3A_1028 = arith.constant 0 : index
      %get3A_1029 = tpu.vector_load %arg16[%get3A_1027, %get3A_1028] {strides = array<i32>} : memref<1024x16xf32, #tpu.memory_space<vmem>>, vector<1x16xf32>,
      %get3A_1030 = vector.shape_cast %get3A_1029 : vector<1x16xf32> to vector<16xf32>
      %mul3A_1031 = arith.mulf %get3A_1030, %get3A_1030 : vector<16xf32>
      %add3A_1032 = arith.constant 512 : i32
      %add3A_1033 = arith.addi %add3A_1032, %add3A_1026 : i32
      %get3A_1034 = arith.index_cast %add3A_1033 : i32 to index
      %get3A_1035 = arith.constant 0 : index
      %get3A_1036 = tpu.vector_load %arg16[%get3A_1034, %get3A_1035] {strides = array<i32>} : memref<1024x16xf32, #tpu.memory_space<vmem>>, vector<1x16xf32>,
      %get3A_1037 = vector.shape_cast %get3A_1036 : vector<1x16xf32> to vector<16xf32>
      %add3A_1038 = arith.addf %get3A_1030, %get3A_1037 : vector<16xf32>
      %mul3A_1039 = arith.mulf %get3A_1037, %get3A_1037 : vector<16xf32>
      %add3A_1040 = arith.addf %mul3A_1031, %mul3A_1039 : vector<16xf32>
      %slice3A_1041 = vector.extract_strided_slice %get3A_416 {offsets = [6], sizes = [1], strides = [1]} : vector<16xi32> to vector<1xi32>
      %squeeze3A_1042 = vector.extract %slice3A_1041[0] : i32 from vector<1xi32>
      %add3A_1043 = arith.constant 0 : i32
      %add3A_1044 = arith.addi %add3A_1043, %squeeze3A_1042 : i32
      %get3A_1045 = arith.index_cast %add3A_1044 : i32 to index
      %get3A_1046 = arith.constant 0 : index
      %get3A_1047 = tpu.vector_load %arg14[%get3A_1045, %get3A_1046] {strides = array<i32>} : memref<5504x16xf32, #tpu.memory_space<vmem>>, vector<1x16xf32>,
      %get3A_1048 = vector.shape_cast %get3A_1047 : vector<1x16xf32> to vector<16xf32>
      %add3A_1049 = arith.addf %add3A_1038, %get3A_1048 : vector<16xf32>
      %mul3A_1050 = arith.mulf %get3A_1048, %get3A_1048 : vector<16xf32>
      %add3A_1051 = arith.addf %add3A_1040, %mul3A_1050 : vector<16xf32>
      %get3A_1052 = arith.index_cast %add3A_1044 : i32 to index
      %get3A_1053 = tpu.vector_load %arg15[%get3A_1052] {strides = array<i32>} : memref<5520xf32, #tpu.memory_space<vmem>>, vector<16xf32>,
      %get3A_1054 = vector.shape_cast %get3A_1053 : vector<16xf32> to vector<16xf32>
      %slice3A_1055 = vector.extract_strided_slice %get3A_421 {offsets = [6], sizes = [1], strides = [1]} : vector<16xi32> to vector<1xi32>
      %squeeze3A_1056 = vector.extract %slice3A_1055[0] : i32 from vector<1xi32>
      %add3A_1057 = arith.constant 19 : i32
      %add3A_1058 = arith.addi %add3A_1057, %squeeze3A_1056 : i32
      %get3A_1059 = arith.index_cast %add3A_1058 : i32 to index
      %get3A_1060 = arith.constant 0 : index
      %get3A_1061 = tpu.vector_load %arg14[%get3A_1059, %get3A_1060] {strides = array<i32>} : memref<5504x16xf32, #tpu.memory_space<vmem>>, vector<1x16xf32>,
      %get3A_1062 = vector.shape_cast %get3A_1061 : vector<1x16xf32> to vector<16xf32>
      %add3A_1063 = arith.addf %add3A_1049, %get3A_1062 : vector<16xf32>
      %mul3A_1064 = arith.mulf %get3A_1062, %get3A_1062 : vector<16xf32>
      %add3A_1065 = arith.addf %add3A_1051, %mul3A_1064 : vector<16xf32>
      %get3A_1066 = arith.index_cast %add3A_1058 : i32 to index
      %get3A_1067 = tpu.vector_load %arg15[%get3A_1066] {strides = array<i32>} : memref<5520xf32, #tpu.memory_space<vmem>>, vector<16xf32>,
      %get3A_1068 = vector.shape_cast %get3A_1067 : vector<16xf32> to vector<16xf32>
      %add3A_1069 = arith.addf %get3A_1054, %get3A_1068 : vector<16xf32>
      %slice3A_1070 = vector.extract_strided_slice %get3A_426 {offsets = [6], sizes = [1], strides = [1]} : vector<16xi32> to vector<1xi32>
      %squeeze3A_1071 = vector.extract %slice3A_1070[0] : i32 from vector<1xi32>
      %add3A_1072 = arith.constant 135 : i32
      %add3A_1073 = arith.addi %add3A_1072, %squeeze3A_1071 : i32
      %get3A_1074 = arith.index_cast %add3A_1073 : i32 to index
      %get3A_1075 = arith.constant 0 : index
      %get3A_1076 = tpu.vector_load %arg14[%get3A_1074, %get3A_1075] {strides = array<i32>} : memref<5504x16xf32, #tpu.memory_space<vmem>>, vector<1x16xf32>,
      %get3A_1077 = vector.shape_cast %get3A_1076 : vector<1x16xf32> to vector<16xf32>
      %add3A_1078 = arith.addf %add3A_1063, %get3A_1077 : vector<16xf32>
      %mul3A_1079 = arith.mulf %get3A_1077, %get3A_1077 : vector<16xf32>
      %add3A_1080 = arith.addf %add3A_1065, %mul3A_1079 : vector<16xf32>
      %get3A_1081 = arith.index_cast %add3A_1073 : i32 to index
      %get3A_1082 = tpu.vector_load %arg15[%get3A_1081] {strides = array<i32>} : memref<5520xf32, #tpu.memory_space<vmem>>, vector<16xf32>,
      %get3A_1083 = vector.shape_cast %get3A_1082 : vector<16xf32> to vector<16xf32>
      %add3A_1084 = arith.addf %add3A_1069, %get3A_1083 : vector<16xf32>
      %slice3A_1085 = vector.extract_strided_slice %get3A_431 {offsets = [6], sizes = [1], strides = [1]} : vector<16xi32> to vector<1xi32>
      %squeeze3A_1086 = vector.extract %slice3A_1085[0] : i32 from vector<1xi32>
      %add3A_1087 = arith.constant 193 : i32
      %add3A_1088 = arith.addi %add3A_1087, %squeeze3A_1086 : i32
      %get3A_1089 = arith.index_cast %add3A_1088 : i32 to index
      %get3A_1090 = arith.constant 0 : index
      %get3A_1091 = tpu.vector_load %arg14[%get3A_1089, %get3A_1090] {strides = array<i32>} : memref<5504x16xf32, #tpu.memory_space<vmem>>, vector<1x16xf32>,
      %get3A_1092 = vector.shape_cast %get3A_1091 : vector<1x16xf32> to vector<16xf32>
      %add3A_1093 = arith.addf %add3A_1078, %get3A_1092 : vector<16xf32>
      %mul3A_1094 = arith.mulf %get3A_1092, %get3A_1092 : vector<16xf32>
      %add3A_1095 = arith.addf %add3A_1080, %mul3A_1094 : vector<16xf32>
      %get3A_1096 = arith.index_cast %add3A_1088 : i32 to index
      %get3A_1097 = tpu.vector_load %arg15[%get3A_1096] {strides = array<i32>} : memref<5520xf32, #tpu.memory_space<vmem>>, vector<16xf32>,
      %get3A_1098 = vector.shape_cast %get3A_1097 : vector<16xf32> to vector<16xf32>
      %add3A_1099 = arith.addf %add3A_1084, %get3A_1098 : vector<16xf32>
      %slice3A_1100 = vector.extract_strided_slice %get3A_436 {offsets = [6], sizes = [1], strides = [1]} : vector<16xi32> to vector<1xi32>
      %squeeze3A_1101 = vector.extract %slice3A_1100[0] : i32 from vector<1xi32>
      %add3A_1102 = arith.constant 497 : i32
      %add3A_1103 = arith.addi %add3A_1102, %squeeze3A_1101 : i32
      %get3A_1104 = arith.index_cast %add3A_1103 : i32 to index
      %get3A_1105 = arith.constant 0 : index
      %get3A_1106 = tpu.vector_load %arg14[%get3A_1104, %get3A_1105] {strides = array<i32>} : memref<5504x16xf32, #tpu.memory_space<vmem>>, vector<1x16xf32>,
      %get3A_1107 = vector.shape_cast %get3A_1106 : vector<1x16xf32> to vector<16xf32>
      %add3A_1108 = arith.addf %add3A_1093, %get3A_1107 : vector<16xf32>
      %mul3A_1109 = arith.mulf %get3A_1107, %get3A_1107 : vector<16xf32>
      %add3A_1110 = arith.addf %add3A_1095, %mul3A_1109 : vector<16xf32>
      %get3A_1111 = arith.index_cast %add3A_1103 : i32 to index
      %get3A_1112 = tpu.vector_load %arg15[%get3A_1111] {strides = array<i32>} : memref<5520xf32, #tpu.memory_space<vmem>>, vector<16xf32>,
      %get3A_1113 = vector.shape_cast %get3A_1112 : vector<16xf32> to vector<16xf32>
      %add3A_1114 = arith.addf %add3A_1099, %get3A_1113 : vector<16xf32>
      %mul3A_1115 = arith.mulf %add3A_1108, %add3A_1108 : vector<16xf32>
      %sub3A_1116 = arith.subf %mul3A_1115, %add3A_1110 : vector<16xf32>
      %mul3A_1117 = arith.constant 2.000000e+00 : f32
      %mul3A_1118 = vector.broadcast %mul3A_1117 : f32 to vector<16xf32>
      %mul3A_1119 = arith.mulf %mul3A_1118, %add3A_1114 : vector<16xf32>
      %jit3A_1120 = arith.constant 0.000000e+00 : f32
      %broadcast_in_dim3A_1121 = vector.broadcast %jit3A_1120 : f32 to vector<16xf32>
      %select_n3A_1122 = arith.select %eq3A_403, %mul3A_1119, %broadcast_in_dim3A_1121 : vector<16xi1>, vector<16xf32>
      %add3A_1123 = arith.addf %sub3A_1116, %select_n3A_1122 : vector<16xf32>
      %add3A_1124 = arith.constant 7 : i32
      %add3A_1125 = arith.addi %mul3A_412, %add3A_1124 : i32
      %get3A_1126 = arith.index_cast %add3A_1125 : i32 to index
      %get3A_1127 = arith.constant 0 : index
      %get3A_1128 = tpu.vector_load %arg16[%get3A_1126, %get3A_1127] {strides = array<i32>} : memref<1024x16xf32, #tpu.memory_space<vmem>>, vector<1x16xf32>,
      %get3A_1129 = vector.shape_cast %get3A_1128 : vector<1x16xf32> to vector<16xf32>
      %mul3A_1130 = arith.mulf %get3A_1129, %get3A_1129 : vector<16xf32>
      %add3A_1131 = arith.constant 512 : i32
      %add3A_1132 = arith.addi %add3A_1131, %add3A_1125 : i32
      %get3A_1133 = arith.index_cast %add3A_1132 : i32 to index
      %get3A_1134 = arith.constant 0 : index
      %get3A_1135 = tpu.vector_load %arg16[%get3A_1133, %get3A_1134] {strides = array<i32>} : memref<1024x16xf32, #tpu.memory_space<vmem>>, vector<1x16xf32>,
      %get3A_1136 = vector.shape_cast %get3A_1135 : vector<1x16xf32> to vector<16xf32>
      %add3A_1137 = arith.addf %get3A_1129, %get3A_1136 : vector<16xf32>
      %mul3A_1138 = arith.mulf %get3A_1136, %get3A_1136 : vector<16xf32>
      %add3A_1139 = arith.addf %mul3A_1130, %mul3A_1138 : vector<16xf32>
      %slice3A_1140 = vector.extract_strided_slice %get3A_416 {offsets = [7], sizes = [1], strides = [1]} : vector<16xi32> to vector<1xi32>
      %squeeze3A_1141 = vector.extract %slice3A_1140[0] : i32 from vector<1xi32>
      %add3A_1142 = arith.constant 0 : i32
      %add3A_1143 = arith.addi %add3A_1142, %squeeze3A_1141 : i32
      %get3A_1144 = arith.index_cast %add3A_1143 : i32 to index
      %get3A_1145 = arith.constant 0 : index
      %get3A_1146 = tpu.vector_load %arg14[%get3A_1144, %get3A_1145] {strides = array<i32>} : memref<5504x16xf32, #tpu.memory_space<vmem>>, vector<1x16xf32>,
      %get3A_1147 = vector.shape_cast %get3A_1146 : vector<1x16xf32> to vector<16xf32>
      %add3A_1148 = arith.addf %add3A_1137, %get3A_1147 : vector<16xf32>
      %mul3A_1149 = arith.mulf %get3A_1147, %get3A_1147 : vector<16xf32>
      %add3A_1150 = arith.addf %add3A_1139, %mul3A_1149 : vector<16xf32>
      %get3A_1151 = arith.index_cast %add3A_1143 : i32 to index
      %get3A_1152 = tpu.vector_load %arg15[%get3A_1151] {strides = array<i32>} : memref<5520xf32, #tpu.memory_space<vmem>>, vector<16xf32>,
      %get3A_1153 = vector.shape_cast %get3A_1152 : vector<16xf32> to vector<16xf32>
      %slice3A_1154 = vector.extract_strided_slice %get3A_421 {offsets = [7], sizes = [1], strides = [1]} : vector<16xi32> to vector<1xi32>
      %squeeze3A_1155 = vector.extract %slice3A_1154[0] : i32 from vector<1xi32>
      %add3A_1156 = arith.constant 19 : i32
      %add3A_1157 = arith.addi %add3A_1156, %squeeze3A_1155 : i32
      %get3A_1158 = arith.index_cast %add3A_1157 : i32 to index
      %get3A_1159 = arith.constant 0 : index
      %get3A_1160 = tpu.vector_load %arg14[%get3A_1158, %get3A_1159] {strides = array<i32>} : memref<5504x16xf32, #tpu.memory_space<vmem>>, vector<1x16xf32>,
      %get3A_1161 = vector.shape_cast %get3A_1160 : vector<1x16xf32> to vector<16xf32>
      %add3A_1162 = arith.addf %add3A_1148, %get3A_1161 : vector<16xf32>
      %mul3A_1163 = arith.mulf %get3A_1161, %get3A_1161 : vector<16xf32>
      %add3A_1164 = arith.addf %add3A_1150, %mul3A_1163 : vector<16xf32>
      %get3A_1165 = arith.index_cast %add3A_1157 : i32 to index
      %get3A_1166 = tpu.vector_load %arg15[%get3A_1165] {strides = array<i32>} : memref<5520xf32, #tpu.memory_space<vmem>>, vector<16xf32>,
      %get3A_1167 = vector.shape_cast %get3A_1166 : vector<16xf32> to vector<16xf32>
      %add3A_1168 = arith.addf %get3A_1153, %get3A_1167 : vector<16xf32>
      %slice3A_1169 = vector.extract_strided_slice %get3A_426 {offsets = [7], sizes = [1], strides = [1]} : vector<16xi32> to vector<1xi32>
      %squeeze3A_1170 = vector.extract %slice3A_1169[0] : i32 from vector<1xi32>
      %add3A_1171 = arith.constant 135 : i32
      %add3A_1172 = arith.addi %add3A_1171, %squeeze3A_1170 : i32
      %get3A_1173 = arith.index_cast %add3A_1172 : i32 to index
      %get3A_1174 = arith.constant 0 : index
      %get3A_1175 = tpu.vector_load %arg14[%get3A_1173, %get3A_1174] {strides = array<i32>} : memref<5504x16xf32, #tpu.memory_space<vmem>>, vector<1x16xf32>,
      %get3A_1176 = vector.shape_cast %get3A_1175 : vector<1x16xf32> to vector<16xf32>
      %add3A_1177 = arith.addf %add3A_1162, %get3A_1176 : vector<16xf32>
      %mul3A_1178 = arith.mulf %get3A_1176, %get3A_1176 : vector<16xf32>
      %add3A_1179 = arith.addf %add3A_1164, %mul3A_1178 : vector<16xf32>
      %get3A_1180 = arith.index_cast %add3A_1172 : i32 to index
      %get3A_1181 = tpu.vector_load %arg15[%get3A_1180] {strides = array<i32>} : memref<5520xf32, #tpu.memory_space<vmem>>, vector<16xf32>,
      %get3A_1182 = vector.shape_cast %get3A_1181 : vector<16xf32> to vector<16xf32>
      %add3A_1183 = arith.addf %add3A_1168, %get3A_1182 : vector<16xf32>
      %slice3A_1184 = vector.extract_strided_slice %get3A_431 {offsets = [7], sizes = [1], strides = [1]} : vector<16xi32> to vector<1xi32>
      %squeeze3A_1185 = vector.extract %slice3A_1184[0] : i32 from vector<1xi32>
      %add3A_1186 = arith.constant 193 : i32
      %add3A_1187 = arith.addi %add3A_1186, %squeeze3A_1185 : i32
      %get3A_1188 = arith.index_cast %add3A_1187 : i32 to index
      %get3A_1189 = arith.constant 0 : index
      %get3A_1190 = tpu.vector_load %arg14[%get3A_1188, %get3A_1189] {strides = array<i32>} : memref<5504x16xf32, #tpu.memory_space<vmem>>, vector<1x16xf32>,
      %get3A_1191 = vector.shape_cast %get3A_1190 : vector<1x16xf32> to vector<16xf32>
      %add3A_1192 = arith.addf %add3A_1177, %get3A_1191 : vector<16xf32>
      %mul3A_1193 = arith.mulf %get3A_1191, %get3A_1191 : vector<16xf32>
      %add3A_1194 = arith.addf %add3A_1179, %mul3A_1193 : vector<16xf32>
      %get3A_1195 = arith.index_cast %add3A_1187 : i32 to index
      %get3A_1196 = tpu.vector_load %arg15[%get3A_1195] {strides = array<i32>} : memref<5520xf32, #tpu.memory_space<vmem>>, vector<16xf32>,
      %get3A_1197 = vector.shape_cast %get3A_1196 : vector<16xf32> to vector<16xf32>
      %add3A_1198 = arith.addf %add3A_1183, %get3A_1197 : vector<16xf32>
      %slice3A_1199 = vector.extract_strided_slice %get3A_436 {offsets = [7], sizes = [1], strides = [1]} : vector<16xi32> to vector<1xi32>
      %squeeze3A_1200 = vector.extract %slice3A_1199[0] : i32 from vector<1xi32>
      %add3A_1201 = arith.constant 497 : i32
      %add3A_1202 = arith.addi %add3A_1201, %squeeze3A_1200 : i32
      %get3A_1203 = arith.index_cast %add3A_1202 : i32 to index
      %get3A_1204 = arith.constant 0 : index
      %get3A_1205 = tpu.vector_load %arg14[%get3A_1203, %get3A_1204] {strides = array<i32>} : memref<5504x16xf32, #tpu.memory_space<vmem>>, vector<1x16xf32>,
      %get3A_1206 = vector.shape_cast %get3A_1205 : vector<1x16xf32> to vector<16xf32>
      %add3A_1207 = arith.addf %add3A_1192, %get3A_1206 : vector<16xf32>
      %mul3A_1208 = arith.mulf %get3A_1206, %get3A_1206 : vector<16xf32>
      %add3A_1209 = arith.addf %add3A_1194, %mul3A_1208 : vector<16xf32>
      %get3A_1210 = arith.index_cast %add3A_1202 : i32 to index
      %get3A_1211 = tpu.vector_load %arg15[%get3A_1210] {strides = array<i32>} : memref<5520xf32, #tpu.memory_space<vmem>>, vector<16xf32>,
      %get3A_1212 = vector.shape_cast %get3A_1211 : vector<16xf32> to vector<16xf32>
      %add3A_1213 = arith.addf %add3A_1198, %get3A_1212 : vector<16xf32>
      %mul3A_1214 = arith.mulf %add3A_1207, %add3A_1207 : vector<16xf32>
      %sub3A_1215 = arith.subf %mul3A_1214, %add3A_1209 : vector<16xf32>
      %mul3A_1216 = arith.constant 2.000000e+00 : f32
      %mul3A_1217 = vector.broadcast %mul3A_1216 : f32 to vector<16xf32>
      %mul3A_1218 = arith.mulf %mul3A_1217, %add3A_1213 : vector<16xf32>
      %jit3A_1219 = arith.constant 0.000000e+00 : f32
      %broadcast_in_dim3A_1220 = vector.broadcast %jit3A_1219 : f32 to vector<16xf32>
      %select_n3A_1221 = arith.select %eq3A_403, %mul3A_1218, %broadcast_in_dim3A_1220 : vector<16xi1>, vector<16xf32>
      %add3A_1222 = arith.addf %sub3A_1215, %select_n3A_1221 : vector<16xf32>
      %add3A_1223 = arith.constant 8 : i32
      %add3A_1224 = arith.addi %mul3A_412, %add3A_1223 : i32
      %get3A_1225 = arith.index_cast %add3A_1224 : i32 to index
      %get3A_1226 = arith.constant 0 : index
      %get3A_1227 = tpu.vector_load %arg16[%get3A_1225, %get3A_1226] {strides = array<i32>} : memref<1024x16xf32, #tpu.memory_space<vmem>>, vector<1x16xf32>,
      %get3A_1228 = vector.shape_cast %get3A_1227 : vector<1x16xf32> to vector<16xf32>
      %mul3A_1229 = arith.mulf %get3A_1228, %get3A_1228 : vector<16xf32>
      %add3A_1230 = arith.constant 512 : i32
      %add3A_1231 = arith.addi %add3A_1230, %add3A_1224 : i32
      %get3A_1232 = arith.index_cast %add3A_1231 : i32 to index
      %get3A_1233 = arith.constant 0 : index
      %get3A_1234 = tpu.vector_load %arg16[%get3A_1232, %get3A_1233] {strides = array<i32>} : memref<1024x16xf32, #tpu.memory_space<vmem>>, vector<1x16xf32>,
      %get3A_1235 = vector.shape_cast %get3A_1234 : vector<1x16xf32> to vector<16xf32>
      %add3A_1236 = arith.addf %get3A_1228, %get3A_1235 : vector<16xf32>
      %mul3A_1237 = arith.mulf %get3A_1235, %get3A_1235 : vector<16xf32>
      %add3A_1238 = arith.addf %mul3A_1229, %mul3A_1237 : vector<16xf32>
      %slice3A_1239 = vector.extract_strided_slice %get3A_416 {offsets = [8], sizes = [1], strides = [1]} : vector<16xi32> to vector<1xi32>
      %squeeze3A_1240 = vector.extract %slice3A_1239[0] : i32 from vector<1xi32>
      %add3A_1241 = arith.constant 0 : i32
      %add3A_1242 = arith.addi %add3A_1241, %squeeze3A_1240 : i32
      %get3A_1243 = arith.index_cast %add3A_1242 : i32 to index
      %get3A_1244 = arith.constant 0 : index
      %get3A_1245 = tpu.vector_load %arg14[%get3A_1243, %get3A_1244] {strides = array<i32>} : memref<5504x16xf32, #tpu.memory_space<vmem>>, vector<1x16xf32>,
      %get3A_1246 = vector.shape_cast %get3A_1245 : vector<1x16xf32> to vector<16xf32>
      %add3A_1247 = arith.addf %add3A_1236, %get3A_1246 : vector<16xf32>
      %mul3A_1248 = arith.mulf %get3A_1246, %get3A_1246 : vector<16xf32>
      %add3A_1249 = arith.addf %add3A_1238, %mul3A_1248 : vector<16xf32>
      %get3A_1250 = arith.index_cast %add3A_1242 : i32 to index
      %get3A_1251 = tpu.vector_load %arg15[%get3A_1250] {strides = array<i32>} : memref<5520xf32, #tpu.memory_space<vmem>>, vector<16xf32>,
      %get3A_1252 = vector.shape_cast %get3A_1251 : vector<16xf32> to vector<16xf32>
      %slice3A_1253 = vector.extract_strided_slice %get3A_421 {offsets = [8], sizes = [1], strides = [1]} : vector<16xi32> to vector<1xi32>
      %squeeze3A_1254 = vector.extract %slice3A_1253[0] : i32 from vector<1xi32>
      %add3A_1255 = arith.constant 19 : i32
      %add3A_1256 = arith.addi %add3A_1255, %squeeze3A_1254 : i32
      %get3A_1257 = arith.index_cast %add3A_1256 : i32 to index
      %get3A_1258 = arith.constant 0 : index
      %get3A_1259 = tpu.vector_load %arg14[%get3A_1257, %get3A_1258] {strides = array<i32>} : memref<5504x16xf32, #tpu.memory_space<vmem>>, vector<1x16xf32>,
      %get3A_1260 = vector.shape_cast %get3A_1259 : vector<1x16xf32> to vector<16xf32>
      %add3A_1261 = arith.addf %add3A_1247, %get3A_1260 : vector<16xf32>
      %mul3A_1262 = arith.mulf %get3A_1260, %get3A_1260 : vector<16xf32>
      %add3A_1263 = arith.addf %add3A_1249, %mul3A_1262 : vector<16xf32>
      %get3A_1264 = arith.index_cast %add3A_1256 : i32 to index
      %get3A_1265 = tpu.vector_load %arg15[%get3A_1264] {strides = array<i32>} : memref<5520xf32, #tpu.memory_space<vmem>>, vector<16xf32>,
      %get3A_1266 = vector.shape_cast %get3A_1265 : vector<16xf32> to vector<16xf32>
      %add3A_1267 = arith.addf %get3A_1252, %get3A_1266 : vector<16xf32>
      %slice3A_1268 = vector.extract_strided_slice %get3A_426 {offsets = [8], sizes = [1], strides = [1]} : vector<16xi32> to vector<1xi32>
      %squeeze3A_1269 = vector.extract %slice3A_1268[0] : i32 from vector<1xi32>
      %add3A_1270 = arith.constant 135 : i32
      %add3A_1271 = arith.addi %add3A_1270, %squeeze3A_1269 : i32
      %get3A_1272 = arith.index_cast %add3A_1271 : i32 to index
      %get3A_1273 = arith.constant 0 : index
      %get3A_1274 = tpu.vector_load %arg14[%get3A_1272, %get3A_1273] {strides = array<i32>} : memref<5504x16xf32, #tpu.memory_space<vmem>>, vector<1x16xf32>,
      %get3A_1275 = vector.shape_cast %get3A_1274 : vector<1x16xf32> to vector<16xf32>
      %add3A_1276 = arith.addf %add3A_1261, %get3A_1275 : vector<16xf32>
      %mul3A_1277 = arith.mulf %get3A_1275, %get3A_1275 : vector<16xf32>
      %add3A_1278 = arith.addf %add3A_1263, %mul3A_1277 : vector<16xf32>
      %get3A_1279 = arith.index_cast %add3A_1271 : i32 to index
      %get3A_1280 = tpu.vector_load %arg15[%get3A_1279] {strides = array<i32>} : memref<5520xf32, #tpu.memory_space<vmem>>, vector<16xf32>,
      %get3A_1281 = vector.shape_cast %get3A_1280 : vector<16xf32> to vector<16xf32>
      %add3A_1282 = arith.addf %add3A_1267, %get3A_1281 : vector<16xf32>
      %slice3A_1283 = vector.extract_strided_slice %get3A_431 {offsets = [8], sizes = [1], strides = [1]} : vector<16xi32> to vector<1xi32>
      %squeeze3A_1284 = vector.extract %slice3A_1283[0] : i32 from vector<1xi32>
      %add3A_1285 = arith.constant 193 : i32
      %add3A_1286 = arith.addi %add3A_1285, %squeeze3A_1284 : i32
      %get3A_1287 = arith.index_cast %add3A_1286 : i32 to index
      %get3A_1288 = arith.constant 0 : index
      %get3A_1289 = tpu.vector_load %arg14[%get3A_1287, %get3A_1288] {strides = array<i32>} : memref<5504x16xf32, #tpu.memory_space<vmem>>, vector<1x16xf32>,
      %get3A_1290 = vector.shape_cast %get3A_1289 : vector<1x16xf32> to vector<16xf32>
      %add3A_1291 = arith.addf %add3A_1276, %get3A_1290 : vector<16xf32>
      %mul3A_1292 = arith.mulf %get3A_1290, %get3A_1290 : vector<16xf32>
      %add3A_1293 = arith.addf %add3A_1278, %mul3A_1292 : vector<16xf32>
      %get3A_1294 = arith.index_cast %add3A_1286 : i32 to index
      %get3A_1295 = tpu.vector_load %arg15[%get3A_1294] {strides = array<i32>} : memref<5520xf32, #tpu.memory_space<vmem>>, vector<16xf32>,
      %get3A_1296 = vector.shape_cast %get3A_1295 : vector<16xf32> to vector<16xf32>
      %add3A_1297 = arith.addf %add3A_1282, %get3A_1296 : vector<16xf32>
      %slice3A_1298 = vector.extract_strided_slice %get3A_436 {offsets = [8], sizes = [1], strides = [1]} : vector<16xi32> to vector<1xi32>
      %squeeze3A_1299 = vector.extract %slice3A_1298[0] : i32 from vector<1xi32>
      %add3A_1300 = arith.constant 497 : i32
      %add3A_1301 = arith.addi %add3A_1300, %squeeze3A_1299 : i32
      %get3A_1302 = arith.index_cast %add3A_1301 : i32 to index
      %get3A_1303 = arith.constant 0 : index
      %get3A_1304 = tpu.vector_load %arg14[%get3A_1302, %get3A_1303] {strides = array<i32>} : memref<5504x16xf32, #tpu.memory_space<vmem>>, vector<1x16xf32>,
      %get3A_1305 = vector.shape_cast %get3A_1304 : vector<1x16xf32> to vector<16xf32>
      %add3A_1306 = arith.addf %add3A_1291, %get3A_1305 : vector<16xf32>
      %mul3A_1307 = arith.mulf %get3A_1305, %get3A_1305 : vector<16xf32>
      %add3A_1308 = arith.addf %add3A_1293, %mul3A_1307 : vector<16xf32>
      %get3A_1309 = arith.index_cast %add3A_1301 : i32 to index
      %get3A_1310 = tpu.vector_load %arg15[%get3A_1309] {strides = array<i32>} : memref<5520xf32, #tpu.memory_space<vmem>>, vector<16xf32>,
      %get3A_1311 = vector.shape_cast %get3A_1310 : vector<16xf32> to vector<16xf32>
      %add3A_1312 = arith.addf %add3A_1297, %get3A_1311 : vector<16xf32>
      %mul3A_1313 = arith.mulf %add3A_1306, %add3A_1306 : vector<16xf32>
      %sub3A_1314 = arith.subf %mul3A_1313, %add3A_1308 : vector<16xf32>
      %mul3A_1315 = arith.constant 2.000000e+00 : f32
      %mul3A_1316 = vector.broadcast %mul3A_1315 : f32 to vector<16xf32>
      %mul3A_1317 = arith.mulf %mul3A_1316, %add3A_1312 : vector<16xf32>
      %jit3A_1318 = arith.constant 0.000000e+00 : f32
      %broadcast_in_dim3A_1319 = vector.broadcast %jit3A_1318 : f32 to vector<16xf32>
      %select_n3A_1320 = arith.select %eq3A_403, %mul3A_1317, %broadcast_in_dim3A_1319 : vector<16xi1>, vector<16xf32>
      %add3A_1321 = arith.addf %sub3A_1314, %select_n3A_1320 : vector<16xf32>
      %add3A_1322 = arith.constant 9 : i32
      %add3A_1323 = arith.addi %mul3A_412, %add3A_1322 : i32
      %get3A_1324 = arith.index_cast %add3A_1323 : i32 to index
      %get3A_1325 = arith.constant 0 : index
      %get3A_1326 = tpu.vector_load %arg16[%get3A_1324, %get3A_1325] {strides = array<i32>} : memref<1024x16xf32, #tpu.memory_space<vmem>>, vector<1x16xf32>,
      %get3A_1327 = vector.shape_cast %get3A_1326 : vector<1x16xf32> to vector<16xf32>
      %mul3A_1328 = arith.mulf %get3A_1327, %get3A_1327 : vector<16xf32>
      %add3A_1329 = arith.constant 512 : i32
      %add3A_1330 = arith.addi %add3A_1329, %add3A_1323 : i32
      %get3A_1331 = arith.index_cast %add3A_1330 : i32 to index
      %get3A_1332 = arith.constant 0 : index
      %get3A_1333 = tpu.vector_load %arg16[%get3A_1331, %get3A_1332] {strides = array<i32>} : memref<1024x16xf32, #tpu.memory_space<vmem>>, vector<1x16xf32>,
      %get3A_1334 = vector.shape_cast %get3A_1333 : vector<1x16xf32> to vector<16xf32>
      %add3A_1335 = arith.addf %get3A_1327, %get3A_1334 : vector<16xf32>
      %mul3A_1336 = arith.mulf %get3A_1334, %get3A_1334 : vector<16xf32>
      %add3A_1337 = arith.addf %mul3A_1328, %mul3A_1336 : vector<16xf32>
      %slice3A_1338 = vector.extract_strided_slice %get3A_416 {offsets = [9], sizes = [1], strides = [1]} : vector<16xi32> to vector<1xi32>
      %squeeze3A_1339 = vector.extract %slice3A_1338[0] : i32 from vector<1xi32>
      %add3A_1340 = arith.constant 0 : i32
      %add3A_1341 = arith.addi %add3A_1340, %squeeze3A_1339 : i32
      %get3A_1342 = arith.index_cast %add3A_1341 : i32 to index
      %get3A_1343 = arith.constant 0 : index
      %get3A_1344 = tpu.vector_load %arg14[%get3A_1342, %get3A_1343] {strides = array<i32>} : memref<5504x16xf32, #tpu.memory_space<vmem>>, vector<1x16xf32>,
      %get3A_1345 = vector.shape_cast %get3A_1344 : vector<1x16xf32> to vector<16xf32>
      %add3A_1346 = arith.addf %add3A_1335, %get3A_1345 : vector<16xf32>
      %mul3A_1347 = arith.mulf %get3A_1345, %get3A_1345 : vector<16xf32>
      %add3A_1348 = arith.addf %add3A_1337, %mul3A_1347 : vector<16xf32>
      %get3A_1349 = arith.index_cast %add3A_1341 : i32 to index
      %get3A_1350 = tpu.vector_load %arg15[%get3A_1349] {strides = array<i32>} : memref<5520xf32, #tpu.memory_space<vmem>>, vector<16xf32>,
      %get3A_1351 = vector.shape_cast %get3A_1350 : vector<16xf32> to vector<16xf32>
      %slice3A_1352 = vector.extract_strided_slice %get3A_421 {offsets = [9], sizes = [1], strides = [1]} : vector<16xi32> to vector<1xi32>
      %squeeze3A_1353 = vector.extract %slice3A_1352[0] : i32 from vector<1xi32>
      %add3A_1354 = arith.constant 19 : i32
      %add3A_1355 = arith.addi %add3A_1354, %squeeze3A_1353 : i32
      %get3A_1356 = arith.index_cast %add3A_1355 : i32 to index
      %get3A_1357 = arith.constant 0 : index
      %get3A_1358 = tpu.vector_load %arg14[%get3A_1356, %get3A_1357] {strides = array<i32>} : memref<5504x16xf32, #tpu.memory_space<vmem>>, vector<1x16xf32>,
      %get3A_1359 = vector.shape_cast %get3A_1358 : vector<1x16xf32> to vector<16xf32>
      %add3A_1360 = arith.addf %add3A_1346, %get3A_1359 : vector<16xf32>
      %mul3A_1361 = arith.mulf %get3A_1359, %get3A_1359 : vector<16xf32>
      %add3A_1362 = arith.addf %add3A_1348, %mul3A_1361 : vector<16xf32>
      %get3A_1363 = arith.index_cast %add3A_1355 : i32 to index
      %get3A_1364 = tpu.vector_load %arg15[%get3A_1363] {strides = array<i32>} : memref<5520xf32, #tpu.memory_space<vmem>>, vector<16xf32>,
      %get3A_1365 = vector.shape_cast %get3A_1364 : vector<16xf32> to vector<16xf32>
      %add3A_1366 = arith.addf %get3A_1351, %get3A_1365 : vector<16xf32>
      %slice3A_1367 = vector.extract_strided_slice %get3A_426 {offsets = [9], sizes = [1], strides = [1]} : vector<16xi32> to vector<1xi32>
      %squeeze3A_1368 = vector.extract %slice3A_1367[0] : i32 from vector<1xi32>
      %add3A_1369 = arith.constant 135 : i32
      %add3A_1370 = arith.addi %add3A_1369, %squeeze3A_1368 : i32
      %get3A_1371 = arith.index_cast %add3A_1370 : i32 to index
      %get3A_1372 = arith.constant 0 : index
      %get3A_1373 = tpu.vector_load %arg14[%get3A_1371, %get3A_1372] {strides = array<i32>} : memref<5504x16xf32, #tpu.memory_space<vmem>>, vector<1x16xf32>,
      %get3A_1374 = vector.shape_cast %get3A_1373 : vector<1x16xf32> to vector<16xf32>
      %add3A_1375 = arith.addf %add3A_1360, %get3A_1374 : vector<16xf32>
      %mul3A_1376 = arith.mulf %get3A_1374, %get3A_1374 : vector<16xf32>
      %add3A_1377 = arith.addf %add3A_1362, %mul3A_1376 : vector<16xf32>
      %get3A_1378 = arith.index_cast %add3A_1370 : i32 to index
      %get3A_1379 = tpu.vector_load %arg15[%get3A_1378] {strides = array<i32>} : memref<5520xf32, #tpu.memory_space<vmem>>, vector<16xf32>,
      %get3A_1380 = vector.shape_cast %get3A_1379 : vector<16xf32> to vector<16xf32>
      %add3A_1381 = arith.addf %add3A_1366, %get3A_1380 : vector<16xf32>
      %slice3A_1382 = vector.extract_strided_slice %get3A_431 {offsets = [9], sizes = [1], strides = [1]} : vector<16xi32> to vector<1xi32>
      %squeeze3A_1383 = vector.extract %slice3A_1382[0] : i32 from vector<1xi32>
      %add3A_1384 = arith.constant 193 : i32
      %add3A_1385 = arith.addi %add3A_1384, %squeeze3A_1383 : i32
      %get3A_1386 = arith.index_cast %add3A_1385 : i32 to index
      %get3A_1387 = arith.constant 0 : index
      %get3A_1388 = tpu.vector_load %arg14[%get3A_1386, %get3A_1387] {strides = array<i32>} : memref<5504x16xf32, #tpu.memory_space<vmem>>, vector<1x16xf32>,
      %get3A_1389 = vector.shape_cast %get3A_1388 : vector<1x16xf32> to vector<16xf32>
      %add3A_1390 = arith.addf %add3A_1375, %get3A_1389 : vector<16xf32>
      %mul3A_1391 = arith.mulf %get3A_1389, %get3A_1389 : vector<16xf32>
      %add3A_1392 = arith.addf %add3A_1377, %mul3A_1391 : vector<16xf32>
      %get3A_1393 = arith.index_cast %add3A_1385 : i32 to index
      %get3A_1394 = tpu.vector_load %arg15[%get3A_1393] {strides = array<i32>} : memref<5520xf32, #tpu.memory_space<vmem>>, vector<16xf32>,
      %get3A_1395 = vector.shape_cast %get3A_1394 : vector<16xf32> to vector<16xf32>
      %add3A_1396 = arith.addf %add3A_1381, %get3A_1395 : vector<16xf32>
      %slice3A_1397 = vector.extract_strided_slice %get3A_436 {offsets = [9], sizes = [1], strides = [1]} : vector<16xi32> to vector<1xi32>
      %squeeze3A_1398 = vector.extract %slice3A_1397[0] : i32 from vector<1xi32>
      %add3A_1399 = arith.constant 497 : i32
      %add3A_1400 = arith.addi %add3A_1399, %squeeze3A_1398 : i32
      %get3A_1401 = arith.index_cast %add3A_1400 : i32 to index
      %get3A_1402 = arith.constant 0 : index
      %get3A_1403 = tpu.vector_load %arg14[%get3A_1401, %get3A_1402] {strides = array<i32>} : memref<5504x16xf32, #tpu.memory_space<vmem>>, vector<1x16xf32>,
      %get3A_1404 = vector.shape_cast %get3A_1403 : vector<1x16xf32> to vector<16xf32>
      %add3A_1405 = arith.addf %add3A_1390, %get3A_1404 : vector<16xf32>
      %mul3A_1406 = arith.mulf %get3A_1404, %get3A_1404 : vector<16xf32>
      %add3A_1407 = arith.addf %add3A_1392, %mul3A_1406 : vector<16xf32>
      %get3A_1408 = arith.index_cast %add3A_1400 : i32 to index
      %get3A_1409 = tpu.vector_load %arg15[%get3A_1408] {strides = array<i32>} : memref<5520xf32, #tpu.memory_space<vmem>>, vector<16xf32>,
      %get3A_1410 = vector.shape_cast %get3A_1409 : vector<16xf32> to vector<16xf32>
      %add3A_1411 = arith.addf %add3A_1396, %get3A_1410 : vector<16xf32>
      %mul3A_1412 = arith.mulf %add3A_1405, %add3A_1405 : vector<16xf32>
      %sub3A_1413 = arith.subf %mul3A_1412, %add3A_1407 : vector<16xf32>
      %mul3A_1414 = arith.constant 2.000000e+00 : f32
      %mul3A_1415 = vector.broadcast %mul3A_1414 : f32 to vector<16xf32>
      %mul3A_1416 = arith.mulf %mul3A_1415, %add3A_1411 : vector<16xf32>
      %jit3A_1417 = arith.constant 0.000000e+00 : f32
      %broadcast_in_dim3A_1418 = vector.broadcast %jit3A_1417 : f32 to vector<16xf32>
      %select_n3A_1419 = arith.select %eq3A_403, %mul3A_1416, %broadcast_in_dim3A_1418 : vector<16xi1>, vector<16xf32>
      %add3A_1420 = arith.addf %sub3A_1413, %select_n3A_1419 : vector<16xf32>
      %add3A_1421 = arith.constant 10 : i32
      %add3A_1422 = arith.addi %mul3A_412, %add3A_1421 : i32
      %get3A_1423 = arith.index_cast %add3A_1422 : i32 to index
      %get3A_1424 = arith.constant 0 : index
      %get3A_1425 = tpu.vector_load %arg16[%get3A_1423, %get3A_1424] {strides = array<i32>} : memref<1024x16xf32, #tpu.memory_space<vmem>>, vector<1x16xf32>,
      %get3A_1426 = vector.shape_cast %get3A_1425 : vector<1x16xf32> to vector<16xf32>
      %mul3A_1427 = arith.mulf %get3A_1426, %get3A_1426 : vector<16xf32>
      %add3A_1428 = arith.constant 512 : i32
      %add3A_1429 = arith.addi %add3A_1428, %add3A_1422 : i32
      %get3A_1430 = arith.index_cast %add3A_1429 : i32 to index
      %get3A_1431 = arith.constant 0 : index
      %get3A_1432 = tpu.vector_load %arg16[%get3A_1430, %get3A_1431] {strides = array<i32>} : memref<1024x16xf32, #tpu.memory_space<vmem>>, vector<1x16xf32>,
      %get3A_1433 = vector.shape_cast %get3A_1432 : vector<1x16xf32> to vector<16xf32>
      %add3A_1434 = arith.addf %get3A_1426, %get3A_1433 : vector<16xf32>
      %mul3A_1435 = arith.mulf %get3A_1433, %get3A_1433 : vector<16xf32>
      %add3A_1436 = arith.addf %mul3A_1427, %mul3A_1435 : vector<16xf32>
      %slice3A_1437 = vector.extract_strided_slice %get3A_416 {offsets = [10], sizes = [1], strides = [1]} : vector<16xi32> to vector<1xi32>
      %squeeze3A_1438 = vector.extract %slice3A_1437[0] : i32 from vector<1xi32>
      %add3A_1439 = arith.constant 0 : i32
      %add3A_1440 = arith.addi %add3A_1439, %squeeze3A_1438 : i32
      %get3A_1441 = arith.index_cast %add3A_1440 : i32 to index
      %get3A_1442 = arith.constant 0 : index
      %get3A_1443 = tpu.vector_load %arg14[%get3A_1441, %get3A_1442] {strides = array<i32>} : memref<5504x16xf32, #tpu.memory_space<vmem>>, vector<1x16xf32>,
      %get3A_1444 = vector.shape_cast %get3A_1443 : vector<1x16xf32> to vector<16xf32>
      %add3A_1445 = arith.addf %add3A_1434, %get3A_1444 : vector<16xf32>
      %mul3A_1446 = arith.mulf %get3A_1444, %get3A_1444 : vector<16xf32>
      %add3A_1447 = arith.addf %add3A_1436, %mul3A_1446 : vector<16xf32>
      %get3A_1448 = arith.index_cast %add3A_1440 : i32 to index
      %get3A_1449 = tpu.vector_load %arg15[%get3A_1448] {strides = array<i32>} : memref<5520xf32, #tpu.memory_space<vmem>>, vector<16xf32>,
      %get3A_1450 = vector.shape_cast %get3A_1449 : vector<16xf32> to vector<16xf32>
      %slice3A_1451 = vector.extract_strided_slice %get3A_421 {offsets = [10], sizes = [1], strides = [1]} : vector<16xi32> to vector<1xi32>
      %squeeze3A_1452 = vector.extract %slice3A_1451[0] : i32 from vector<1xi32>
      %add3A_1453 = arith.constant 19 : i32
      %add3A_1454 = arith.addi %add3A_1453, %squeeze3A_1452 : i32
      %get3A_1455 = arith.index_cast %add3A_1454 : i32 to index
      %get3A_1456 = arith.constant 0 : index
      %get3A_1457 = tpu.vector_load %arg14[%get3A_1455, %get3A_1456] {strides = array<i32>} : memref<5504x16xf32, #tpu.memory_space<vmem>>, vector<1x16xf32>,
      %get3A_1458 = vector.shape_cast %get3A_1457 : vector<1x16xf32> to vector<16xf32>
      %add3A_1459 = arith.addf %add3A_1445, %get3A_1458 : vector<16xf32>
      %mul3A_1460 = arith.mulf %get3A_1458, %get3A_1458 : vector<16xf32>
      %add3A_1461 = arith.addf %add3A_1447, %mul3A_1460 : vector<16xf32>
      %get3A_1462 = arith.index_cast %add3A_1454 : i32 to index
      %get3A_1463 = tpu.vector_load %arg15[%get3A_1462] {strides = array<i32>} : memref<5520xf32, #tpu.memory_space<vmem>>, vector<16xf32>,
      %get3A_1464 = vector.shape_cast %get3A_1463 : vector<16xf32> to vector<16xf32>
      %add3A_1465 = arith.addf %get3A_1450, %get3A_1464 : vector<16xf32>
      %slice3A_1466 = vector.extract_strided_slice %get3A_426 {offsets = [10], sizes = [1], strides = [1]} : vector<16xi32> to vector<1xi32>
      %squeeze3A_1467 = vector.extract %slice3A_1466[0] : i32 from vector<1xi32>
      %add3A_1468 = arith.constant 135 : i32
      %add3A_1469 = arith.addi %add3A_1468, %squeeze3A_1467 : i32
      %get3A_1470 = arith.index_cast %add3A_1469 : i32 to index
      %get3A_1471 = arith.constant 0 : index
      %get3A_1472 = tpu.vector_load %arg14[%get3A_1470, %get3A_1471] {strides = array<i32>} : memref<5504x16xf32, #tpu.memory_space<vmem>>, vector<1x16xf32>,
      %get3A_1473 = vector.shape_cast %get3A_1472 : vector<1x16xf32> to vector<16xf32>
      %add3A_1474 = arith.addf %add3A_1459, %get3A_1473 : vector<16xf32>
      %mul3A_1475 = arith.mulf %get3A_1473, %get3A_1473 : vector<16xf32>
      %add3A_1476 = arith.addf %add3A_1461, %mul3A_1475 : vector<16xf32>
      %get3A_1477 = arith.index_cast %add3A_1469 : i32 to index
      %get3A_1478 = tpu.vector_load %arg15[%get3A_1477] {strides = array<i32>} : memref<5520xf32, #tpu.memory_space<vmem>>, vector<16xf32>,
      %get3A_1479 = vector.shape_cast %get3A_1478 : vector<16xf32> to vector<16xf32>
      %add3A_1480 = arith.addf %add3A_1465, %get3A_1479 : vector<16xf32>
      %slice3A_1481 = vector.extract_strided_slice %get3A_431 {offsets = [10], sizes = [1], strides = [1]} : vector<16xi32> to vector<1xi32>
      %squeeze3A_1482 = vector.extract %slice3A_1481[0] : i32 from vector<1xi32>
      %add3A_1483 = arith.constant 193 : i32
      %add3A_1484 = arith.addi %add3A_1483, %squeeze3A_1482 : i32
      %get3A_1485 = arith.index_cast %add3A_1484 : i32 to index
      %get3A_1486 = arith.constant 0 : index
      %get3A_1487 = tpu.vector_load %arg14[%get3A_1485, %get3A_1486] {strides = array<i32>} : memref<5504x16xf32, #tpu.memory_space<vmem>>, vector<1x16xf32>,
      %get3A_1488 = vector.shape_cast %get3A_1487 : vector<1x16xf32> to vector<16xf32>
      %add3A_1489 = arith.addf %add3A_1474, %get3A_1488 : vector<16xf32>
      %mul3A_1490 = arith.mulf %get3A_1488, %get3A_1488 : vector<16xf32>
      %add3A_1491 = arith.addf %add3A_1476, %mul3A_1490 : vector<16xf32>
      %get3A_1492 = arith.index_cast %add3A_1484 : i32 to index
      %get3A_1493 = tpu.vector_load %arg15[%get3A_1492] {strides = array<i32>} : memref<5520xf32, #tpu.memory_space<vmem>>, vector<16xf32>,
      %get3A_1494 = vector.shape_cast %get3A_1493 : vector<16xf32> to vector<16xf32>
      %add3A_1495 = arith.addf %add3A_1480, %get3A_1494 : vector<16xf32>
      %slice3A_1496 = vector.extract_strided_slice %get3A_436 {offsets = [10], sizes = [1], strides = [1]} : vector<16xi32> to vector<1xi32>
      %squeeze3A_1497 = vector.extract %slice3A_1496[0] : i32 from vector<1xi32>
      %add3A_1498 = arith.constant 497 : i32
      %add3A_1499 = arith.addi %add3A_1498, %squeeze3A_1497 : i32
      %get3A_1500 = arith.index_cast %add3A_1499 : i32 to index
      %get3A_1501 = arith.constant 0 : index
      %get3A_1502 = tpu.vector_load %arg14[%get3A_1500, %get3A_1501] {strides = array<i32>} : memref<5504x16xf32, #tpu.memory_space<vmem>>, vector<1x16xf32>,
      %get3A_1503 = vector.shape_cast %get3A_1502 : vector<1x16xf32> to vector<16xf32>
      %add3A_1504 = arith.addf %add3A_1489, %get3A_1503 : vector<16xf32>
      %mul3A_1505 = arith.mulf %get3A_1503, %get3A_1503 : vector<16xf32>
      %add3A_1506 = arith.addf %add3A_1491, %mul3A_1505 : vector<16xf32>
      %get3A_1507 = arith.index_cast %add3A_1499 : i32 to index
      %get3A_1508 = tpu.vector_load %arg15[%get3A_1507] {strides = array<i32>} : memref<5520xf32, #tpu.memory_space<vmem>>, vector<16xf32>,
      %get3A_1509 = vector.shape_cast %get3A_1508 : vector<16xf32> to vector<16xf32>
      %add3A_1510 = arith.addf %add3A_1495, %get3A_1509 : vector<16xf32>
      %mul3A_1511 = arith.mulf %add3A_1504, %add3A_1504 : vector<16xf32>
      %sub3A_1512 = arith.subf %mul3A_1511, %add3A_1506 : vector<16xf32>
      %mul3A_1513 = arith.constant 2.000000e+00 : f32
      %mul3A_1514 = vector.broadcast %mul3A_1513 : f32 to vector<16xf32>
      %mul3A_1515 = arith.mulf %mul3A_1514, %add3A_1510 : vector<16xf32>
      %jit3A_1516 = arith.constant 0.000000e+00 : f32
      %broadcast_in_dim3A_1517 = vector.broadcast %jit3A_1516 : f32 to vector<16xf32>
      %select_n3A_1518 = arith.select %eq3A_403, %mul3A_1515, %broadcast_in_dim3A_1517 : vector<16xi1>, vector<16xf32>
      %add3A_1519 = arith.addf %sub3A_1512, %select_n3A_1518 : vector<16xf32>
      %add3A_1520 = arith.constant 11 : i32
      %add3A_1521 = arith.addi %mul3A_412, %add3A_1520 : i32
      %get3A_1522 = arith.index_cast %add3A_1521 : i32 to index
      %get3A_1523 = arith.constant 0 : index
      %get3A_1524 = tpu.vector_load %arg16[%get3A_1522, %get3A_1523] {strides = array<i32>} : memref<1024x16xf32, #tpu.memory_space<vmem>>, vector<1x16xf32>,
      %get3A_1525 = vector.shape_cast %get3A_1524 : vector<1x16xf32> to vector<16xf32>
      %mul3A_1526 = arith.mulf %get3A_1525, %get3A_1525 : vector<16xf32>
      %add3A_1527 = arith.constant 512 : i32
      %add3A_1528 = arith.addi %add3A_1527, %add3A_1521 : i32
      %get3A_1529 = arith.index_cast %add3A_1528 : i32 to index
      %get3A_1530 = arith.constant 0 : index
      %get3A_1531 = tpu.vector_load %arg16[%get3A_1529, %get3A_1530] {strides = array<i32>} : memref<1024x16xf32, #tpu.memory_space<vmem>>, vector<1x16xf32>,
      %get3A_1532 = vector.shape_cast %get3A_1531 : vector<1x16xf32> to vector<16xf32>
      %add3A_1533 = arith.addf %get3A_1525, %get3A_1532 : vector<16xf32>
      %mul3A_1534 = arith.mulf %get3A_1532, %get3A_1532 : vector<16xf32>
      %add3A_1535 = arith.addf %mul3A_1526, %mul3A_1534 : vector<16xf32>
      %slice3A_1536 = vector.extract_strided_slice %get3A_416 {offsets = [11], sizes = [1], strides = [1]} : vector<16xi32> to vector<1xi32>
      %squeeze3A_1537 = vector.extract %slice3A_1536[0] : i32 from vector<1xi32>
      %add3A_1538 = arith.constant 0 : i32
      %add3A_1539 = arith.addi %add3A_1538, %squeeze3A_1537 : i32
      %get3A_1540 = arith.index_cast %add3A_1539 : i32 to index
      %get3A_1541 = arith.constant 0 : index
      %get3A_1542 = tpu.vector_load %arg14[%get3A_1540, %get3A_1541] {strides = array<i32>} : memref<5504x16xf32, #tpu.memory_space<vmem>>, vector<1x16xf32>,
      %get3A_1543 = vector.shape_cast %get3A_1542 : vector<1x16xf32> to vector<16xf32>
      %add3A_1544 = arith.addf %add3A_1533, %get3A_1543 : vector<16xf32>
      %mul3A_1545 = arith.mulf %get3A_1543, %get3A_1543 : vector<16xf32>
      %add3A_1546 = arith.addf %add3A_1535, %mul3A_1545 : vector<16xf32>
      %get3A_1547 = arith.index_cast %add3A_1539 : i32 to index
      %get3A_1548 = tpu.vector_load %arg15[%get3A_1547] {strides = array<i32>} : memref<5520xf32, #tpu.memory_space<vmem>>, vector<16xf32>,
      %get3A_1549 = vector.shape_cast %get3A_1548 : vector<16xf32> to vector<16xf32>
      %slice3A_1550 = vector.extract_strided_slice %get3A_421 {offsets = [11], sizes = [1], strides = [1]} : vector<16xi32> to vector<1xi32>
      %squeeze3A_1551 = vector.extract %slice3A_1550[0] : i32 from vector<1xi32>
      %add3A_1552 = arith.constant 19 : i32
      %add3A_1553 = arith.addi %add3A_1552, %squeeze3A_1551 : i32
      %get3A_1554 = arith.index_cast %add3A_1553 : i32 to index
      %get3A_1555 = arith.constant 0 : index
      %get3A_1556 = tpu.vector_load %arg14[%get3A_1554, %get3A_1555] {strides = array<i32>} : memref<5504x16xf32, #tpu.memory_space<vmem>>, vector<1x16xf32>,
      %get3A_1557 = vector.shape_cast %get3A_1556 : vector<1x16xf32> to vector<16xf32>
      %add3A_1558 = arith.addf %add3A_1544, %get3A_1557 : vector<16xf32>
      %mul3A_1559 = arith.mulf %get3A_1557, %get3A_1557 : vector<16xf32>
      %add3A_1560 = arith.addf %add3A_1546, %mul3A_1559 : vector<16xf32>
      %get3A_1561 = arith.index_cast %add3A_1553 : i32 to index
      %get3A_1562 = tpu.vector_load %arg15[%get3A_1561] {strides = array<i32>} : memref<5520xf32, #tpu.memory_space<vmem>>, vector<16xf32>,
      %get3A_1563 = vector.shape_cast %get3A_1562 : vector<16xf32> to vector<16xf32>
      %add3A_1564 = arith.addf %get3A_1549, %get3A_1563 : vector<16xf32>
      %slice3A_1565 = vector.extract_strided_slice %get3A_426 {offsets = [11], sizes = [1], strides = [1]} : vector<16xi32> to vector<1xi32>
      %squeeze3A_1566 = vector.extract %slice3A_1565[0] : i32 from vector<1xi32>
      %add3A_1567 = arith.constant 135 : i32
      %add3A_1568 = arith.addi %add3A_1567, %squeeze3A_1566 : i32
      %get3A_1569 = arith.index_cast %add3A_1568 : i32 to index
      %get3A_1570 = arith.constant 0 : index
      %get3A_1571 = tpu.vector_load %arg14[%get3A_1569, %get3A_1570] {strides = array<i32>} : memref<5504x16xf32, #tpu.memory_space<vmem>>, vector<1x16xf32>,
      %get3A_1572 = vector.shape_cast %get3A_1571 : vector<1x16xf32> to vector<16xf32>
      %add3A_1573 = arith.addf %add3A_1558, %get3A_1572 : vector<16xf32>
      %mul3A_1574 = arith.mulf %get3A_1572, %get3A_1572 : vector<16xf32>
      %add3A_1575 = arith.addf %add3A_1560, %mul3A_1574 : vector<16xf32>
      %get3A_1576 = arith.index_cast %add3A_1568 : i32 to index
      %get3A_1577 = tpu.vector_load %arg15[%get3A_1576] {strides = array<i32>} : memref<5520xf32, #tpu.memory_space<vmem>>, vector<16xf32>,
      %get3A_1578 = vector.shape_cast %get3A_1577 : vector<16xf32> to vector<16xf32>
      %add3A_1579 = arith.addf %add3A_1564, %get3A_1578 : vector<16xf32>
      %slice3A_1580 = vector.extract_strided_slice %get3A_431 {offsets = [11], sizes = [1], strides = [1]} : vector<16xi32> to vector<1xi32>
      %squeeze3A_1581 = vector.extract %slice3A_1580[0] : i32 from vector<1xi32>
      %add3A_1582 = arith.constant 193 : i32
      %add3A_1583 = arith.addi %add3A_1582, %squeeze3A_1581 : i32
      %get3A_1584 = arith.index_cast %add3A_1583 : i32 to index
      %get3A_1585 = arith.constant 0 : index
      %get3A_1586 = tpu.vector_load %arg14[%get3A_1584, %get3A_1585] {strides = array<i32>} : memref<5504x16xf32, #tpu.memory_space<vmem>>, vector<1x16xf32>,
      %get3A_1587 = vector.shape_cast %get3A_1586 : vector<1x16xf32> to vector<16xf32>
      %add3A_1588 = arith.addf %add3A_1573, %get3A_1587 : vector<16xf32>
      %mul3A_1589 = arith.mulf %get3A_1587, %get3A_1587 : vector<16xf32>
      %add3A_1590 = arith.addf %add3A_1575, %mul3A_1589 : vector<16xf32>
      %get3A_1591 = arith.index_cast %add3A_1583 : i32 to index
      %get3A_1592 = tpu.vector_load %arg15[%get3A_1591] {strides = array<i32>} : memref<5520xf32, #tpu.memory_space<vmem>>, vector<16xf32>,
      %get3A_1593 = vector.shape_cast %get3A_1592 : vector<16xf32> to vector<16xf32>
      %add3A_1594 = arith.addf %add3A_1579, %get3A_1593 : vector<16xf32>
      %slice3A_1595 = vector.extract_strided_slice %get3A_436 {offsets = [11], sizes = [1], strides = [1]} : vector<16xi32> to vector<1xi32>
      %squeeze3A_1596 = vector.extract %slice3A_1595[0] : i32 from vector<1xi32>
      %add3A_1597 = arith.constant 497 : i32
      %add3A_1598 = arith.addi %add3A_1597, %squeeze3A_1596 : i32
      %get3A_1599 = arith.index_cast %add3A_1598 : i32 to index
      %get3A_1600 = arith.constant 0 : index
      %get3A_1601 = tpu.vector_load %arg14[%get3A_1599, %get3A_1600] {strides = array<i32>} : memref<5504x16xf32, #tpu.memory_space<vmem>>, vector<1x16xf32>,
      %get3A_1602 = vector.shape_cast %get3A_1601 : vector<1x16xf32> to vector<16xf32>
      %add3A_1603 = arith.addf %add3A_1588, %get3A_1602 : vector<16xf32>
      %mul3A_1604 = arith.mulf %get3A_1602, %get3A_1602 : vector<16xf32>
      %add3A_1605 = arith.addf %add3A_1590, %mul3A_1604 : vector<16xf32>
      %get3A_1606 = arith.index_cast %add3A_1598 : i32 to index
      %get3A_1607 = tpu.vector_load %arg15[%get3A_1606] {strides = array<i32>} : memref<5520xf32, #tpu.memory_space<vmem>>, vector<16xf32>,
      %get3A_1608 = vector.shape_cast %get3A_1607 : vector<16xf32> to vector<16xf32>
      %add3A_1609 = arith.addf %add3A_1594, %get3A_1608 : vector<16xf32>
      %mul3A_1610 = arith.mulf %add3A_1603, %add3A_1603 : vector<16xf32>
      %sub3A_1611 = arith.subf %mul3A_1610, %add3A_1605 : vector<16xf32>
      %mul3A_1612 = arith.constant 2.000000e+00 : f32
      %mul3A_1613 = vector.broadcast %mul3A_1612 : f32 to vector<16xf32>
      %mul3A_1614 = arith.mulf %mul3A_1613, %add3A_1609 : vector<16xf32>
      %jit3A_1615 = arith.constant 0.000000e+00 : f32
      %broadcast_in_dim3A_1616 = vector.broadcast %jit3A_1615 : f32 to vector<16xf32>
      %select_n3A_1617 = arith.select %eq3A_403, %mul3A_1614, %broadcast_in_dim3A_1616 : vector<16xi1>, vector<16xf32>
      %add3A_1618 = arith.addf %sub3A_1611, %select_n3A_1617 : vector<16xf32>
      %add3A_1619 = arith.constant 12 : i32
      %add3A_1620 = arith.addi %mul3A_412, %add3A_1619 : i32
      %get3A_1621 = arith.index_cast %add3A_1620 : i32 to index
      %get3A_1622 = arith.constant 0 : index
      %get3A_1623 = tpu.vector_load %arg16[%get3A_1621, %get3A_1622] {strides = array<i32>} : memref<1024x16xf32, #tpu.memory_space<vmem>>, vector<1x16xf32>,
      %get3A_1624 = vector.shape_cast %get3A_1623 : vector<1x16xf32> to vector<16xf32>
      %mul3A_1625 = arith.mulf %get3A_1624, %get3A_1624 : vector<16xf32>
      %add3A_1626 = arith.constant 512 : i32
      %add3A_1627 = arith.addi %add3A_1626, %add3A_1620 : i32
      %get3A_1628 = arith.index_cast %add3A_1627 : i32 to index
      %get3A_1629 = arith.constant 0 : index
      %get3A_1630 = tpu.vector_load %arg16[%get3A_1628, %get3A_1629] {strides = array<i32>} : memref<1024x16xf32, #tpu.memory_space<vmem>>, vector<1x16xf32>,
      %get3A_1631 = vector.shape_cast %get3A_1630 : vector<1x16xf32> to vector<16xf32>
      %add3A_1632 = arith.addf %get3A_1624, %get3A_1631 : vector<16xf32>
      %mul3A_1633 = arith.mulf %get3A_1631, %get3A_1631 : vector<16xf32>
      %add3A_1634 = arith.addf %mul3A_1625, %mul3A_1633 : vector<16xf32>
      %slice3A_1635 = vector.extract_strided_slice %get3A_416 {offsets = [12], sizes = [1], strides = [1]} : vector<16xi32> to vector<1xi32>
      %squeeze3A_1636 = vector.extract %slice3A_1635[0] : i32 from vector<1xi32>
      %add3A_1637 = arith.constant 0 : i32
      %add3A_1638 = arith.addi %add3A_1637, %squeeze3A_1636 : i32
      %get3A_1639 = arith.index_cast %add3A_1638 : i32 to index
      %get3A_1640 = arith.constant 0 : index
      %get3A_1641 = tpu.vector_load %arg14[%get3A_1639, %get3A_1640] {strides = array<i32>} : memref<5504x16xf32, #tpu.memory_space<vmem>>, vector<1x16xf32>,
      %get3A_1642 = vector.shape_cast %get3A_1641 : vector<1x16xf32> to vector<16xf32>
      %add3A_1643 = arith.addf %add3A_1632, %get3A_1642 : vector<16xf32>
      %mul3A_1644 = arith.mulf %get3A_1642, %get3A_1642 : vector<16xf32>
      %add3A_1645 = arith.addf %add3A_1634, %mul3A_1644 : vector<16xf32>
      %get3A_1646 = arith.index_cast %add3A_1638 : i32 to index
      %get3A_1647 = tpu.vector_load %arg15[%get3A_1646] {strides = array<i32>} : memref<5520xf32, #tpu.memory_space<vmem>>, vector<16xf32>,
      %get3A_1648 = vector.shape_cast %get3A_1647 : vector<16xf32> to vector<16xf32>
      %slice3A_1649 = vector.extract_strided_slice %get3A_421 {offsets = [12], sizes = [1], strides = [1]} : vector<16xi32> to vector<1xi32>
      %squeeze3A_1650 = vector.extract %slice3A_1649[0] : i32 from vector<1xi32>
      %add3A_1651 = arith.constant 19 : i32
      %add3A_1652 = arith.addi %add3A_1651, %squeeze3A_1650 : i32
      %get3A_1653 = arith.index_cast %add3A_1652 : i32 to index
      %get3A_1654 = arith.constant 0 : index
      %get3A_1655 = tpu.vector_load %arg14[%get3A_1653, %get3A_1654] {strides = array<i32>} : memref<5504x16xf32, #tpu.memory_space<vmem>>, vector<1x16xf32>,
      %get3A_1656 = vector.shape_cast %get3A_1655 : vector<1x16xf32> to vector<16xf32>
      %add3A_1657 = arith.addf %add3A_1643, %get3A_1656 : vector<16xf32>
      %mul3A_1658 = arith.mulf %get3A_1656, %get3A_1656 : vector<16xf32>
      %add3A_1659 = arith.addf %add3A_1645, %mul3A_1658 : vector<16xf32>
      %get3A_1660 = arith.index_cast %add3A_1652 : i32 to index
      %get3A_1661 = tpu.vector_load %arg15[%get3A_1660] {strides = array<i32>} : memref<5520xf32, #tpu.memory_space<vmem>>, vector<16xf32>,
      %get3A_1662 = vector.shape_cast %get3A_1661 : vector<16xf32> to vector<16xf32>
      %add3A_1663 = arith.addf %get3A_1648, %get3A_1662 : vector<16xf32>
      %slice3A_1664 = vector.extract_strided_slice %get3A_426 {offsets = [12], sizes = [1], strides = [1]} : vector<16xi32> to vector<1xi32>
      %squeeze3A_1665 = vector.extract %slice3A_1664[0] : i32 from vector<1xi32>
      %add3A_1666 = arith.constant 135 : i32
      %add3A_1667 = arith.addi %add3A_1666, %squeeze3A_1665 : i32
      %get3A_1668 = arith.index_cast %add3A_1667 : i32 to index
      %get3A_1669 = arith.constant 0 : index
      %get3A_1670 = tpu.vector_load %arg14[%get3A_1668, %get3A_1669] {strides = array<i32>} : memref<5504x16xf32, #tpu.memory_space<vmem>>, vector<1x16xf32>,
      %get3A_1671 = vector.shape_cast %get3A_1670 : vector<1x16xf32> to vector<16xf32>
      %add3A_1672 = arith.addf %add3A_1657, %get3A_1671 : vector<16xf32>
      %mul3A_1673 = arith.mulf %get3A_1671, %get3A_1671 : vector<16xf32>
      %add3A_1674 = arith.addf %add3A_1659, %mul3A_1673 : vector<16xf32>
      %get3A_1675 = arith.index_cast %add3A_1667 : i32 to index
      %get3A_1676 = tpu.vector_load %arg15[%get3A_1675] {strides = array<i32>} : memref<5520xf32, #tpu.memory_space<vmem>>, vector<16xf32>,
      %get3A_1677 = vector.shape_cast %get3A_1676 : vector<16xf32> to vector<16xf32>
      %add3A_1678 = arith.addf %add3A_1663, %get3A_1677 : vector<16xf32>
      %slice3A_1679 = vector.extract_strided_slice %get3A_431 {offsets = [12], sizes = [1], strides = [1]} : vector<16xi32> to vector<1xi32>
      %squeeze3A_1680 = vector.extract %slice3A_1679[0] : i32 from vector<1xi32>
      %add3A_1681 = arith.constant 193 : i32
      %add3A_1682 = arith.addi %add3A_1681, %squeeze3A_1680 : i32
      %get3A_1683 = arith.index_cast %add3A_1682 : i32 to index
      %get3A_1684 = arith.constant 0 : index
      %get3A_1685 = tpu.vector_load %arg14[%get3A_1683, %get3A_1684] {strides = array<i32>} : memref<5504x16xf32, #tpu.memory_space<vmem>>, vector<1x16xf32>,
      %get3A_1686 = vector.shape_cast %get3A_1685 : vector<1x16xf32> to vector<16xf32>
      %add3A_1687 = arith.addf %add3A_1672, %get3A_1686 : vector<16xf32>
      %mul3A_1688 = arith.mulf %get3A_1686, %get3A_1686 : vector<16xf32>
      %add3A_1689 = arith.addf %add3A_1674, %mul3A_1688 : vector<16xf32>
      %get3A_1690 = arith.index_cast %add3A_1682 : i32 to index
      %get3A_1691 = tpu.vector_load %arg15[%get3A_1690] {strides = array<i32>} : memref<5520xf32, #tpu.memory_space<vmem>>, vector<16xf32>,
      %get3A_1692 = vector.shape_cast %get3A_1691 : vector<16xf32> to vector<16xf32>
      %add3A_1693 = arith.addf %add3A_1678, %get3A_1692 : vector<16xf32>
      %slice3A_1694 = vector.extract_strided_slice %get3A_436 {offsets = [12], sizes = [1], strides = [1]} : vector<16xi32> to vector<1xi32>
      %squeeze3A_1695 = vector.extract %slice3A_1694[0] : i32 from vector<1xi32>
      %add3A_1696 = arith.constant 497 : i32
      %add3A_1697 = arith.addi %add3A_1696, %squeeze3A_1695 : i32
      %get3A_1698 = arith.index_cast %add3A_1697 : i32 to index
      %get3A_1699 = arith.constant 0 : index
      %get3A_1700 = tpu.vector_load %arg14[%get3A_1698, %get3A_1699] {strides = array<i32>} : memref<5504x16xf32, #tpu.memory_space<vmem>>, vector<1x16xf32>,
      %get3A_1701 = vector.shape_cast %get3A_1700 : vector<1x16xf32> to vector<16xf32>
      %add3A_1702 = arith.addf %add3A_1687, %get3A_1701 : vector<16xf32>
      %mul3A_1703 = arith.mulf %get3A_1701, %get3A_1701 : vector<16xf32>
      %add3A_1704 = arith.addf %add3A_1689, %mul3A_1703 : vector<16xf32>
      %get3A_1705 = arith.index_cast %add3A_1697 : i32 to index
      %get3A_1706 = tpu.vector_load %arg15[%get3A_1705] {strides = array<i32>} : memref<5520xf32, #tpu.memory_space<vmem>>, vector<16xf32>,
      %get3A_1707 = vector.shape_cast %get3A_1706 : vector<16xf32> to vector<16xf32>
      %add3A_1708 = arith.addf %add3A_1693, %get3A_1707 : vector<16xf32>
      %mul3A_1709 = arith.mulf %add3A_1702, %add3A_1702 : vector<16xf32>
      %sub3A_1710 = arith.subf %mul3A_1709, %add3A_1704 : vector<16xf32>
      %mul3A_1711 = arith.constant 2.000000e+00 : f32
      %mul3A_1712 = vector.broadcast %mul3A_1711 : f32 to vector<16xf32>
      %mul3A_1713 = arith.mulf %mul3A_1712, %add3A_1708 : vector<16xf32>
      %jit3A_1714 = arith.constant 0.000000e+00 : f32
      %broadcast_in_dim3A_1715 = vector.broadcast %jit3A_1714 : f32 to vector<16xf32>
      %select_n3A_1716 = arith.select %eq3A_403, %mul3A_1713, %broadcast_in_dim3A_1715 : vector<16xi1>, vector<16xf32>
      %add3A_1717 = arith.addf %sub3A_1710, %select_n3A_1716 : vector<16xf32>
      %add3A_1718 = arith.constant 13 : i32
      %add3A_1719 = arith.addi %mul3A_412, %add3A_1718 : i32
      %get3A_1720 = arith.index_cast %add3A_1719 : i32 to index
      %get3A_1721 = arith.constant 0 : index
      %get3A_1722 = tpu.vector_load %arg16[%get3A_1720, %get3A_1721] {strides = array<i32>} : memref<1024x16xf32, #tpu.memory_space<vmem>>, vector<1x16xf32>,
      %get3A_1723 = vector.shape_cast %get3A_1722 : vector<1x16xf32> to vector<16xf32>
      %mul3A_1724 = arith.mulf %get3A_1723, %get3A_1723 : vector<16xf32>
      %add3A_1725 = arith.constant 512 : i32
      %add3A_1726 = arith.addi %add3A_1725, %add3A_1719 : i32
      %get3A_1727 = arith.index_cast %add3A_1726 : i32 to index
      %get3A_1728 = arith.constant 0 : index
      %get3A_1729 = tpu.vector_load %arg16[%get3A_1727, %get3A_1728] {strides = array<i32>} : memref<1024x16xf32, #tpu.memory_space<vmem>>, vector<1x16xf32>,
      %get3A_1730 = vector.shape_cast %get3A_1729 : vector<1x16xf32> to vector<16xf32>
      %add3A_1731 = arith.addf %get3A_1723, %get3A_1730 : vector<16xf32>
      %mul3A_1732 = arith.mulf %get3A_1730, %get3A_1730 : vector<16xf32>
      %add3A_1733 = arith.addf %mul3A_1724, %mul3A_1732 : vector<16xf32>
      %slice3A_1734 = vector.extract_strided_slice %get3A_416 {offsets = [13], sizes = [1], strides = [1]} : vector<16xi32> to vector<1xi32>
      %squeeze3A_1735 = vector.extract %slice3A_1734[0] : i32 from vector<1xi32>
      %add3A_1736 = arith.constant 0 : i32
      %add3A_1737 = arith.addi %add3A_1736, %squeeze3A_1735 : i32
      %get3A_1738 = arith.index_cast %add3A_1737 : i32 to index
      %get3A_1739 = arith.constant 0 : index
      %get3A_1740 = tpu.vector_load %arg14[%get3A_1738, %get3A_1739] {strides = array<i32>} : memref<5504x16xf32, #tpu.memory_space<vmem>>, vector<1x16xf32>,
      %get3A_1741 = vector.shape_cast %get3A_1740 : vector<1x16xf32> to vector<16xf32>
      %add3A_1742 = arith.addf %add3A_1731, %get3A_1741 : vector<16xf32>
      %mul3A_1743 = arith.mulf %get3A_1741, %get3A_1741 : vector<16xf32>
      %add3A_1744 = arith.addf %add3A_1733, %mul3A_1743 : vector<16xf32>
      %get3A_1745 = arith.index_cast %add3A_1737 : i32 to index
      %get3A_1746 = tpu.vector_load %arg15[%get3A_1745] {strides = array<i32>} : memref<5520xf32, #tpu.memory_space<vmem>>, vector<16xf32>,
      %get3A_1747 = vector.shape_cast %get3A_1746 : vector<16xf32> to vector<16xf32>
      %slice3A_1748 = vector.extract_strided_slice %get3A_421 {offsets = [13], sizes = [1], strides = [1]} : vector<16xi32> to vector<1xi32>
      %squeeze3A_1749 = vector.extract %slice3A_1748[0] : i32 from vector<1xi32>
      %add3A_1750 = arith.constant 19 : i32
      %add3A_1751 = arith.addi %add3A_1750, %squeeze3A_1749 : i32
      %get3A_1752 = arith.index_cast %add3A_1751 : i32 to index
      %get3A_1753 = arith.constant 0 : index
      %get3A_1754 = tpu.vector_load %arg14[%get3A_1752, %get3A_1753] {strides = array<i32>} : memref<5504x16xf32, #tpu.memory_space<vmem>>, vector<1x16xf32>,
      %get3A_1755 = vector.shape_cast %get3A_1754 : vector<1x16xf32> to vector<16xf32>
      %add3A_1756 = arith.addf %add3A_1742, %get3A_1755 : vector<16xf32>
      %mul3A_1757 = arith.mulf %get3A_1755, %get3A_1755 : vector<16xf32>
      %add3A_1758 = arith.addf %add3A_1744, %mul3A_1757 : vector<16xf32>
      %get3A_1759 = arith.index_cast %add3A_1751 : i32 to index
      %get3A_1760 = tpu.vector_load %arg15[%get3A_1759] {strides = array<i32>} : memref<5520xf32, #tpu.memory_space<vmem>>, vector<16xf32>,
      %get3A_1761 = vector.shape_cast %get3A_1760 : vector<16xf32> to vector<16xf32>
      %add3A_1762 = arith.addf %get3A_1747, %get3A_1761 : vector<16xf32>
      %slice3A_1763 = vector.extract_strided_slice %get3A_426 {offsets = [13], sizes = [1], strides = [1]} : vector<16xi32> to vector<1xi32>
      %squeeze3A_1764 = vector.extract %slice3A_1763[0] : i32 from vector<1xi32>
      %add3A_1765 = arith.constant 135 : i32
      %add3A_1766 = arith.addi %add3A_1765, %squeeze3A_1764 : i32
      %get3A_1767 = arith.index_cast %add3A_1766 : i32 to index
      %get3A_1768 = arith.constant 0 : index
      %get3A_1769 = tpu.vector_load %arg14[%get3A_1767, %get3A_1768] {strides = array<i32>} : memref<5504x16xf32, #tpu.memory_space<vmem>>, vector<1x16xf32>,
      %get3A_1770 = vector.shape_cast %get3A_1769 : vector<1x16xf32> to vector<16xf32>
      %add3A_1771 = arith.addf %add3A_1756, %get3A_1770 : vector<16xf32>
      %mul3A_1772 = arith.mulf %get3A_1770, %get3A_1770 : vector<16xf32>
      %add3A_1773 = arith.addf %add3A_1758, %mul3A_1772 : vector<16xf32>
      %get3A_1774 = arith.index_cast %add3A_1766 : i32 to index
      %get3A_1775 = tpu.vector_load %arg15[%get3A_1774] {strides = array<i32>} : memref<5520xf32, #tpu.memory_space<vmem>>, vector<16xf32>,
      %get3A_1776 = vector.shape_cast %get3A_1775 : vector<16xf32> to vector<16xf32>
      %add3A_1777 = arith.addf %add3A_1762, %get3A_1776 : vector<16xf32>
      %slice3A_1778 = vector.extract_strided_slice %get3A_431 {offsets = [13], sizes = [1], strides = [1]} : vector<16xi32> to vector<1xi32>
      %squeeze3A_1779 = vector.extract %slice3A_1778[0] : i32 from vector<1xi32>
      %add3A_1780 = arith.constant 193 : i32
      %add3A_1781 = arith.addi %add3A_1780, %squeeze3A_1779 : i32
      %get3A_1782 = arith.index_cast %add3A_1781 : i32 to index
      %get3A_1783 = arith.constant 0 : index
      %get3A_1784 = tpu.vector_load %arg14[%get3A_1782, %get3A_1783] {strides = array<i32>} : memref<5504x16xf32, #tpu.memory_space<vmem>>, vector<1x16xf32>,
      %get3A_1785 = vector.shape_cast %get3A_1784 : vector<1x16xf32> to vector<16xf32>
      %add3A_1786 = arith.addf %add3A_1771, %get3A_1785 : vector<16xf32>
      %mul3A_1787 = arith.mulf %get3A_1785, %get3A_1785 : vector<16xf32>
      %add3A_1788 = arith.addf %add3A_1773, %mul3A_1787 : vector<16xf32>
      %get3A_1789 = arith.index_cast %add3A_1781 : i32 to index
      %get3A_1790 = tpu.vector_load %arg15[%get3A_1789] {strides = array<i32>} : memref<5520xf32, #tpu.memory_space<vmem>>, vector<16xf32>,
      %get3A_1791 = vector.shape_cast %get3A_1790 : vector<16xf32> to vector<16xf32>
      %add3A_1792 = arith.addf %add3A_1777, %get3A_1791 : vector<16xf32>
      %slice3A_1793 = vector.extract_strided_slice %get3A_436 {offsets = [13], sizes = [1], strides = [1]} : vector<16xi32> to vector<1xi32>
      %squeeze3A_1794 = vector.extract %slice3A_1793[0] : i32 from vector<1xi32>
      %add3A_1795 = arith.constant 497 : i32
      %add3A_1796 = arith.addi %add3A_1795, %squeeze3A_1794 : i32
      %get3A_1797 = arith.index_cast %add3A_1796 : i32 to index
      %get3A_1798 = arith.constant 0 : index
      %get3A_1799 = tpu.vector_load %arg14[%get3A_1797, %get3A_1798] {strides = array<i32>} : memref<5504x16xf32, #tpu.memory_space<vmem>>, vector<1x16xf32>,
      %get3A_1800 = vector.shape_cast %get3A_1799 : vector<1x16xf32> to vector<16xf32>
      %add3A_1801 = arith.addf %add3A_1786, %get3A_1800 : vector<16xf32>
      %mul3A_1802 = arith.mulf %get3A_1800, %get3A_1800 : vector<16xf32>
      %add3A_1803 = arith.addf %add3A_1788, %mul3A_1802 : vector<16xf32>
      %get3A_1804 = arith.index_cast %add3A_1796 : i32 to index
      %get3A_1805 = tpu.vector_load %arg15[%get3A_1804] {strides = array<i32>} : memref<5520xf32, #tpu.memory_space<vmem>>, vector<16xf32>,
      %get3A_1806 = vector.shape_cast %get3A_1805 : vector<16xf32> to vector<16xf32>
      %add3A_1807 = arith.addf %add3A_1792, %get3A_1806 : vector<16xf32>
      %mul3A_1808 = arith.mulf %add3A_1801, %add3A_1801 : vector<16xf32>
      %sub3A_1809 = arith.subf %mul3A_1808, %add3A_1803 : vector<16xf32>
      %mul3A_1810 = arith.constant 2.000000e+00 : f32
      %mul3A_1811 = vector.broadcast %mul3A_1810 : f32 to vector<16xf32>
      %mul3A_1812 = arith.mulf %mul3A_1811, %add3A_1807 : vector<16xf32>
      %jit3A_1813 = arith.constant 0.000000e+00 : f32
      %broadcast_in_dim3A_1814 = vector.broadcast %jit3A_1813 : f32 to vector<16xf32>
      %select_n3A_1815 = arith.select %eq3A_403, %mul3A_1812, %broadcast_in_dim3A_1814 : vector<16xi1>, vector<16xf32>
      %add3A_1816 = arith.addf %sub3A_1809, %select_n3A_1815 : vector<16xf32>
      %add3A_1817 = arith.constant 14 : i32
      %add3A_1818 = arith.addi %mul3A_412, %add3A_1817 : i32
      %get3A_1819 = arith.index_cast %add3A_1818 : i32 to index
      %get3A_1820 = arith.constant 0 : index
      %get3A_1821 = tpu.vector_load %arg16[%get3A_1819, %get3A_1820] {strides = array<i32>} : memref<1024x16xf32, #tpu.memory_space<vmem>>, vector<1x16xf32>,
      %get3A_1822 = vector.shape_cast %get3A_1821 : vector<1x16xf32> to vector<16xf32>
      %mul3A_1823 = arith.mulf %get3A_1822, %get3A_1822 : vector<16xf32>
      %add3A_1824 = arith.constant 512 : i32
      %add3A_1825 = arith.addi %add3A_1824, %add3A_1818 : i32
      %get3A_1826 = arith.index_cast %add3A_1825 : i32 to index
      %get3A_1827 = arith.constant 0 : index
      %get3A_1828 = tpu.vector_load %arg16[%get3A_1826, %get3A_1827] {strides = array<i32>} : memref<1024x16xf32, #tpu.memory_space<vmem>>, vector<1x16xf32>,
      %get3A_1829 = vector.shape_cast %get3A_1828 : vector<1x16xf32> to vector<16xf32>
      %add3A_1830 = arith.addf %get3A_1822, %get3A_1829 : vector<16xf32>
      %mul3A_1831 = arith.mulf %get3A_1829, %get3A_1829 : vector<16xf32>
      %add3A_1832 = arith.addf %mul3A_1823, %mul3A_1831 : vector<16xf32>
      %slice3A_1833 = vector.extract_strided_slice %get3A_416 {offsets = [14], sizes = [1], strides = [1]} : vector<16xi32> to vector<1xi32>
      %squeeze3A_1834 = vector.extract %slice3A_1833[0] : i32 from vector<1xi32>
      %add3A_1835 = arith.constant 0 : i32
      %add3A_1836 = arith.addi %add3A_1835, %squeeze3A_1834 : i32
      %get3A_1837 = arith.index_cast %add3A_1836 : i32 to index
      %get3A_1838 = arith.constant 0 : index
      %get3A_1839 = tpu.vector_load %arg14[%get3A_1837, %get3A_1838] {strides = array<i32>} : memref<5504x16xf32, #tpu.memory_space<vmem>>, vector<1x16xf32>,
      %get3A_1840 = vector.shape_cast %get3A_1839 : vector<1x16xf32> to vector<16xf32>
      %add3A_1841 = arith.addf %add3A_1830, %get3A_1840 : vector<16xf32>
      %mul3A_1842 = arith.mulf %get3A_1840, %get3A_1840 : vector<16xf32>
      %add3A_1843 = arith.addf %add3A_1832, %mul3A_1842 : vector<16xf32>
      %get3A_1844 = arith.index_cast %add3A_1836 : i32 to index
      %get3A_1845 = tpu.vector_load %arg15[%get3A_1844] {strides = array<i32>} : memref<5520xf32, #tpu.memory_space<vmem>>, vector<16xf32>,
      %get3A_1846 = vector.shape_cast %get3A_1845 : vector<16xf32> to vector<16xf32>
      %slice3A_1847 = vector.extract_strided_slice %get3A_421 {offsets = [14], sizes = [1], strides = [1]} : vector<16xi32> to vector<1xi32>
      %squeeze3A_1848 = vector.extract %slice3A_1847[0] : i32 from vector<1xi32>
      %add3A_1849 = arith.constant 19 : i32
      %add3A_1850 = arith.addi %add3A_1849, %squeeze3A_1848 : i32
      %get3A_1851 = arith.index_cast %add3A_1850 : i32 to index
      %get3A_1852 = arith.constant 0 : index
      %get3A_1853 = tpu.vector_load %arg14[%get3A_1851, %get3A_1852] {strides = array<i32>} : memref<5504x16xf32, #tpu.memory_space<vmem>>, vector<1x16xf32>,
      %get3A_1854 = vector.shape_cast %get3A_1853 : vector<1x16xf32> to vector<16xf32>
      %add3A_1855 = arith.addf %add3A_1841, %get3A_1854 : vector<16xf32>
      %mul3A_1856 = arith.mulf %get3A_1854, %get3A_1854 : vector<16xf32>
      %add3A_1857 = arith.addf %add3A_1843, %mul3A_1856 : vector<16xf32>
      %get3A_1858 = arith.index_cast %add3A_1850 : i32 to index
      %get3A_1859 = tpu.vector_load %arg15[%get3A_1858] {strides = array<i32>} : memref<5520xf32, #tpu.memory_space<vmem>>, vector<16xf32>,
      %get3A_1860 = vector.shape_cast %get3A_1859 : vector<16xf32> to vector<16xf32>
      %add3A_1861 = arith.addf %get3A_1846, %get3A_1860 : vector<16xf32>
      %slice3A_1862 = vector.extract_strided_slice %get3A_426 {offsets = [14], sizes = [1], strides = [1]} : vector<16xi32> to vector<1xi32>
      %squeeze3A_1863 = vector.extract %slice3A_1862[0] : i32 from vector<1xi32>
      %add3A_1864 = arith.constant 135 : i32
      %add3A_1865 = arith.addi %add3A_1864, %squeeze3A_1863 : i32
      %get3A_1866 = arith.index_cast %add3A_1865 : i32 to index
      %get3A_1867 = arith.constant 0 : index
      %get3A_1868 = tpu.vector_load %arg14[%get3A_1866, %get3A_1867] {strides = array<i32>} : memref<5504x16xf32, #tpu.memory_space<vmem>>, vector<1x16xf32>,
      %get3A_1869 = vector.shape_cast %get3A_1868 : vector<1x16xf32> to vector<16xf32>
      %add3A_1870 = arith.addf %add3A_1855, %get3A_1869 : vector<16xf32>
      %mul3A_1871 = arith.mulf %get3A_1869, %get3A_1869 : vector<16xf32>
      %add3A_1872 = arith.addf %add3A_1857, %mul3A_1871 : vector<16xf32>
      %get3A_1873 = arith.index_cast %add3A_1865 : i32 to index
      %get3A_1874 = tpu.vector_load %arg15[%get3A_1873] {strides = array<i32>} : memref<5520xf32, #tpu.memory_space<vmem>>, vector<16xf32>,
      %get3A_1875 = vector.shape_cast %get3A_1874 : vector<16xf32> to vector<16xf32>
      %add3A_1876 = arith.addf %add3A_1861, %get3A_1875 : vector<16xf32>
      %slice3A_1877 = vector.extract_strided_slice %get3A_431 {offsets = [14], sizes = [1], strides = [1]} : vector<16xi32> to vector<1xi32>
      %squeeze3A_1878 = vector.extract %slice3A_1877[0] : i32 from vector<1xi32>
      %add3A_1879 = arith.constant 193 : i32
      %add3A_1880 = arith.addi %add3A_1879, %squeeze3A_1878 : i32
      %get3A_1881 = arith.index_cast %add3A_1880 : i32 to index
      %get3A_1882 = arith.constant 0 : index
      %get3A_1883 = tpu.vector_load %arg14[%get3A_1881, %get3A_1882] {strides = array<i32>} : memref<5504x16xf32, #tpu.memory_space<vmem>>, vector<1x16xf32>,
      %get3A_1884 = vector.shape_cast %get3A_1883 : vector<1x16xf32> to vector<16xf32>
      %add3A_1885 = arith.addf %add3A_1870, %get3A_1884 : vector<16xf32>
      %mul3A_1886 = arith.mulf %get3A_1884, %get3A_1884 : vector<16xf32>
      %add3A_1887 = arith.addf %add3A_1872, %mul3A_1886 : vector<16xf32>
      %get3A_1888 = arith.index_cast %add3A_1880 : i32 to index
      %get3A_1889 = tpu.vector_load %arg15[%get3A_1888] {strides = array<i32>} : memref<5520xf32, #tpu.memory_space<vmem>>, vector<16xf32>,
      %get3A_1890 = vector.shape_cast %get3A_1889 : vector<16xf32> to vector<16xf32>
      %add3A_1891 = arith.addf %add3A_1876, %get3A_1890 : vector<16xf32>
      %slice3A_1892 = vector.extract_strided_slice %get3A_436 {offsets = [14], sizes = [1], strides = [1]} : vector<16xi32> to vector<1xi32>
      %squeeze3A_1893 = vector.extract %slice3A_1892[0] : i32 from vector<1xi32>
      %add3A_1894 = arith.constant 497 : i32
      %add3A_1895 = arith.addi %add3A_1894, %squeeze3A_1893 : i32
      %get3A_1896 = arith.index_cast %add3A_1895 : i32 to index
      %get3A_1897 = arith.constant 0 : index
      %get3A_1898 = tpu.vector_load %arg14[%get3A_1896, %get3A_1897] {strides = array<i32>} : memref<5504x16xf32, #tpu.memory_space<vmem>>, vector<1x16xf32>,
      %get3A_1899 = vector.shape_cast %get3A_1898 : vector<1x16xf32> to vector<16xf32>
      %add3A_1900 = arith.addf %add3A_1885, %get3A_1899 : vector<16xf32>
      %mul3A_1901 = arith.mulf %get3A_1899, %get3A_1899 : vector<16xf32>
      %add3A_1902 = arith.addf %add3A_1887, %mul3A_1901 : vector<16xf32>
      %get3A_1903 = arith.index_cast %add3A_1895 : i32 to index
      %get3A_1904 = tpu.vector_load %arg15[%get3A_1903] {strides = array<i32>} : memref<5520xf32, #tpu.memory_space<vmem>>, vector<16xf32>,
      %get3A_1905 = vector.shape_cast %get3A_1904 : vector<16xf32> to vector<16xf32>
      %add3A_1906 = arith.addf %add3A_1891, %get3A_1905 : vector<16xf32>
      %mul3A_1907 = arith.mulf %add3A_1900, %add3A_1900 : vector<16xf32>
      %sub3A_1908 = arith.subf %mul3A_1907, %add3A_1902 : vector<16xf32>
      %mul3A_1909 = arith.constant 2.000000e+00 : f32
      %mul3A_1910 = vector.broadcast %mul3A_1909 : f32 to vector<16xf32>
      %mul3A_1911 = arith.mulf %mul3A_1910, %add3A_1906 : vector<16xf32>
      %jit3A_1912 = arith.constant 0.000000e+00 : f32
      %broadcast_in_dim3A_1913 = vector.broadcast %jit3A_1912 : f32 to vector<16xf32>
      %select_n3A_1914 = arith.select %eq3A_403, %mul3A_1911, %broadcast_in_dim3A_1913 : vector<16xi1>, vector<16xf32>
      %add3A_1915 = arith.addf %sub3A_1908, %select_n3A_1914 : vector<16xf32>
      %add3A_1916 = arith.constant 15 : i32
      %add3A_1917 = arith.addi %mul3A_412, %add3A_1916 : i32
      %get3A_1918 = arith.index_cast %add3A_1917 : i32 to index
      %get3A_1919 = arith.constant 0 : index
      %get3A_1920 = tpu.vector_load %arg16[%get3A_1918, %get3A_1919] {strides = array<i32>} : memref<1024x16xf32, #tpu.memory_space<vmem>>, vector<1x16xf32>,
      %get3A_1921 = vector.shape_cast %get3A_1920 : vector<1x16xf32> to vector<16xf32>
      %mul3A_1922 = arith.mulf %get3A_1921, %get3A_1921 : vector<16xf32>
      %add3A_1923 = arith.constant 512 : i32
      %add3A_1924 = arith.addi %add3A_1923, %add3A_1917 : i32
      %get3A_1925 = arith.index_cast %add3A_1924 : i32 to index
      %get3A_1926 = arith.constant 0 : index
      %get3A_1927 = tpu.vector_load %arg16[%get3A_1925, %get3A_1926] {strides = array<i32>} : memref<1024x16xf32, #tpu.memory_space<vmem>>, vector<1x16xf32>,
      %get3A_1928 = vector.shape_cast %get3A_1927 : vector<1x16xf32> to vector<16xf32>
      %add3A_1929 = arith.addf %get3A_1921, %get3A_1928 : vector<16xf32>
      %mul3A_1930 = arith.mulf %get3A_1928, %get3A_1928 : vector<16xf32>
      %add3A_1931 = arith.addf %mul3A_1922, %mul3A_1930 : vector<16xf32>
      %slice3A_1932 = vector.extract_strided_slice %get3A_416 {offsets = [15], sizes = [1], strides = [1]} : vector<16xi32> to vector<1xi32>
      %squeeze3A_1933 = vector.extract %slice3A_1932[0] : i32 from vector<1xi32>
      %add3A_1934 = arith.constant 0 : i32
      %add3A_1935 = arith.addi %add3A_1934, %squeeze3A_1933 : i32
      %get3A_1936 = arith.index_cast %add3A_1935 : i32 to index
      %get3A_1937 = arith.constant 0 : index
      %get3A_1938 = tpu.vector_load %arg14[%get3A_1936, %get3A_1937] {strides = array<i32>} : memref<5504x16xf32, #tpu.memory_space<vmem>>, vector<1x16xf32>,
      %get3A_1939 = vector.shape_cast %get3A_1938 : vector<1x16xf32> to vector<16xf32>
      %add3A_1940 = arith.addf %add3A_1929, %get3A_1939 : vector<16xf32>
      %mul3A_1941 = arith.mulf %get3A_1939, %get3A_1939 : vector<16xf32>
      %add3A_1942 = arith.addf %add3A_1931, %mul3A_1941 : vector<16xf32>
      %get3A_1943 = arith.index_cast %add3A_1935 : i32 to index
      %get3A_1944 = tpu.vector_load %arg15[%get3A_1943] {strides = array<i32>} : memref<5520xf32, #tpu.memory_space<vmem>>, vector<16xf32>,
      %get3A_1945 = vector.shape_cast %get3A_1944 : vector<16xf32> to vector<16xf32>
      %slice3A_1946 = vector.extract_strided_slice %get3A_421 {offsets = [15], sizes = [1], strides = [1]} : vector<16xi32> to vector<1xi32>
      %squeeze3A_1947 = vector.extract %slice3A_1946[0] : i32 from vector<1xi32>
      %add3A_1948 = arith.constant 19 : i32
      %add3A_1949 = arith.addi %add3A_1948, %squeeze3A_1947 : i32
      %get3A_1950 = arith.index_cast %add3A_1949 : i32 to index
      %get3A_1951 = arith.constant 0 : index
      %get3A_1952 = tpu.vector_load %arg14[%get3A_1950, %get3A_1951] {strides = array<i32>} : memref<5504x16xf32, #tpu.memory_space<vmem>>, vector<1x16xf32>,
      %get3A_1953 = vector.shape_cast %get3A_1952 : vector<1x16xf32> to vector<16xf32>
      %add3A_1954 = arith.addf %add3A_1940, %get3A_1953 : vector<16xf32>
      %mul3A_1955 = arith.mulf %get3A_1953, %get3A_1953 : vector<16xf32>
      %add3A_1956 = arith.addf %add3A_1942, %mul3A_1955 : vector<16xf32>
      %get3A_1957 = arith.index_cast %add3A_1949 : i32 to index
      %get3A_1958 = tpu.vector_load %arg15[%get3A_1957] {strides = array<i32>} : memref<5520xf32, #tpu.memory_space<vmem>>, vector<16xf32>,
      %get3A_1959 = vector.shape_cast %get3A_1958 : vector<16xf32> to vector<16xf32>
      %add3A_1960 = arith.addf %get3A_1945, %get3A_1959 : vector<16xf32>
      %slice3A_1961 = vector.extract_strided_slice %get3A_426 {offsets = [15], sizes = [1], strides = [1]} : vector<16xi32> to vector<1xi32>
      %squeeze3A_1962 = vector.extract %slice3A_1961[0] : i32 from vector<1xi32>
      %add3A_1963 = arith.constant 135 : i32
      %add3A_1964 = arith.addi %add3A_1963, %squeeze3A_1962 : i32
      %get3A_1965 = arith.index_cast %add3A_1964 : i32 to index
      %get3A_1966 = arith.constant 0 : index
      %get3A_1967 = tpu.vector_load %arg14[%get3A_1965, %get3A_1966] {strides = array<i32>} : memref<5504x16xf32, #tpu.memory_space<vmem>>, vector<1x16xf32>,
      %get3A_1968 = vector.shape_cast %get3A_1967 : vector<1x16xf32> to vector<16xf32>
      %add3A_1969 = arith.addf %add3A_1954, %get3A_1968 : vector<16xf32>
      %mul3A_1970 = arith.mulf %get3A_1968, %get3A_1968 : vector<16xf32>
      %add3A_1971 = arith.addf %add3A_1956, %mul3A_1970 : vector<16xf32>
      %get3A_1972 = arith.index_cast %add3A_1964 : i32 to index
      %get3A_1973 = tpu.vector_load %arg15[%get3A_1972] {strides = array<i32>} : memref<5520xf32, #tpu.memory_space<vmem>>, vector<16xf32>,
      %get3A_1974 = vector.shape_cast %get3A_1973 : vector<16xf32> to vector<16xf32>
      %add3A_1975 = arith.addf %add3A_1960, %get3A_1974 : vector<16xf32>
      %slice3A_1976 = vector.extract_strided_slice %get3A_431 {offsets = [15], sizes = [1], strides = [1]} : vector<16xi32> to vector<1xi32>
      %squeeze3A_1977 = vector.extract %slice3A_1976[0] : i32 from vector<1xi32>
      %add3A_1978 = arith.constant 193 : i32
      %add3A_1979 = arith.addi %add3A_1978, %squeeze3A_1977 : i32
      %get3A_1980 = arith.index_cast %add3A_1979 : i32 to index
      %get3A_1981 = arith.constant 0 : index
      %get3A_1982 = tpu.vector_load %arg14[%get3A_1980, %get3A_1981] {strides = array<i32>} : memref<5504x16xf32, #tpu.memory_space<vmem>>, vector<1x16xf32>,
      %get3A_1983 = vector.shape_cast %get3A_1982 : vector<1x16xf32> to vector<16xf32>
      %add3A_1984 = arith.addf %add3A_1969, %get3A_1983 : vector<16xf32>
      %mul3A_1985 = arith.mulf %get3A_1983, %get3A_1983 : vector<16xf32>
      %add3A_1986 = arith.addf %add3A_1971, %mul3A_1985 : vector<16xf32>
      %get3A_1987 = arith.index_cast %add3A_1979 : i32 to index
      %get3A_1988 = tpu.vector_load %arg15[%get3A_1987] {strides = array<i32>} : memref<5520xf32, #tpu.memory_space<vmem>>, vector<16xf32>,
      %get3A_1989 = vector.shape_cast %get3A_1988 : vector<16xf32> to vector<16xf32>
      %add3A_1990 = arith.addf %add3A_1975, %get3A_1989 : vector<16xf32>
      %slice3A_1991 = vector.extract_strided_slice %get3A_436 {offsets = [15], sizes = [1], strides = [1]} : vector<16xi32> to vector<1xi32>
      %squeeze3A_1992 = vector.extract %slice3A_1991[0] : i32 from vector<1xi32>
      %add3A_1993 = arith.constant 497 : i32
      %add3A_1994 = arith.addi %add3A_1993, %squeeze3A_1992 : i32
      %get3A_1995 = arith.index_cast %add3A_1994 : i32 to index
      %get3A_1996 = arith.constant 0 : index
      %get3A_1997 = tpu.vector_load %arg14[%get3A_1995, %get3A_1996] {strides = array<i32>} : memref<5504x16xf32, #tpu.memory_space<vmem>>, vector<1x16xf32>,
      %get3A_1998 = vector.shape_cast %get3A_1997 : vector<1x16xf32> to vector<16xf32>
      %add3A_1999 = arith.addf %add3A_1984, %get3A_1998 : vector<16xf32>
      %mul3A_2000 = arith.mulf %get3A_1998, %get3A_1998 : vector<16xf32>
      %add3A_2001 = arith.addf %add3A_1986, %mul3A_2000 : vector<16xf32>
      %get3A_2002 = arith.index_cast %add3A_1994 : i32 to index
      %get3A_2003 = tpu.vector_load %arg15[%get3A_2002] {strides = array<i32>} : memref<5520xf32, #tpu.memory_space<vmem>>, vector<16xf32>,
      %get3A_2004 = vector.shape_cast %get3A_2003 : vector<16xf32> to vector<16xf32>
      %add3A_2005 = arith.addf %add3A_1990, %get3A_2004 : vector<16xf32>
      %mul3A_2006 = arith.mulf %add3A_1999, %add3A_1999 : vector<16xf32>
      %sub3A_2007 = arith.subf %mul3A_2006, %add3A_2001 : vector<16xf32>
      %mul3A_2008 = arith.constant 2.000000e+00 : f32
      %mul3A_2009 = vector.broadcast %mul3A_2008 : f32 to vector<16xf32>
      %mul3A_2010 = arith.mulf %mul3A_2009, %add3A_2005 : vector<16xf32>
      %jit3A_2011 = arith.constant 0.000000e+00 : f32
      %broadcast_in_dim3A_2012 = vector.broadcast %jit3A_2011 : f32 to vector<16xf32>
      %select_n3A_2013 = arith.select %eq3A_403, %mul3A_2010, %broadcast_in_dim3A_2012 : vector<16xi1>, vector<16xf32>
      %add3A_2014 = arith.addf %sub3A_2007, %select_n3A_2013 : vector<16xf32>
      %broadcast_in_dim3A_2015 = vector.shape_cast %xor3A_369 : vector<16xi32> to vector<16x1xi32>
      %gather3A = vector.shape_cast %broadcast_in_dim3A_2015 : vector<16x1xi32> to vector<16xi32>
      %gather3A_2016 = tpu.dynamic_gather %add3A_529[%gather3A] in [0] : vector<16xf32>, vector<16xi32> -> vector<16xf32>
      %add3A_2017 = arith.addf %add3A_529, %gather3A_2016 : vector<16xf32>
      %broadcast_in_dim3A_2018 = vector.shape_cast %xor3A_369 : vector<16xi32> to vector<16x1xi32>
      %gather3A_2019 = vector.shape_cast %broadcast_in_dim3A_2018 : vector<16x1xi32> to vector<16xi32>
      %gather3A_2020 = tpu.dynamic_gather %add3A_1321[%gather3A_2019] in [0] : vector<16xf32>, vector<16xi32> -> vector<16xf32>
      %add3A_2021 = arith.addf %add3A_1321, %gather3A_2020 : vector<16xf32>
      %broadcast_in_dim3A_2022 = vector.shape_cast %xor3A_369 : vector<16xi32> to vector<16x1xi32>
      %gather3A_2023 = vector.shape_cast %broadcast_in_dim3A_2022 : vector<16x1xi32> to vector<16xi32>
      %gather3A_2024 = tpu.dynamic_gather %add3A_2021[%gather3A_2023] in [0] : vector<16xf32>, vector<16xi32> -> vector<16xf32>
      %select_n3A_2025 = arith.select %eq3A_373, %add3A_2017, %gather3A_2024 : vector<16xi1>, vector<16xf32>
      %broadcast_in_dim3A_2026 = vector.shape_cast %xor3A_369 : vector<16xi32> to vector<16x1xi32>
      %gather3A_2027 = vector.shape_cast %broadcast_in_dim3A_2026 : vector<16x1xi32> to vector<16xi32>
      %gather3A_2028 = tpu.dynamic_gather %add3A_628[%gather3A_2027] in [0] : vector<16xf32>, vector<16xi32> -> vector<16xf32>
      %add3A_2029 = arith.addf %add3A_628, %gather3A_2028 : vector<16xf32>
      %broadcast_in_dim3A_2030 = vector.shape_cast %xor3A_369 : vector<16xi32> to vector<16x1xi32>
      %gather3A_2031 = vector.shape_cast %broadcast_in_dim3A_2030 : vector<16x1xi32> to vector<16xi32>
      %gather3A_2032 = tpu.dynamic_gather %add3A_1420[%gather3A_2031] in [0] : vector<16xf32>, vector<16xi32> -> vector<16xf32>
      %add3A_2033 = arith.addf %add3A_1420, %gather3A_2032 : vector<16xf32>
      %broadcast_in_dim3A_2034 = vector.shape_cast %xor3A_369 : vector<16xi32> to vector<16x1xi32>
      %gather3A_2035 = vector.shape_cast %broadcast_in_dim3A_2034 : vector<16x1xi32> to vector<16xi32>
      %gather3A_2036 = tpu.dynamic_gather %add3A_2033[%gather3A_2035] in [0] : vector<16xf32>, vector<16xi32> -> vector<16xf32>
      %select_n3A_2037 = arith.select %eq3A_373, %add3A_2029, %gather3A_2036 : vector<16xi1>, vector<16xf32>
      %broadcast_in_dim3A_2038 = vector.shape_cast %xor3A_369 : vector<16xi32> to vector<16x1xi32>
      %gather3A_2039 = vector.shape_cast %broadcast_in_dim3A_2038 : vector<16x1xi32> to vector<16xi32>
      %gather3A_2040 = tpu.dynamic_gather %add3A_727[%gather3A_2039] in [0] : vector<16xf32>, vector<16xi32> -> vector<16xf32>
      %add3A_2041 = arith.addf %add3A_727, %gather3A_2040 : vector<16xf32>
      %broadcast_in_dim3A_2042 = vector.shape_cast %xor3A_369 : vector<16xi32> to vector<16x1xi32>
      %gather3A_2043 = vector.shape_cast %broadcast_in_dim3A_2042 : vector<16x1xi32> to vector<16xi32>
      %gather3A_2044 = tpu.dynamic_gather %add3A_1519[%gather3A_2043] in [0] : vector<16xf32>, vector<16xi32> -> vector<16xf32>
      %add3A_2045 = arith.addf %add3A_1519, %gather3A_2044 : vector<16xf32>
      %broadcast_in_dim3A_2046 = vector.shape_cast %xor3A_369 : vector<16xi32> to vector<16x1xi32>
      %gather3A_2047 = vector.shape_cast %broadcast_in_dim3A_2046 : vector<16x1xi32> to vector<16xi32>
      %gather3A_2048 = tpu.dynamic_gather %add3A_2045[%gather3A_2047] in [0] : vector<16xf32>, vector<16xi32> -> vector<16xf32>
      %select_n3A_2049 = arith.select %eq3A_373, %add3A_2041, %gather3A_2048 : vector<16xi1>, vector<16xf32>
      %broadcast_in_dim3A_2050 = vector.shape_cast %xor3A_369 : vector<16xi32> to vector<16x1xi32>
      %gather3A_2051 = vector.shape_cast %broadcast_in_dim3A_2050 : vector<16x1xi32> to vector<16xi32>
      %gather3A_2052 = tpu.dynamic_gather %add3A_826[%gather3A_2051] in [0] : vector<16xf32>, vector<16xi32> -> vector<16xf32>
      %add3A_2053 = arith.addf %add3A_826, %gather3A_2052 : vector<16xf32>
      %broadcast_in_dim3A_2054 = vector.shape_cast %xor3A_369 : vector<16xi32> to vector<16x1xi32>
      %gather3A_2055 = vector.shape_cast %broadcast_in_dim3A_2054 : vector<16x1xi32> to vector<16xi32>
      %gather3A_2056 = tpu.dynamic_gather %add3A_1618[%gather3A_2055] in [0] : vector<16xf32>, vector<16xi32> -> vector<16xf32>
      %add3A_2057 = arith.addf %add3A_1618, %gather3A_2056 : vector<16xf32>
      %broadcast_in_dim3A_2058 = vector.shape_cast %xor3A_369 : vector<16xi32> to vector<16x1xi32>
      %gather3A_2059 = vector.shape_cast %broadcast_in_dim3A_2058 : vector<16x1xi32> to vector<16xi32>
      %gather3A_2060 = tpu.dynamic_gather %add3A_2057[%gather3A_2059] in [0] : vector<16xf32>, vector<16xi32> -> vector<16xf32>
      %select_n3A_2061 = arith.select %eq3A_373, %add3A_2053, %gather3A_2060 : vector<16xi1>, vector<16xf32>
      %broadcast_in_dim3A_2062 = vector.shape_cast %xor3A_369 : vector<16xi32> to vector<16x1xi32>
      %gather3A_2063 = vector.shape_cast %broadcast_in_dim3A_2062 : vector<16x1xi32> to vector<16xi32>
      %gather3A_2064 = tpu.dynamic_gather %add3A_925[%gather3A_2063] in [0] : vector<16xf32>, vector<16xi32> -> vector<16xf32>
      %add3A_2065 = arith.addf %add3A_925, %gather3A_2064 : vector<16xf32>
      %broadcast_in_dim3A_2066 = vector.shape_cast %xor3A_369 : vector<16xi32> to vector<16x1xi32>
      %gather3A_2067 = vector.shape_cast %broadcast_in_dim3A_2066 : vector<16x1xi32> to vector<16xi32>
      %gather3A_2068 = tpu.dynamic_gather %add3A_1717[%gather3A_2067] in [0] : vector<16xf32>, vector<16xi32> -> vector<16xf32>
      %add3A_2069 = arith.addf %add3A_1717, %gather3A_2068 : vector<16xf32>
      %broadcast_in_dim3A_2070 = vector.shape_cast %xor3A_369 : vector<16xi32> to vector<16x1xi32>
      %gather3A_2071 = vector.shape_cast %broadcast_in_dim3A_2070 : vector<16x1xi32> to vector<16xi32>
      %gather3A_2072 = tpu.dynamic_gather %add3A_2069[%gather3A_2071] in [0] : vector<16xf32>, vector<16xi32> -> vector<16xf32>
      %select_n3A_2073 = arith.select %eq3A_373, %add3A_2065, %gather3A_2072 : vector<16xi1>, vector<16xf32>
      %broadcast_in_dim3A_2074 = vector.shape_cast %xor3A_369 : vector<16xi32> to vector<16x1xi32>
      %gather3A_2075 = vector.shape_cast %broadcast_in_dim3A_2074 : vector<16x1xi32> to vector<16xi32>
      %gather3A_2076 = tpu.dynamic_gather %add3A_1024[%gather3A_2075] in [0] : vector<16xf32>, vector<16xi32> -> vector<16xf32>
      %add3A_2077 = arith.addf %add3A_1024, %gather3A_2076 : vector<16xf32>
      %broadcast_in_dim3A_2078 = vector.shape_cast %xor3A_369 : vector<16xi32> to vector<16x1xi32>
      %gather3A_2079 = vector.shape_cast %broadcast_in_dim3A_2078 : vector<16x1xi32> to vector<16xi32>
      %gather3A_2080 = tpu.dynamic_gather %add3A_1816[%gather3A_2079] in [0] : vector<16xf32>, vector<16xi32> -> vector<16xf32>
      %add3A_2081 = arith.addf %add3A_1816, %gather3A_2080 : vector<16xf32>
      %broadcast_in_dim3A_2082 = vector.shape_cast %xor3A_369 : vector<16xi32> to vector<16x1xi32>
      %gather3A_2083 = vector.shape_cast %broadcast_in_dim3A_2082 : vector<16x1xi32> to vector<16xi32>
      %gather3A_2084 = tpu.dynamic_gather %add3A_2081[%gather3A_2083] in [0] : vector<16xf32>, vector<16xi32> -> vector<16xf32>
      %select_n3A_2085 = arith.select %eq3A_373, %add3A_2077, %gather3A_2084 : vector<16xi1>, vector<16xf32>
      %broadcast_in_dim3A_2086 = vector.shape_cast %xor3A_369 : vector<16xi32> to vector<16x1xi32>
      %gather3A_2087 = vector.shape_cast %broadcast_in_dim3A_2086 : vector<16x1xi32> to vector<16xi32>
      %gather3A_2088 = tpu.dynamic_gather %add3A_1123[%gather3A_2087] in [0] : vector<16xf32>, vector<16xi32> -> vector<16xf32>
      %add3A_2089 = arith.addf %add3A_1123, %gather3A_2088 : vector<16xf32>
      %broadcast_in_dim3A_2090 = vector.shape_cast %xor3A_369 : vector<16xi32> to vector<16x1xi32>
      %gather3A_2091 = vector.shape_cast %broadcast_in_dim3A_2090 : vector<16x1xi32> to vector<16xi32>
      %gather3A_2092 = tpu.dynamic_gather %add3A_1915[%gather3A_2091] in [0] : vector<16xf32>, vector<16xi32> -> vector<16xf32>
      %add3A_2093 = arith.addf %add3A_1915, %gather3A_2092 : vector<16xf32>
      %broadcast_in_dim3A_2094 = vector.shape_cast %xor3A_369 : vector<16xi32> to vector<16x1xi32>
      %gather3A_2095 = vector.shape_cast %broadcast_in_dim3A_2094 : vector<16x1xi32> to vector<16xi32>
      %gather3A_2096 = tpu.dynamic_gather %add3A_2093[%gather3A_2095] in [0] : vector<16xf32>, vector<16xi32> -> vector<16xf32>
      %select_n3A_2097 = arith.select %eq3A_373, %add3A_2089, %gather3A_2096 : vector<16xi1>, vector<16xf32>
      %broadcast_in_dim3A_2098 = vector.shape_cast %xor3A_369 : vector<16xi32> to vector<16x1xi32>
      %gather3A_2099 = vector.shape_cast %broadcast_in_dim3A_2098 : vector<16x1xi32> to vector<16xi32>
      %gather3A_2100 = tpu.dynamic_gather %add3A_1222[%gather3A_2099] in [0] : vector<16xf32>, vector<16xi32> -> vector<16xf32>
      %add3A_2101 = arith.addf %add3A_1222, %gather3A_2100 : vector<16xf32>
      %broadcast_in_dim3A_2102 = vector.shape_cast %xor3A_369 : vector<16xi32> to vector<16x1xi32>
      %gather3A_2103 = vector.shape_cast %broadcast_in_dim3A_2102 : vector<16x1xi32> to vector<16xi32>
      %gather3A_2104 = tpu.dynamic_gather %add3A_2014[%gather3A_2103] in [0] : vector<16xf32>, vector<16xi32> -> vector<16xf32>
      %add3A_2105 = arith.addf %add3A_2014, %gather3A_2104 : vector<16xf32>
      %broadcast_in_dim3A_2106 = vector.shape_cast %xor3A_369 : vector<16xi32> to vector<16x1xi32>
      %gather3A_2107 = vector.shape_cast %broadcast_in_dim3A_2106 : vector<16x1xi32> to vector<16xi32>
      %gather3A_2108 = tpu.dynamic_gather %add3A_2105[%gather3A_2107] in [0] : vector<16xf32>, vector<16xi32> -> vector<16xf32>
      %select_n3A_2109 = arith.select %eq3A_373, %add3A_2101, %gather3A_2108 : vector<16xi1>, vector<16xf32>
      %broadcast_in_dim3A_2110 = vector.shape_cast %xor3A_376 : vector<16xi32> to vector<16x1xi32>
      %gather3A_2111 = vector.shape_cast %broadcast_in_dim3A_2110 : vector<16x1xi32> to vector<16xi32>
      %gather3A_2112 = tpu.dynamic_gather %select_n3A_2025[%gather3A_2111] in [0] : vector<16xf32>, vector<16xi32> -> vector<16xf32>
      %add3A_2113 = arith.addf %select_n3A_2025, %gather3A_2112 : vector<16xf32>
      %broadcast_in_dim3A_2114 = vector.shape_cast %xor3A_376 : vector<16xi32> to vector<16x1xi32>
      %gather3A_2115 = vector.shape_cast %broadcast_in_dim3A_2114 : vector<16x1xi32> to vector<16xi32>
      %gather3A_2116 = tpu.dynamic_gather %select_n3A_2073[%gather3A_2115] in [0] : vector<16xf32>, vector<16xi32> -> vector<16xf32>
      %add3A_2117 = arith.addf %select_n3A_2073, %gather3A_2116 : vector<16xf32>
      %broadcast_in_dim3A_2118 = vector.shape_cast %xor3A_376 : vector<16xi32> to vector<16x1xi32>
      %gather3A_2119 = vector.shape_cast %broadcast_in_dim3A_2118 : vector<16x1xi32> to vector<16xi32>
      %gather3A_2120 = tpu.dynamic_gather %add3A_2117[%gather3A_2119] in [0] : vector<16xf32>, vector<16xi32> -> vector<16xf32>
      %select_n3A_2121 = arith.select %eq3A_382, %add3A_2113, %gather3A_2120 : vector<16xi1>, vector<16xf32>
      %broadcast_in_dim3A_2122 = vector.shape_cast %xor3A_376 : vector<16xi32> to vector<16x1xi32>
      %gather3A_2123 = vector.shape_cast %broadcast_in_dim3A_2122 : vector<16x1xi32> to vector<16xi32>
      %gather3A_2124 = tpu.dynamic_gather %select_n3A_2037[%gather3A_2123] in [0] : vector<16xf32>, vector<16xi32> -> vector<16xf32>
      %add3A_2125 = arith.addf %select_n3A_2037, %gather3A_2124 : vector<16xf32>
      %broadcast_in_dim3A_2126 = vector.shape_cast %xor3A_376 : vector<16xi32> to vector<16x1xi32>
      %gather3A_2127 = vector.shape_cast %broadcast_in_dim3A_2126 : vector<16x1xi32> to vector<16xi32>
      %gather3A_2128 = tpu.dynamic_gather %select_n3A_2085[%gather3A_2127] in [0] : vector<16xf32>, vector<16xi32> -> vector<16xf32>
      %add3A_2129 = arith.addf %select_n3A_2085, %gather3A_2128 : vector<16xf32>
      %broadcast_in_dim3A_2130 = vector.shape_cast %xor3A_376 : vector<16xi32> to vector<16x1xi32>
      %gather3A_2131 = vector.shape_cast %broadcast_in_dim3A_2130 : vector<16x1xi32> to vector<16xi32>
      %gather3A_2132 = tpu.dynamic_gather %add3A_2129[%gather3A_2131] in [0] : vector<16xf32>, vector<16xi32> -> vector<16xf32>
      %select_n3A_2133 = arith.select %eq3A_382, %add3A_2125, %gather3A_2132 : vector<16xi1>, vector<16xf32>
      %broadcast_in_dim3A_2134 = vector.shape_cast %xor3A_376 : vector<16xi32> to vector<16x1xi32>
      %gather3A_2135 = vector.shape_cast %broadcast_in_dim3A_2134 : vector<16x1xi32> to vector<16xi32>
      %gather3A_2136 = tpu.dynamic_gather %select_n3A_2049[%gather3A_2135] in [0] : vector<16xf32>, vector<16xi32> -> vector<16xf32>
      %add3A_2137 = arith.addf %select_n3A_2049, %gather3A_2136 : vector<16xf32>
      %broadcast_in_dim3A_2138 = vector.shape_cast %xor3A_376 : vector<16xi32> to vector<16x1xi32>
      %gather3A_2139 = vector.shape_cast %broadcast_in_dim3A_2138 : vector<16x1xi32> to vector<16xi32>
      %gather3A_2140 = tpu.dynamic_gather %select_n3A_2097[%gather3A_2139] in [0] : vector<16xf32>, vector<16xi32> -> vector<16xf32>
      %add3A_2141 = arith.addf %select_n3A_2097, %gather3A_2140 : vector<16xf32>
      %broadcast_in_dim3A_2142 = vector.shape_cast %xor3A_376 : vector<16xi32> to vector<16x1xi32>
      %gather3A_2143 = vector.shape_cast %broadcast_in_dim3A_2142 : vector<16x1xi32> to vector<16xi32>
      %gather3A_2144 = tpu.dynamic_gather %add3A_2141[%gather3A_2143] in [0] : vector<16xf32>, vector<16xi32> -> vector<16xf32>
      %select_n3A_2145 = arith.select %eq3A_382, %add3A_2137, %gather3A_2144 : vector<16xi1>, vector<16xf32>
      %broadcast_in_dim3A_2146 = vector.shape_cast %xor3A_376 : vector<16xi32> to vector<16x1xi32>
      %gather3A_2147 = vector.shape_cast %broadcast_in_dim3A_2146 : vector<16x1xi32> to vector<16xi32>
      %gather3A_2148 = tpu.dynamic_gather %select_n3A_2061[%gather3A_2147] in [0] : vector<16xf32>, vector<16xi32> -> vector<16xf32>
      %add3A_2149 = arith.addf %select_n3A_2061, %gather3A_2148 : vector<16xf32>
      %broadcast_in_dim3A_2150 = vector.shape_cast %xor3A_376 : vector<16xi32> to vector<16x1xi32>
      %gather3A_2151 = vector.shape_cast %broadcast_in_dim3A_2150 : vector<16x1xi32> to vector<16xi32>
      %gather3A_2152 = tpu.dynamic_gather %select_n3A_2109[%gather3A_2151] in [0] : vector<16xf32>, vector<16xi32> -> vector<16xf32>
      %add3A_2153 = arith.addf %select_n3A_2109, %gather3A_2152 : vector<16xf32>
      %broadcast_in_dim3A_2154 = vector.shape_cast %xor3A_376 : vector<16xi32> to vector<16x1xi32>
      %gather3A_2155 = vector.shape_cast %broadcast_in_dim3A_2154 : vector<16x1xi32> to vector<16xi32>
      %gather3A_2156 = tpu.dynamic_gather %add3A_2153[%gather3A_2155] in [0] : vector<16xf32>, vector<16xi32> -> vector<16xf32>
      %select_n3A_2157 = arith.select %eq3A_382, %add3A_2149, %gather3A_2156 : vector<16xi1>, vector<16xf32>
      %broadcast_in_dim3A_2158 = vector.shape_cast %xor3A_385 : vector<16xi32> to vector<16x1xi32>
      %gather3A_2159 = vector.shape_cast %broadcast_in_dim3A_2158 : vector<16x1xi32> to vector<16xi32>
      %gather3A_2160 = tpu.dynamic_gather %select_n3A_2121[%gather3A_2159] in [0] : vector<16xf32>, vector<16xi32> -> vector<16xf32>
      %add3A_2161 = arith.addf %select_n3A_2121, %gather3A_2160 : vector<16xf32>
      %broadcast_in_dim3A_2162 = vector.shape_cast %xor3A_385 : vector<16xi32> to vector<16x1xi32>
      %gather3A_2163 = vector.shape_cast %broadcast_in_dim3A_2162 : vector<16x1xi32> to vector<16xi32>
      %gather3A_2164 = tpu.dynamic_gather %select_n3A_2145[%gather3A_2163] in [0] : vector<16xf32>, vector<16xi32> -> vector<16xf32>
      %add3A_2165 = arith.addf %select_n3A_2145, %gather3A_2164 : vector<16xf32>
      %broadcast_in_dim3A_2166 = vector.shape_cast %xor3A_385 : vector<16xi32> to vector<16x1xi32>
      %gather3A_2167 = vector.shape_cast %broadcast_in_dim3A_2166 : vector<16x1xi32> to vector<16xi32>
      %gather3A_2168 = tpu.dynamic_gather %add3A_2165[%gather3A_2167] in [0] : vector<16xf32>, vector<16xi32> -> vector<16xf32>
      %select_n3A_2169 = arith.select %eq3A_391, %add3A_2161, %gather3A_2168 : vector<16xi1>, vector<16xf32>
      %broadcast_in_dim3A_2170 = vector.shape_cast %xor3A_385 : vector<16xi32> to vector<16x1xi32>
      %gather3A_2171 = vector.shape_cast %broadcast_in_dim3A_2170 : vector<16x1xi32> to vector<16xi32>
      %gather3A_2172 = tpu.dynamic_gather %select_n3A_2133[%gather3A_2171] in [0] : vector<16xf32>, vector<16xi32> -> vector<16xf32>
      %add3A_2173 = arith.addf %select_n3A_2133, %gather3A_2172 : vector<16xf32>
      %broadcast_in_dim3A_2174 = vector.shape_cast %xor3A_385 : vector<16xi32> to vector<16x1xi32>
      %gather3A_2175 = vector.shape_cast %broadcast_in_dim3A_2174 : vector<16x1xi32> to vector<16xi32>
      %gather3A_2176 = tpu.dynamic_gather %select_n3A_2157[%gather3A_2175] in [0] : vector<16xf32>, vector<16xi32> -> vector<16xf32>
      %add3A_2177 = arith.addf %select_n3A_2157, %gather3A_2176 : vector<16xf32>
      %broadcast_in_dim3A_2178 = vector.shape_cast %xor3A_385 : vector<16xi32> to vector<16x1xi32>
      %gather3A_2179 = vector.shape_cast %broadcast_in_dim3A_2178 : vector<16x1xi32> to vector<16xi32>
      %gather3A_2180 = tpu.dynamic_gather %add3A_2177[%gather3A_2179] in [0] : vector<16xf32>, vector<16xi32> -> vector<16xf32>
      %select_n3A_2181 = arith.select %eq3A_391, %add3A_2173, %gather3A_2180 : vector<16xi1>, vector<16xf32>
      %broadcast_in_dim3A_2182 = vector.shape_cast %xor3A_394 : vector<16xi32> to vector<16x1xi32>
      %gather3A_2183 = vector.shape_cast %broadcast_in_dim3A_2182 : vector<16x1xi32> to vector<16xi32>
      %gather3A_2184 = tpu.dynamic_gather %select_n3A_2169[%gather3A_2183] in [0] : vector<16xf32>, vector<16xi32> -> vector<16xf32>
      %add3A_2185 = arith.addf %select_n3A_2169, %gather3A_2184 : vector<16xf32>
      %broadcast_in_dim3A_2186 = vector.shape_cast %xor3A_394 : vector<16xi32> to vector<16x1xi32>
      %gather3A_2187 = vector.shape_cast %broadcast_in_dim3A_2186 : vector<16x1xi32> to vector<16xi32>
      %gather3A_2188 = tpu.dynamic_gather %select_n3A_2181[%gather3A_2187] in [0] : vector<16xf32>, vector<16xi32> -> vector<16xf32>
      %add3A_2189 = arith.addf %select_n3A_2181, %gather3A_2188 : vector<16xf32>
      %broadcast_in_dim3A_2190 = vector.shape_cast %xor3A_394 : vector<16xi32> to vector<16x1xi32>
      %gather3A_2191 = vector.shape_cast %broadcast_in_dim3A_2190 : vector<16x1xi32> to vector<16xi32>
      %gather3A_2192 = tpu.dynamic_gather %add3A_2189[%gather3A_2191] in [0] : vector<16xf32>, vector<16xi32> -> vector<16xf32>
      %select_n3A_2193 = arith.select %eq3A_400, %add3A_2185, %gather3A_2192 : vector<16xi1>, vector<16xf32>
      %get3A_2194 = arith.index_cast %mul3A_412 : i32 to index
      %get3A_2195 = tpu.vector_load %arg17[%get3A_2194] {strides = array<i32>} : memref<1024xf32, #tpu.memory_space<vmem>>, vector<16xf32>,
      %get3A_2196 = vector.shape_cast %get3A_2195 : vector<16xf32> to vector<16xf32>
      %add3A_2197 = arith.constant 512 : i32
      %add3A_2198 = arith.addi %add3A_2197, %mul3A_412 : i32
      %get3A_2199 = arith.index_cast %add3A_2198 : i32 to index
      %get3A_2200 = tpu.vector_load %arg17[%get3A_2199] {strides = array<i32>} : memref<1024xf32, #tpu.memory_space<vmem>>, vector<16xf32>,
      %get3A_2201 = vector.shape_cast %get3A_2200 : vector<16xf32> to vector<16xf32>
      %add3A_2202 = arith.addf %get3A_2196, %get3A_2201 : vector<16xf32>
      %mul3A_2203 = arith.constant 5.000000e-01 : f32
      %mul3A_2204 = vector.broadcast %mul3A_2203 : f32 to vector<16xf32>
      %mul3A_2205 = arith.mulf %mul3A_2204, %select_n3A_2193 : vector<16xf32>
      %add3A_2206 = arith.addf %add3A_2202, %mul3A_2205 : vector<16xf32>
      %swap3A = arith.index_cast %mul3A_412 : i32 to index
      %swap3A_2207 = tpu.vector_load %arg18[%swap3A] {strides = array<i32>} : memref<512xf32, #tpu.memory_space<vmem>>, vector<16xf32>,
      %swap3A_2208 = vector.shape_cast %swap3A_2207 : vector<16xf32> to vector<16xf32>
      %swap3A_2209 = vector.shape_cast %add3A_2206 : vector<16xf32> to vector<16xf32>
      tpu.vector_store %arg18[%swap3A], %swap3A_2209 {strides = array<i32>} : memref<512xf32, #tpu.memory_space<vmem>>, vector<16xf32>,
    }
    %scan3A_409 = arith.constant 32 : i32
    "tpu.region"() ({
      %run_scoped3A = tpu.sem_alloc : memref<!tpu.dma_semaphore, #tpu.memory_space<semaphore_mem>>
      %dma_start3A_410 = tpu.memref_slice %arg11[%mul3A_2] : memref<16384xf32, #tpu.memory_space<hbm>> -> memref<512xf32, #tpu.memory_space<hbm>>
      %dma_start3A_411 = tpu.memref_slice %arg11[%mul3A_2] : memref<16384xf32, #tpu.memory_space<hbm>> -> memref<512xf32, #tpu.memory_space<hbm>>
      tpu.enqueue_dma source(%arg18 : memref<512xf32, #tpu.memory_space<vmem>>) target(%dma_start3A_411 : memref<512xf32, #tpu.memory_space<hbm>>) target_semaphore(%run_scoped3A : memref<!tpu.dma_semaphore, #tpu.memory_space<semaphore_mem>>)
      %dma_wait3A_412 = tpu.memref_slice %arg11[%mul3A_2] : memref<16384xf32, #tpu.memory_space<hbm>> -> memref<512xf32, #tpu.memory_space<hbm>>
      %dma_wait3A_413 = tpu.memref_slice %arg11[%mul3A_2] : memref<16384xf32, #tpu.memory_space<hbm>> -> memref<512xf32, #tpu.memory_space<hbm>>
      tpu.wait_dma2 semaphore(%run_scoped3A : memref<!tpu.dma_semaphore, #tpu.memory_space<semaphore_mem>>) src(%arg18 : memref<512xf32, #tpu.memory_space<vmem>>) dst(%dma_wait3A_413 : memref<512xf32, #tpu.memory_space<hbm>>)
      tpu.yield
    }) : () -> ()
    return
  }
}

</mosaic_0001>

<sc_bundles>
// kernel: kernel.3.cloned.1.call-start
scs
__scs_entry_jumppad:
0x0: {  	(pc) =	sbr.rel $0x88, $3  }
0x1: {  	(tag) =	ssettag $0x0;
	lr =	simm.s32 $0x1  }
0x2: {  	[smem:$0x3F97] =	sst lr;
	_ =	strace $0xD0000000  }
0x3: {  	_ = 	snop  }
0x4: {  	_ = 	snop  }
0x5: {  	_ = 	snop  }
0x6: {  	_ = 	snop  }
0x7: {  	_ = 	snop  }
__scs_overlays_trampoline_lowered:
0x8: {  	[smem:$0x3FA6] =	sst s0  }
0x9: {  	[smem:$0x3FA7] =	sst s1  }
0xa: {  	[smem:$0x3FA8] =	sst s2  }
0xb: {  	[smem:$0x3FA9] =	sst s3  }
0xc: {  	[smem:$0x3FAA] =	sst s4  }
0xd: {  	[smem:$0x3FAB] =	sst s5  }
0xe: {  	[smem:$0x3FAC] =	sst s6  }
0xf: {  	[smem:$0x3FAD] =	sst s7  }
0x10: {  	[smem:$0x3FAE] =	sst s8  }
0x11: {  	[smem:$0x3FAF] =	sst s9;
	s0 =	simm.s32 @!p0 $0x0  }
0x12: {  	s1 =	sld [smem:$0x3F95];
	s0 =	simm.s32 @p0 $0x1  }
0x13: {  	[smem:$0x3FB0] =	sst s0;
	s0 =	simm.s32 @!p1 $0x0  }
0x14: {  	s2 =	sld [smem:$0x3F94];
	s0 =	simm.s32 @p1 $0x1  }
0x15: {  	[smem:$0x3FB1] =	sst s0;
	s0 =	simm.s32 @!p2 $0x0  }
0x16: {  	s3 =	sld [smem:$0x3FDB];
	s0 =	simm.s32 @p2 $0x1  }
0x17: {  	s4 =	simm.s32 $0x1BF5;
	[smem:$0x3FB3] =	sst s0  }
0x18: {  	s0 =	sld [smem:$0x3F96];
	_ =	swait.ge [sflag:s4], $0x0  }
0x19: {  	s7 =	sld [smem:$0x3F97]  }
0x1a: {  	s8 =	sadd.s32 $0xFFFFE003, lr  }
0x1b: {  	s9 =	sadd.s32 $0xFFFFFEF7, lr;
	s5 =	simm.s32 $0xFFFFFFFF;
	p2 =	slt.u32 s8, $0xFFFFF086  }
0x1c: {  	p1 =	slt.u32 s9, $0xF7A;
	s5 =	simm.s32 @!p2 $0x0  }
0x1d: {  	s5 =	simm.s32 @p1 $0x1;
	p0 =	seq.s32 s7, s2  }
0x1e: {  	s7 =	smul.u32 @!p0 $0xF7A, s2;
	p2 =	seq.s32 @!p0 s5, $0x0  }
0x1f: {  	s9 =	smul.u32 $0xF7A, s1;
	s8 =	simm.s32 @!p0 $0x1BF5;
	p2 =	por !p2, p0  }
0x20: {  	[sflag:s8] =	ssyncset.s32 @!p0 $0xFFFFF086;
	s6 =	sadd.s32 @!p0 s3, s7;
	s7 =	simm.s32 @!p0 $0x108  }
0x21: {  	s3 =	sadd.s32 s3, s9;
	s6 =	sadd.s32 @!p0 $0x88, s6;
	s7 =	simm.s32 @p2 $0x1082  }
0x22: {  	[simem:s7], [sflag:s8] =	dma.local @!p0 [hbm:s6], $0xF7A  }
0x23: {  	s9 =	sor.u32 $0xD0000000, s2;
	s6 =	simm.s32 $0x108;
	_ =	swait.ge @!p0 [sflag:s8], $0x0  }
0x24: {  	s3 =	sadd.s32 $0x88, s3;
	s6 =	simm.s32 @!p1 $0x1082;
	[sflag:s4] =	ssyncset.s32 $0xFFFFF086  }
0x25: {  	[simem:s6], [sflag:s4] =	dma.local [hbm:s3], $0xF7A  }
0x26: {  	[smem:$0x3F97] =	sst s1;
	(tag) =	ssettag s2;
	_ =	strace s9  }
0x27: {  	s1 =	sld [smem:$0x3FA7]  }
0x28: {  	s2 =	sld [smem:$0x3FA8]  }
0x29: {  	s4 =	sld [smem:$0x3FAA]  }
0x2a: {  	p0 =	seq.s32 s5, $0x0;
	s5 =	sld [smem:$0x3FAB]  }
0x2b: {  	s6 =	sld [smem:$0x3FAC]  }
0x2c: {  	s7 =	sld [smem:$0x3FAD]  }
0x2d: {  	s3 =	simm.s32 $0x108;
	s8 =	sld [smem:$0x3FAE]  }
0x2e: {  	s3 =	simm.s32 @!p0 $0x1082;
	s9 =	sld [smem:$0x3FAF]  }
0x2f: {  	lr =	sadd.s32 s0, s3;
	s0 =	sld [smem:$0x3FA6]  }
0x30: {  	s3 =	sld [smem:$0x3FA9]  }
0x31: {  	[smem:$0x3FB2] =	sst s10  }
0x32: {  	s10 =	sld [smem:$0x3FB0];
	_ =	sdelay $0x3  }
0x33: {  	p0 =	seq.s32 s10, $0x1;
	s10 =	sld [smem:$0x3FB2];
	_ =	sdelay $0x3  }
0x34: {  	[smem:$0x3FB2] =	sst s10  }
0x35: {  	s10 =	sld [smem:$0x3FB1];
	_ =	sdelay $0x3  }
0x36: {  	p1 =	seq.s32 s10, $0x1;
	s10 =	sld [smem:$0x3FB2];
	_ =	sdelay $0x3  }
0x37: {  	[smem:$0x3FB2] =	sst s10  }
0x38: {  	s10 =	sld [smem:$0x3FB3]  }
0x39: {  	_ = 	snop;
	(pc) =	sbr.ind lr, $3  }
0x3a: {  	_ = 	snop  }
0x3b: {  	_ = 	snop  }
0x3c: {  	p2 =	seq.s32 s10, $0x1;
	s10 =	sld [smem:$0x3FB2]  }
0x3d: {  	_ =	shalt  }
0x3e: {  	_ =	shalt  }
0x3f: {  	_ =	shalt  }
0x40: {  	_ =	shalt  }
0x41: {  	_ =	shalt  }
0x42: {  	_ =	shalt  }
0x43: {  	_ =	shalt  }
0x44: {  	_ =	shalt  }
0x45: {  	_ =	shalt  }
0x46: {  	_ =	shalt  }
0x47: {  	_ =	shalt  }
0x48: {  	_ =	shalt  }
0x49: {  	_ =	shalt  }
0x4a: {  	_ =	shalt  }
0x4b: {  	_ =	shalt  }
0x4c: {  	_ =	shalt  }
0x4d: {  	_ =	shalt  }
0x4e: {  	_ =	shalt  }
0x4f: {  	_ =	shalt  }
0x50: {  	_ =	shalt  }
0x51: {  	_ =	shalt  }
0x52: {  	_ =	shalt  }
0x53: {  	_ =	shalt  }
0x54: {  	_ =	shalt  }
0x55: {  	_ =	shalt  }
0x56: {  	_ =	shalt  }
0x57: {  	_ =	shalt  }
0x58: {  	_ =	shalt  }
0x59: {  	_ =	shalt  }
0x5a: {  	_ =	shalt  }
0x5b: {  	_ =	shalt  }
0x5c: {  	_ =	shalt  }
0x5d: {  	_ =	shalt  }
0x5e: {  	_ =	shalt  }
0x5f: {  	_ =	shalt  }
0x60: {  	_ =	shalt  }
0x61: {  	_ =	shalt  }
0x62: {  	_ =	shalt  }
0x63: {  	_ =	shalt  }
0x64: {  	_ =	shalt  }
0x65: {  	_ =	shalt  }
0x66: {  	_ =	shalt  }
0x67: {  	_ =	shalt  }
0x68: {  	_ =	shalt  }
0x69: {  	_ =	shalt  }
0x6a: {  	_ =	shalt  }
0x6b: {  	_ =	shalt  }
0x6c: {  	_ =	shalt  }
0x6d: {  	_ =	shalt  }
0x6e: {  	_ =	shalt  }
0x6f: {  	_ =	shalt  }
0x70: {  	_ =	shalt  }
0x71: {  	_ =	shalt  }
0x72: {  	_ =	shalt  }
0x73: {  	_ =	shalt  }
0x74: {  	_ =	shalt  }
0x75: {  	_ =	shalt  }
0x76: {  	_ =	shalt  }
0x77: {  	_ =	shalt  }
0x78: {  	_ =	shalt  }
0x79: {  	_ =	shalt  }
0x7a: {  	_ =	shalt  }
0x7b: {  	_ =	shalt  }
0x7c: {  	_ =	shalt  }
0x7d: {  	_ =	shalt  }
0x7e: {  	_ =	shalt  }
0x7f: {  	_ =	shalt  }
0x80: {  	_ =	shalt  }
0x81: {  	_ =	shalt  }
0x82: {  	_ =	shalt  }
0x83: {  	_ =	shalt  }
0x84: {  	_ =	shalt  }
0x85: {  	_ =	shalt  }
0x86: {  	_ =	shalt  }
0x87: {  	_ =	shalt  }
.Lfunc_end0:
.L_simem_size_0:
called_computation_lowered:
.L_overlay_start_0:
0x88: {  	s2 =	sld [smem:$0x3FD9]  }
0x89: {  	s3 =	sld [smem:$0x3FFE];
	_ =	sdelay $0x1  }
0x8a: {  	s1 =	srdreg.scid  }
0x8b: {  	s0 =	sand.u32 $0x1, s1  }
0x8c: {  	s17 =	sshll.u32 s0, $0xA;
	s2 =	sadd.s32 s3, s2  }
0x8d: {  	s2 =	sadd.s32 s2, s17  }
0x8e: {  	[smem:$0x3FBE] =	sst s2  }
0x8f: {  	_ = 	snop  }
0x90: {  	s2 =	sld [smem:$0x3FC9]  }
0x91: {  	s18 =	sld [smem:$0x3FC8]  }
0x92: {  	s4 =	sld [smem:$0x3FC7]  }
0x93: {  	s5 =	sld [smem:$0x3FC6]  }
0x94: {  	s6 =	sld [smem:$0x3FC5]  }
0x95: {  	s7 =	sld [smem:$0x3FC4]  }
0x96: {  	s8 =	sld [smem:$0x3FC3]  }
0x97: {  	s9 =	sld [smem:$0x3FD0];
	(tm) =	ssettm $0x1  }
0x98: {  	s10 =	sld [smem:$0x3FFB];
	_ =	sdelay $0x3  }
0x99: {  	_ =	strace s10  }
0x9a: {  	s10 =	sld [smem:$0x3FFC];
	_ =	sdelay $0x3  }
0x9b: {  	_ =	strace s10  }
0x9c: {  	s10 =	sld [smem:$0x3FFD];
	_ =	sdelay $0x3  }
0x9d: {  	_ =	strace s10  }
0x9e: {  	_ =	strace $0x8FFFFFFF  }
0x9f: {  	s19 =	sld [smem:$0x3FDB];
	_ =	sdelay $0x1  }
0xa0: {  	s11 =	simm.s32 $_scs_section_size  }
0xa1: {  	s12 =	simm.s32 $_size__tile_overlayer_lowered;
	s13 =	simm.s32 $_tile_overlayer_lowered  }
0xa2: {  	s22 =	simm.s32 $0x1BFF;
	s21 =	sshll.u32 s13, $0x1;
	s10 =	sadd.s32 s11, s19  }
0xa3: {  	s14 =	simm.s32 $0x0;
	s20 =	sshll.u32 s12, $0x1;
	s12 =	sadd.s32 s21, s10  }
0xa4: {  	[timem:s14], [sflag:s22] =	dma.local [hbm:s12], s20  }
0xa5: {  	_ =	swait.ge [sflag:s22], s20  }
0xa6: {  	s11 =	ssub.s32 $0x0, s20;
	[sflag:s22] =	ssyncset.done $0x0  }
0xa7: {  	[sflag:s22] =	ssyncadd.s32 s11;
	_ =	sdelay $0x1  }
0xa8: {  	s23 =	simm.s32 $0x1B8B  }
0xa9: {  	_ =	swait.ge [sflag:s23], $0x1  }
0xaa: {  	[sflag:s23] =	ssyncset.done $0x0  }
0xab: {  	s25 =	simm.s32 $0x1B8E;
	s24 =	sld [smem:$0x3FFE];
	[sflag:s23] =	ssyncadd.s32 $0xFFFFFFFF  }
0xac: {  	s26 =	simm.s32 $execute0_lowered;
	[smem:$0x3FD2] =	sst s25  }
0xad: {  	s12 =	sshll.u32 s26, $0x1;
	_ =	strace $0x80000046;
	[dreg:$0x1] =	wrdreg $0xFFFFFFFF  }
0xae: {  	s28 =	simm.s32 $_size_execute0_lowered;
	s10 =	sadd.s32 s10, s12;
	[dreg:$0x0] =	wrdreg $0x0  }
0xaf: {  	s12 =	sshll.u32 s28, $0x1;
	[dreg:$0x2] =	wrdreg s10  }
0xb0: {  	[dreg:$0x3] =	wrdreg s12  }
0xb1: {  	[dreg:$0x4] =	wrdreg $0xC0  }
0xb2: {  	_ =	task [dreg:s14], $0x5FFFF  }
0xb3: {  	[dreg:$0x1] =	wrdreg $0xFFFFFFFF  }
0xb4: {  	[dreg:$0x0] =	wrdreg $0x60  }
0xb5: {  	[dreg:$0x2] =	wrdreg s2  }
0xb6: {  	[dreg:$0x3] =	wrdreg s18  }
0xb7: {  	[dreg:$0x4] =	wrdreg s4  }
0xb8: {  	[dreg:$0x5] =	wrdreg s5  }
0xb9: {  	[dreg:$0x6] =	wrdreg s6  }
0xba: {  	[dreg:$0x7] =	wrdreg s7  }
0xbb: {  	[dreg:$0x8] =	wrdreg s8  }
0xbc: {  	[dreg:$0x9] =	wrdreg s24  }
0xbd: {  	[dreg:$0xa] =	wrdreg s9  }
0xbe: {  	[dreg:$0xb] =	wrdreg $0x9  }
0xbf: {  	_ =	task.clear_ibuf [dreg:s14], $0xCFFFF;
	_ =	strace $0x90000046  }
0xc0: {  	s29 =	simm.s32 $0x9;
	_ =	strace $0x80000048  }
0xc1: {  	_ =	swait.ge [sflag:s29], $0x1  }
0xc2: {  	[sflag:s29] =	ssyncadd.s32 $0xFFFFFFFF  }
0xc3: {  	_ =	strace $0x90000048  }
0xc4: {  	_ =	sfence  }
0xc5: {  	s30 =	sld [smem:$0x0];
	_ =	sdelay $0x2  }
0xc6: {  	s31 =	sshll.u32 s1, $0xD;
	s1 =	sshrl.u32 s1, $0x2  }
0xc7: {  	s3 =	sand.u32 $0x4000, s31;
	s1 =	sadd.s32 s1, s30  }
0xc8: {  	s0 =	sor.u32 s3, s0;
	s1 =	sshll.u32 s1, $0x11  }
0xc9: {  	s0 =	sor.u32 s1, s0  }
0xca: {  	s0 =	sadd.s32 $0x8F2B, s0  }
0xcb: {  	[sflag:s0] =	ssyncadd.remote.s32 $0x1  }
0xcc: {  	_ =	sfence.sel $0xFFFF  }
0xcd: {  	[dreg:$0x0] =	wrdreg $0xFFFFFFFF;
	(pc) =	sbr.abs _section_cstart, $3  }
0xce: {  	[dreg:$0x1] =	wrdreg $0xFFFFFFFF  }
0xcf: {  	_ =	task.clear_ibuf [dreg:s14], $0x2FFFF;
	_ =	strace $0x9FFFFFFF  }
0xd0: {  	(tm) =	ssettm $0x7FFFFFFF  }
0xd1: {  	_ =	shalt  }
tec
execute0_lowered:
.L_overlay_start_1:
0x0: {  	(tag) =	ssettag $0x1  }
0x1: {  	s2 =	rddreg [dreg:$0x0]  }
0x2: {  	s6 =	rddreg [dreg:$0x1]  }
0x3: {  	s7 =	rddreg [dreg:$0x2]  }
0x4: {  	s8 =	rddreg [dreg:$0x3];
	v0 =	vimm.s32 $0x76543210;
	v1 =	vimm.s32 $0xFEDCBA98;
	v2 =	vimm.s32 $0xBA98FEDC  }
0x5: {  	s9 =	rddreg [dreg:$0x4];
	v3 =	vimm.s32 $0x32107654;
	v4 =	vimm.s32 $0xDCFE98BA;
	v5 =	vimm.s32 $0x54761032  }
0x6: {  	s11 =	rddreg [dreg:$0x5];
	vm0 =	vcmask $0x2F20;
	vm1 =	vcmask $0xF00;
	vm2 =	vcmask $0x700  }
0x7: {  	s17 =	rddreg [dreg:$0x6];
	vm3 =	vcmask $0x300;
	v0 =	vunpack.c.l.s4.s8 v0;
	v1 =	vunpack.c.l.s4.s8 v1  }
0x8: {  	s19 =	rddreg [dreg:$0x7];
	v2 =	vunpack.c.l.s4.s8 v2;
	v3 =	vunpack.c.l.s4.s8 v3;
	v4 =	vunpack.c.l.s4.s8 v4  }
0x9: {  	s0 =	rddreg [dreg:$0x8];
	v5 =	vunpack.c.l.s4.s8 v5;
	vm0 =	vmor vm1, vm0;
	vm1 =	vcmask $0x1710  }
0xa: {  	s1 =	simm.s32 $0x0;
	s3 =	srdreg.scid;
	s12 =	stileid.u32;
	vm1 =	vmor vm2, vm1;
	vm2 =	vcmask $0x2720;
	v1 =	vunpack.c.0.s8.s32 v1  }
0xb: {  	s22 =	simm.s32 $0x200;
	s30 =	simm.s32 $0x1;
	s31 =	simm.s32 $0xE00;
	v0 =	vunpack.c.0.s8.s32 v0;
	v2 =	vunpack.c.0.s8.s32 v2;
	v3 =	vunpack.c.0.s8.s32 v3  }
0xc: {  	s28 =	simm.s32 $0x2;
	s29 =	simm.s32 $0x0;
	[smem:$0x7FF] =	sst s1;
	vm1 =	vmor vm1, vm2;
	vm2 =	vcmask $0x3730;
	v1 =	vand.u32 $0xF, v1  }
0xd: {  	s4 =	sand.u32 $0x1, s3;
	s3 =	sadd.s32 $0x1E9A000, s19;
	s23 =	sadd.s32 $0x200, s19;
	vm1 =	vmor vm1, vm2;
	vm2 =	vcmask $0xB08;
	v0 =	vcombine.low v1, v0  }
0xe: {  	s14 =	sadd.s32 $0x1EA54, s19;
	s15 =	sadd.s32 $0x226D140, s19;
	s16 =	sadd.s32 $0x3D514, s19;
	v1 =	vcombine.low v3, v2;
	v2 =	vunpack.c.0.s8.s32 v4;
	v3 =	vunpack.c.0.s8.s32 v5  }
0xf: {  	vm4 =	vcmask $0x1B18;
	s12 =	sshll.u32 s12, $0x7;
	s18 =	sadd.s32 $0x226AA30, s19;
	_ =	strace $0x80000047;
	vm2 =	vmor vm3, vm2;
	vm3 =	vcmask $0x1310  }
0x10: {  	s5 =	ssub.s32 $0x2, s4;
	s13 =	sshll.u32 s4, $0x6;
	[dreg:$0xa] =	wrdreg s23;
	v4 =	vimm.s32 $0x67452301;
	v2 =	vcombine.low v3, v2;
	v3 =	vimm.s32 $0xEFCDAB89  }
0x11: {  	s23 =	simm.s32 $0x400;
	s10 =	sshrl.u32 s5, $0x1;
	s20 =	sor.u32 s13, s12;
	vm3 =	vmor vm2, vm3;
	v4 =	vunpack.c.l.s4.s8 v4;
	v3 =	vunpack.c.l.s4.s8 v3  }
0x12: {  	vm5 =	vcmask $0x2B28;
	s12 =	sadd.s32 $0x1EA48, s19;
	s13 =	sadd.s32 $0x2082540, s19;
	s21 =	ssub.s32 s5, s10;
	vm3 =	vmor vm3, vm4  }
0x13: {  	s2 =	sadd.s32 s2, s20;
	s24 =	sadd.s32 s6, s20;
	s25 =	sadd.s32 s7, s20;
	vm4 =	vcmask $0x2320;
	v4 =	vunpack.c.0.s8.s32 v4;
	v3 =	vunpack.c.0.s8.s32 v3  }
0x14: {  	s26 =	sadd.s32 s8, s20;
	s9 =	sadd.s32 s9, s20;
	[dreg:$0xb] =	wrdreg s2;
	vm2 =	vmmov $0x1;
	vm4 =	vmor vm3, vm4;
	vm3 =	vmmov $0xff  }
0x15: {  	s10 =	sadd.s32 $0x2082480, s19;
	s11 =	sadd.s32 s11, s20;
	[dreg:$0xc] =	wrdreg s24;
	vm4 =	vmor vm4, vm5;
	vm5 =	vcmask $0x3330;
	v3 =	vcombine.low v4, v3  }
0x16: {  	s17 =	sadd.s32 s17, s20;
	s19 =	sadd.s32 $0x3D2A3, s19;
	[dreg:$0xd] =	wrdreg s25;
	v1 =	vand.u32 $0xF, v1;
	vm4 =	vmor vm4, vm5;
	vm5 =	vcmask $0x3B38  }
0x17: {  	s20 =	sadd.s32 s0, s20;
	[dreg:$0xe] =	wrdreg s26;
	s21 =	smax.u32 s21, $0x1;
	v2 =	vand.u32 $0xF, v2;
	vm4 =	vmor vm4, vm5;
	v3 =	vand.u32 $0xF, v3  }
.LBB2_1:
0x18: {  	s0 =	rddreg [dreg:$0xb]  }
0x19: {  	[tilespmem:s1], [sflag:$0x1] =	stream.linear.gather [hbm4b:s0+s1], $0x200, $0x38;
	[tilespmem:$0x1C590] =	vst v63  }
0x1a: {  	s5 =	rddreg [dreg:$0xc]  }
0x1b: {  	[tilespmem:s22], [sflag:$0x1] =	stream.linear.gather [hbm4b:s5+s1], $0x200, $0x38;
	[tilespmem:$0x1C590] =	vst v63  }
0x1c: {  	s6 =	rddreg [dreg:$0xd]  }
0x1d: {  	[tilespmem:s23], [sflag:$0x1] =	stream.linear.gather [hbm4b:s6+s1], $0x200, $0x38;
	[tilespmem:$0x1C590] =	vst v63  }
0x1e: {  	s7 =	rddreg [dreg:$0xe];
	s2 =	simm.s32 $0x600  }
0x1f: {  	[tilespmem:s2], [sflag:$0x1] =	stream.linear.gather [hbm4b:s7+s1], $0x200, $0x38;
	[tilespmem:$0x1C590] =	vst v63  }
0x20: {  	s8 =	simm.s32 $0x800  }
0x21: {  	[tilespmem:s8], [sflag:$0x1] =	stream.linear.gather [hbm4b:s9+s1], $0x200, $0x38;
	[tilespmem:$0x1C590] =	vst v63  }
0x22: {  	s24 =	simm.s32 $0xA00  }
0x23: {  	[tilespmem:s24], [sflag:$0x1] =	stream.linear.gather [hbm4b:s11+s1], $0x200, $0x38;
	[tilespmem:$0x1C590] =	vst v63  }
0x24: {  	s25 =	simm.s32 $0xC00  }
0x25: {  	[tilespmem:s25], [sflag:$0x1] =	stream.linear.gather [hbm4b:s17+s1], $0x200, $0x38;
	[tilespmem:$0x1C590] =	vst v63  }
0x26: {  	s26 =	simm.s32 $0x1200  }
0x27: {  	[tilespmem:s26], [sflag:$0x1] =	stream.linear.gather [hbm4b:s10+s1], $0x100, $0x38;
	[tilespmem:$0x1C590] =	vst v63  }
0x28: {  	s2 =	simm.s32 $0x16A00  }
0x29: {  	[tilespmem:s2], [sflag:$0x1] =	stream.linear.gather [hbm4b:s12+s1], $0x10, $0x38;
	[tilespmem:$0x1C590] =	vst v63  }
0x2a: {  	s4 =	simm.s32 $0x1300  }
0x2b: {  	[tilespmem:s4], [sflag:$0x1] =	stream.linear.gather [hbm4b:s10+s1], $0x700, $0x38;
	[tilespmem:$0x1C590] =	vst v63  }
0x2c: {  	s5 =	simm.s32 $0x16A10  }
0x2d: {  	[tilespmem:s5], [sflag:$0x1] =	stream.linear.gather [hbm4b:s12+s1], $0x70, $0x38;
	[tilespmem:$0x1C590] =	vst v63  }
0x2e: {  	s6 =	simm.s32 $0x1A00  }
0x2f: {  	[tilespmem:s6], [sflag:$0x1] =	stream.linear.gather [hbm4b:s13+s1], $0x400, $0x38;
	[tilespmem:$0x1C590] =	vst v63  }
0x30: {  	s7 =	simm.s32 $0x16A80  }
0x31: {  	[tilespmem:s7], [sflag:$0x1] =	stream.linear.gather [hbm4b:s14+s1], $0x40, $0x38;
	[tilespmem:$0x1C590] =	vst v63  }
0x32: {  	s8 =	simm.s32 $0x1E00  }
0x33: {  	[tilespmem:s8], [sflag:$0x1] =	stream.linear.gather [hbm4b:s15+s1], $0x12D0, $0x38;
	[tilespmem:$0x1C590] =	vst v63  }
0x34: {  	s24 =	simm.s32 $0x16AC0  }
0x35: {  	[tilespmem:s24], [sflag:$0x1] =	stream.linear.gather [hbm4b:s16+s1], $0x12D, $0x38;
	[tilespmem:$0x1C590] =	vst v63  }
0x36: {  	s25 =	simm.s32 $0x3100  }
0x37: {  	[tilespmem:s25], [sflag:$0x1] =	stream.linear.gather [hbm4b:s18+s1], $0x13900, $0x38;
	[tilespmem:$0x1C590] =	vst v63  }
0x38: {  	s26 =	simm.s32 $0x16BF0  }
0x39: {  	[tilespmem:s26], [sflag:$0x1] =	stream.linear.gather [hbm4b:s19+s1], $0x1390, $0x38;
	[tilespmem:$0x1C590] =	vst v63  }
0x3a: {  	_ =	swait.ge [sflag:s30], $0x200  }
0x3b: {  	[sflag:s30] =	ssyncset.done $0x0  }
0x3c: {  	[sflag:s30] =	ssyncadd.s32 $0xFFFFFE00  }
0x3d: {  	_ =	swait.ge [sflag:s30], $0x200  }
0x3e: {  	[sflag:s30] =	ssyncset.done $0x0  }
0x3f: {  	[sflag:s30] =	ssyncadd.s32 $0xFFFFFE00  }
0x40: {  	_ =	swait.ge [sflag:s30], $0x200  }
0x41: {  	[sflag:s30] =	ssyncset.done $0x0  }
0x42: {  	[sflag:s30] =	ssyncadd.s32 $0xFFFFFE00  }
0x43: {  	_ =	swait.ge [sflag:s30], $0x200  }
0x44: {  	[sflag:s30] =	ssyncset.done $0x0  }
0x45: {  	[sflag:s30] =	ssyncadd.s32 $0xFFFFFE00  }
0x46: {  	_ =	swait.ge [sflag:s30], $0x200  }
0x47: {  	[sflag:s30] =	ssyncset.done $0x0  }
0x48: {  	[sflag:s30] =	ssyncadd.s32 $0xFFFFFE00  }
0x49: {  	_ =	swait.ge [sflag:s30], $0x200  }
0x4a: {  	[sflag:s30] =	ssyncset.done $0x0  }
0x4b: {  	[sflag:s30] =	ssyncadd.s32 $0xFFFFFE00  }
0x4c: {  	_ =	swait.ge [sflag:s30], $0x200  }
0x4d: {  	[sflag:s30] =	ssyncset.done $0x0  }
0x4e: {  	[sflag:s30] =	ssyncadd.s32 $0xFFFFFE00  }
0x4f: {  	_ =	swait.ge [sflag:s30], $0x100  }
0x50: {  	[sflag:s30] =	ssyncset.done $0x0  }
0x51: {  	[sflag:s30] =	ssyncadd.s32 $0xFFFFFF00  }
0x52: {  	_ =	swait.ge [sflag:s30], $0x10  }
0x53: {  	[sflag:s30] =	ssyncset.done $0x0  }
0x54: {  	[sflag:s30] =	ssyncadd.s32 $0xFFFFFFF0  }
0x55: {  	_ =	swait.ge [sflag:s30], $0x700  }
0x56: {  	[sflag:s30] =	ssyncset.done $0x0  }
0x57: {  	[sflag:s30] =	ssyncadd.s32 $0xFFFFF900  }
0x58: {  	_ =	swait.ge [sflag:s30], $0x70  }
0x59: {  	[sflag:s30] =	ssyncset.done $0x0  }
0x5a: {  	[sflag:s30] =	ssyncadd.s32 $0xFFFFFF90  }
0x5b: {  	_ =	swait.ge [sflag:s30], $0x400  }
0x5c: {  	[sflag:s30] =	ssyncset.done $0x0  }
0x5d: {  	[sflag:s30] =	ssyncadd.s32 $0xFFFFFC00  }
0x5e: {  	_ =	swait.ge [sflag:s30], $0x40  }
0x5f: {  	[sflag:s30] =	ssyncset.done $0x0  }
0x60: {  	[sflag:s30] =	ssyncadd.s32 $0xFFFFFFC0  }
0x61: {  	_ =	swait.ge [sflag:s30], $0x12D0  }
0x62: {  	[sflag:s30] =	ssyncset.done $0x0  }
0x63: {  	[sflag:s30] =	ssyncadd.s32 $0xFFFFED30  }
0x64: {  	_ =	swait.ge [sflag:s30], $0x12D  }
0x65: {  	[sflag:s30] =	ssyncset.done $0x0  }
0x66: {  	[sflag:s30] =	ssyncadd.s32 $0xFFFFFED3  }
0x67: {  	_ =	swait.ge [sflag:s30], $0x13900  }
0x68: {  	[sflag:s30] =	ssyncset.done $0x0  }
0x69: {  	[sflag:s30] =	ssyncadd.s32 $0xFFFEC700  }
0x6a: {  	_ =	swait.ge [sflag:s30], $0x1390  }
0x6b: {  	[sflag:s30] =	ssyncset.done $0x0  }
0x6c: {  	s0 =	simm.s32 $0x0;
	[sflag:s30] =	ssyncadd.s32 $0xFFFFEC70  }
0x6d: {  	v5 =	vld [tilespmem:s0+$0x800]  }
0x6e: {  	s2 =	simm.s32 $0x40;
	v4 =	vld [tilespmem:s0+$0x0]  }
.LBB2_2:
0x6f: {  	p0 =	sne.s32 s2, $0x7C0  }
.Ltmp0:
0x70: {  	_ = 	snop;
	(pc) =	sbr.rel @p0 .LBB2_2-.Ltmp0, $4  }
0x71: {  	_ = 	snop  }
0x72: {  	s24 =	sshra.s32 s2, $0x2;
	s2 =	sadd.s32 $0x40, s2;
	v6 =	vadd.s32 $0xF42D9, v5  }
0x73: {  	v5 =	vld [tilespmem:s24+$0x800];
	[tilespmem:s0+$0x1000] =	vst v6  }
0x74: {  	[tilespmem:s0+$0xE00] =	vst v4;
	v4 =	vld [tilespmem:s24+$0x0];
	s0 =	smov.u32 s24  }
0x75: {  	_ =	sdelay $0x2  }
0x76: {  	v5 =	vadd.s32 $0xF42D9, v5  }
0x77: {  	[tilespmem:s0+$0x1000] =	vst v5  }
0x78: {  	s8 =	simm.s32 $0x17F90;
	[tilespmem:s0+$0xE00] =	vst v4  }
0x79: {  	[tilespmem:s8], [sflag:$0x1] =	stream.indirect.gather [hbm4b:s3+s22], $0x10, s31, s22, $0xb8;
	[tilespmem:$0x1C590] =	vst v63  }
0x7a: {  	s24 =	simm.s32 $0x1000;
	s2 =	simm.s32 $0x19F90  }
0x7b: {  	[tilespmem:s2], [sflag:$0x1] =	stream.indirect.gather [hbm4b:s3+s22], $0x10, s24, s22, $0xb8;
	[tilespmem:$0x1C590] =	vst v63  }
0x7c: {  	s25 =	rddreg [dreg:$0xa];
	s26 =	simm.s32 $0x1BF90  }
0x7d: {  	[tilespmem:s26], [sflag:$0x1] =	stream.indirect.gather [hbm4b:s25+s23], $0x1, s31, s23, $0xb8;
	[tilespmem:$0x1C590] =	vst v63  }
0x7e: {  	_ =	swait.ge [sflag:s30], $0x2000  }
0x7f: {  	[sflag:s30] =	ssyncset.done $0x0  }
0x80: {  	[sflag:s30] =	ssyncadd.s32 $0xFFFFE000  }
0x81: {  	_ =	swait.ge [sflag:s30], $0x2000  }
0x82: {  	[sflag:s30] =	ssyncset.done $0x0  }
0x83: {  	[sflag:s30] =	ssyncadd.s32 $0xFFFFE000  }
0x84: {  	_ =	swait.ge [sflag:s30], $0x400  }
0x85: {  	s0 =	simm.s32 $0x0;
	s2 =	simm.s32 $0x600;
	[sflag:s30] =	ssyncset.done $0x0  }
0x86: {  	s24 =	simm.s32 $0x1C390;
	s25 =	simm.s32 $0x1C190;
	[sflag:s30] =	ssyncadd.s32 $0xFFFFFC00  }
.LBB2_4:
0x87: {  	v9 =	vld [tilespmem:s2+$0xFFFFFC00];
	_ =	sdelay $0x1  }
0x88: {  	v8 =	vld [tilespmem:s2+$0xFFFFFE00];
	_ =	sdelay $0x1  }
0x89: {  	v7 =	vld [tilespmem:s2+$0x0]  }
0x8a: {  	(v2sf) =	vpush v9, $0x0  }
0x8b: {  	v6 =	vld [tilespmem:s2+$0x600]  }
0x8c: {  	(v2sf) =	vpush v8, $0x0  }
0x8d: {  	v5 =	vld [tilespmem:s2+$0x400]  }
0x8e: {  	(v2sf) =	vpush v7, $0x0;
	_ =	sdelay $0x1  }
0x8f: {  	(v2sf) =	vpush v6, $0x0;
	_ =	sdelay $0x1  }
0x90: {  	(v2sf) =	vpush v5, $0x0;
	_ =	sdelay $0x2  }
0x91: {  	s26 =	sshra.s32 s0, $0x2  }
0x92: {  	v4 =	vld [tilespmem:s26+$0x17F90];
	(v2sf) =	vpush v9, $0x1  }
0x93: {  	v10 =	vld [tilespmem:s26+$0x19F90];
	(v2sf) =	vpush v8, $0x1  }
0x94: {  	v58 =	vld [tilespmem:s26+$0x17FA0]  }
0x95: {  	v36 =	vld [tilespmem:s26+$0x17FB0];
	s4 =	spop (v2sf);
	(v2sf) =	vpush v7, $0x1  }
0x96: {  	v37 =	vld [tilespmem:s26+$0x19FB0]  }
0x97: {  	s5 =	sshll.u32 s4, $0x6;
	s6 =	spop (v2sf);
	(v2sf) =	vpush v6, $0x1;
	v12 =	vld [tilespmem:s4+$0x16A00]  }
0x98: {  	s5 =	sshra.s32 s5, $0x2;
	s7 =	sshll.u32 s6, $0x6;
	v14 =	vld [tilespmem:s6+$0x16A13]  }
0x99: {  	v11 =	vld [tilespmem:s5+$0x1200];
	s8 =	sadd.s32 $0x4C0, s7;
	s7 =	spop (v2sf)  }
0x9a: {  	(v2sf) =	vpush v5, $0x1;
	s5 =	sshra.s32 s8, $0x2;
	s8 =	sshll.u32 s7, $0x6;
	v17 =	vld [tilespmem:s7+$0x16A87]  }
0x9b: {  	v13 =	vld [tilespmem:s5+$0x1200];
	s8 =	sadd.s32 $0x21C0, s8;
	s5 =	spop (v2sf)  }
0x9c: {  	v59 =	vld [tilespmem:s26+$0x19FA0];
	v15 =	vmul.f32 v4, v4;
	s4 =	sshra.s32 s8, $0x2;
	s8 =	sshll.u32 s5, $0x6  }
0x9d: {  	v4 =	vadd.f32 v10, v4;
	v10 =	vmul.f32 v10, v10;
	v45 =	vadd.f32 v37, v36;
	s6 =	spop (v2sf);
	v18 =	vld [tilespmem:s5+$0x16AC1];
	s8 =	sadd.s32 $0x3040, s8  }
0x9e: {  	(v2sf) =	vpush v9, $0x2;
	v16 =	vld [tilespmem:s4+$0x1200];
	v12 =	vadd.f32 v14, v12;
	s4 =	sshra.s32 s8, $0x2;
	s8 =	sshll.u32 s6, $0x6  }
0x9f: {  	v10 =	vadd.f32 v10, v15;
	v56 =	vld [tilespmem:s6+$0x16BF1];
	v4 =	vadd.f32 v11, v4;
	v11 =	vmul.f32 v11, v11;
	s8 =	sadd.s32 $0x7C40, s8  }
0xa0: {  	(v2sf) =	vpush v8, $0x2;
	v53 =	vld [tilespmem:s4+$0x1200];
	v12 =	vadd.f32 v17, v12;
	s4 =	sshra.s32 s8, $0x2  }
0xa1: {  	v10 =	vadd.f32 v11, v10;
	v4 =	vadd.f32 v13, v4;
	v54 =	vmul.f32 v13, v13;
	v55 =	vld [tilespmem:s4+$0x1200];
	s4 =	spop (v2sf)  }
0xa2: {  	v43 =	vmul.f32 v36, v36;
	v36 =	vld [tilespmem:s26+$0x19FD0];
	(v2sf) =	vpush v7, $0x2;
	v12 =	vadd.f32 v18, v12;
	s6 =	spop (v2sf)  }
0xa3: {  	v10 =	vadd.f32 v54, v10;
	v4 =	vadd.f32 v16, v4;
	v57 =	vmul.f32 v16, v16;
	s7 =	sshll.u32 s4, $0x6;
	v63 =	vld [tilespmem:s4+$0x16A00];
	s8 =	sshll.u32 s6, $0x6  }
0xa4: {  	v25 =	vmul.f32 v58, v58;
	v16 =	vadd.f32 v59, v58;
	s5 =	sshra.s32 s7, $0x2;
	v19 =	vld [tilespmem:s6+$0x16A13];
	s8 =	sadd.s32 $0x4C0, s8;
	s7 =	spop (v2sf);
	(v2sf) =	vpush v6, $0x2  }
0xa5: {  	v10 =	vadd.f32 v57, v10;
	v4 =	vadd.f32 v53, v4;
	v60 =	vmul.f32 v53, v53;
	v61 =	vld [tilespmem:s5+$0x1200];
	s5 =	sshra.s32 s8, $0x2  }
0xa6: {  	v26 =	vmul.f32 v59, v59;
	v12 =	vadd.f32 v56, v12;
	s8 =	sshll.u32 s7, $0x6;
	v24 =	vld [tilespmem:s5+$0x1200];
	s5 =	spop (v2sf);
	(v2sf) =	vpush v5, $0x2  }
0xa7: {  	v58 =	vld [tilespmem:s26+$0x17FC0];
	v10 =	vadd.f32 v60, v10;
	v4 =	vadd.f32 v55, v4;
	v62 =	vmul.f32 v55, v55;
	s8 =	sadd.s32 $0x21C0, s8  }
0xa8: {  	v11 =	vadd.f32 v26, v25;
	v20 =	vld [tilespmem:s7+$0x16A87];
	s4 =	sshra.s32 s8, $0x2;
	s8 =	sshll.u32 s5, $0x6  }
0xa9: {  	v12 =	vadd.f32 v12, v12;
	v33 =	vld [tilespmem:s5+$0x16AC1];
	v10 =	vadd.f32 v62, v10;
	v4 =	vmul.f32 v4, v4;
	s6 =	spop (v2sf);
	s8 =	sadd.s32 $0x3040, s8  }
0xaa: {  	(v2sf) =	vpush v9, $0x3;
	v13 =	vadd.f32 v19, v63;
	v27 =	vld [tilespmem:s4+$0x1200];
	v28 =	vmul.f32 v61, v61;
	s4 =	sshra.s32 s8, $0x2;
	s8 =	sshll.u32 s6, $0x6  }
0xab: {  	v30 =	vadd.f32 v61, v16;
	(v2sf) =	vpush v8, $0x3;
	v40 =	vld [tilespmem:s6+$0x16BF1];
	s8 =	sadd.s32 $0x7C40, s8  }
0xac: {  	v29 =	vnsel vm2, $0x0, v12;
	v4 =	vsub.f32 v4, v10;
	v31 =	vld [tilespmem:s4+$0x1200];
	v11 =	vadd.f32 v28, v11;
	s4 =	sshra.s32 s8, $0x2  }
0xad: {  	v32 =	vmul.f32 v24, v24;
	v13 =	vadd.f32 v20, v13;
	v34 =	vld [tilespmem:s4+$0x1200];
	s4 =	spop (v2sf);
	(v2sf) =	vpush v7, $0x3  }
0xae: {  	v59 =	vld [tilespmem:s26+$0x19FC0];
	v12 =	vadd.f32 v24, v30;
	v4 =	vadd.f32 v29, v4;
	s7 =	sshll.u32 s4, $0x6  }
0xaf: {  	v11 =	vadd.f32 v32, v11;
	v13 =	vadd.f32 v33, v13;
	v35 =	vmul.f32 v27, v27;
	v42 =	vld [tilespmem:s4+$0x16A00];
	s5 =	sshra.s32 s7, $0x2;
	s7 =	spop (v2sf)  }
0xb0: {  	v12 =	vadd.f32 v27, v12;
	(v2sf) =	vpush v6, $0x3;
	v39 =	vld [tilespmem:s5+$0x1200];
	s8 =	sshll.u32 s7, $0x6  }
0xb1: {  	v13 =	vadd.f32 v40, v13;
	v11 =	vadd.f32 v35, v11;
	v38 =	vmul.f32 v31, v31;
	s6 =	spop (v2sf);
	v46 =	vld [tilespmem:s7+$0x16A13];
	s5 =	sadd.s32 $0x4C0, s8  }
0xb2: {  	v44 =	vmul.f32 v37, v37;
	v12 =	vadd.f32 v31, v12;
	(v2sf) =	vpush v5, $0x3;
	s8 =	sshll.u32 s6, $0x6;
	v50 =	vld [tilespmem:s6+$0x16A87];
	s5 =	sshra.s32 s5, $0x2  }
0xb3: {  	v27 =	vadd.f32 v59, v58;
	v11 =	vadd.f32 v38, v11;
	v41 =	vmul.f32 v34, v34;
	s8 =	sadd.s32 $0x21C0, s8;
	v21 =	vld [tilespmem:s5+$0x1200];
	s5 =	spop (v2sf)  }
0xb4: {  	v13 =	vadd.f32 v13, v13;
	v10 =	vadd.f32 v34, v12;
	v34 =	vld [tilespmem:s26+$0x17FD0];
	s4 =	sshra.s32 s8, $0x2;
	s8 =	sshll.u32 s5, $0x6  }
0xb5: {  	v12 =	vadd.f32 v44, v43;
	v11 =	vadd.f32 v41, v11;
	s7 =	spop (v2sf);
	v54 =	vld [tilespmem:s5+$0x16AC1];
	s8 =	sadd.s32 $0x3040, s8  }
0xb6: {  	v10 =	vmul.f32 v10, v10;
	v48 =	vld [tilespmem:s4+$0x1200];
	(v2sf) =	vpush v9, $0x4;
	v16 =	vadd.f32 v46, v42;
	s4 =	sshra.s32 s8, $0x2;
	s8 =	sshll.u32 s7, $0x6  }
0xb7: {  	v47 =	vmul.f32 v39, v39;
	v49 =	vadd.f32 v39, v45;
	(v2sf) =	vpush v8, $0x4;
	v57 =	vld [tilespmem:s7+$0x16BF1];
	s6 =	sadd.s32 $0x7C40, s8  }
0xb8: {  	v10 =	vsub.f32 v10, v11;
	v15 =	vadd.f32 v50, v16;
	v52 =	vld [tilespmem:s4+$0x1200];
	s4 =	sshra.s32 s6, $0x2  }
0xb9: {  	v51 =	vadd.f32 v47, v12;
	v42 =	vadd.f32 v36, v34;
	v53 =	vmul.f32 v21, v21;
	v55 =	vld [tilespmem:s4+$0x1200]  }
0xba: {  	v14 =	vadd.f32 v21, v49;
	s4 =	spop (v2sf);
	v15 =	vadd.f32 v54, v15;
	v54 =	vld [tilespmem:s26+$0x17FE0]  }
0xbb: {  	v56 =	vmul.f32 v48, v48;
	v11 =	vadd.f32 v53, v51;
	(v2sf) =	vpush v7, $0x4;
	s7 =	sshll.u32 s4, $0x6;
	s6 =	spop (v2sf);
	v63 =	vld [tilespmem:s4+$0x16A00]  }
0xbc: {  	v13 =	vnsel vm2, $0x0, v13;
	v14 =	vadd.f32 v48, v14;
	s5 =	sshra.s32 s7, $0x2;
	s8 =	sshll.u32 s6, $0x6;
	s7 =	spop (v2sf);
	(v2sf) =	vpush v6, $0x4;
	v25 =	vld [tilespmem:s6+$0x16A13]  }
0xbd: {  	v10 =	vadd.f32 v13, v10;
	v11 =	vadd.f32 v56, v11;
	v56 =	vld [tilespmem:s26+$0x19FE0];
	v12 =	vmul.f32 v52, v52;
	s8 =	sadd.s32 $0x4C0, s8  }
0xbe: {  	v26 =	vadd.f32 v57, v15;
	v14 =	vadd.f32 v52, v14;
	v60 =	vld [tilespmem:s5+$0x1200];
	s5 =	sshra.s32 s8, $0x2;
	s8 =	sshll.u32 s7, $0x6  }
0xbf: {  	v11 =	vadd.f32 v12, v11;
	v62 =	vmul.f32 v55, v55;
	v24 =	vld [tilespmem:s5+$0x1200];
	s8 =	sadd.s32 $0x21C0, s8;
	s5 =	spop (v2sf);
	(v2sf) =	vpush v5, $0x4  }
0xc0: {  	v17 =	vmul.f32 v59, v59;
	v30 =	vld [tilespmem:s7+$0x16A87];
	v61 =	vadd.f32 v55, v14;
	v14 =	vadd.f32 v26, v26;
	s4 =	sshra.s32 s8, $0x2;
	s8 =	sshll.u32 s5, $0x6  }
0xc1: {  	v29 =	vmul.f32 v58, v58;
	s6 =	spop (v2sf);
	v31 =	vld [tilespmem:s5+$0x16AC1];
	(v2sf) =	vpush v9, $0x5;
	v11 =	vadd.f32 v62, v11;
	s8 =	sadd.s32 $0x3040, s8  }
0xc2: {  	v12 =	vmul.f32 v61, v61;
	v28 =	vld [tilespmem:s4+$0x1200];
	(v2sf) =	vpush v8, $0x5;
	v13 =	vadd.f32 v25, v63;
	s4 =	sshra.s32 s8, $0x2;
	s8 =	sshll.u32 s6, $0x6  }
0xc3: {  	v18 =	vmul.f32 v36, v36;
	v62 =	vadd.f32 v56, v54;
	v15 =	vadd.f32 v60, v27;
	s8 =	sadd.s32 $0x7C40, s8  }
0xc4: {  	v16 =	vmul.f32 v60, v60;
	v11 =	vsub.f32 v12, v11;
	v22 =	vld [tilespmem:s4+$0x1200];
	v12 =	vadd.f32 v17, v29;
	s4 =	sshra.s32 s8, $0x2  }
0xc5: {  	v44 =	vmul.f32 v34, v34;
	v13 =	vadd.f32 v30, v13;
	v15 =	vadd.f32 v24, v15;
	v23 =	vld [tilespmem:s4+$0x1200];
	s4 =	spop (v2sf)  }
0xc6: {  	v33 =	vld [tilespmem:s6+$0x16BF1];
	v32 =	vmul.f32 v24, v24;
	v12 =	vadd.f32 v16, v12;
	(v2sf) =	vpush v7, $0x5;
	s6 =	spop (v2sf)  }
0xc7: {  	v14 =	vnsel vm2, $0x0, v14;
	v13 =	vadd.f32 v31, v13;
	v15 =	vadd.f32 v28, v15;
	s7 =	sshll.u32 s4, $0x6;
	v39 =	vld [tilespmem:s4+$0x16A00];
	s8 =	sshll.u32 s6, $0x6  }
0xc8: {  	v35 =	vmul.f32 v28, v28;
	(v2sf) =	vpush v6, $0x5;
	v12 =	vadd.f32 v32, v12;
	s5 =	sshra.s32 s7, $0x2;
	v43 =	vld [tilespmem:s6+$0x16A13];
	s8 =	sadd.s32 $0x4C0, s8  }
0xc9: {  	v27 =	vmul.f32 v54, v54;
	v11 =	vadd.f32 v14, v11;
	v14 =	vadd.f32 v18, v44;
	v38 =	vld [tilespmem:s5+$0x1200];
	s5 =	sshra.s32 s8, $0x2  }
0xca: {  	v15 =	vadd.f32 v22, v15;
	v37 =	vmul.f32 v22, v22;
	v12 =	vadd.f32 v35, v12;
	s7 =	spop (v2sf);
	v41 =	vld [tilespmem:s5+$0x1200]  }
0xcb: {  	v28 =	vmul.f32 v56, v56;
	v13 =	vadd.f32 v33, v13;
	(v2sf) =	vpush v5, $0x5;
	s8 =	sshll.u32 s7, $0x6;
	v46 =	vld [tilespmem:s7+$0x16A87];
	s5 =	spop (v2sf)  }
0xcc: {  	v15 =	vadd.f32 v23, v15;
	v40 =	vmul.f32 v23, v23;
	v12 =	vadd.f32 v37, v12;
	s8 =	sadd.s32 $0x21C0, s8;
	v50 =	vld [tilespmem:s5+$0x16AC1]  }
0xcd: {  	v31 =	vadd.f32 v28, v27;
	s4 =	sshra.s32 s8, $0x2;
	s8 =	sshll.u32 s5, $0x6;
	v20 =	vadd.f32 v43, v39;
	v39 =	vld [tilespmem:s26+$0x17FF0]  }
0xce: {  	v13 =	vadd.f32 v13, v13;
	v15 =	vmul.f32 v15, v15;
	v12 =	vadd.f32 v40, v12;
	v45 =	vld [tilespmem:s4+$0x1200];
	s8 =	sadd.s32 $0x3040, s8;
	s6 =	spop (v2sf)  }
0xcf: {  	(v2sf) =	vpush v9, $0x6;
	v19 =	vadd.f32 v38, v42;
	v47 =	vmul.f32 v38, v38;
	v40 =	vld [tilespmem:s26+$0x19FF0];
	s4 =	sshra.s32 s8, $0x2;
	s8 =	sshll.u32 s6, $0x6  }
0xd0: {  	v13 =	vnsel vm2, $0x0, v13;
	(v2sf) =	vpush v8, $0x6;
	v12 =	vsub.f32 v15, v12;
	v48 =	vld [tilespmem:s4+$0x1200];
	s7 =	sadd.s32 $0x7C40, s8  }
0xd1: {  	v49 =	vadd.f32 v41, v19;
	v14 =	vadd.f32 v47, v14;
	v51 =	vmul.f32 v41, v41;
	v57 =	vld [tilespmem:s6+$0x16BF1];
	s4 =	sshra.s32 s7, $0x2  }
0xd2: {  	v20 =	vadd.f32 v46, v20;
	v12 =	vadd.f32 v13, v12;
	v52 =	vld [tilespmem:s4+$0x1200];
	s4 =	spop (v2sf)  }
0xd3: {  	v26 =	vld [tilespmem:s26+$0x18000];
	v14 =	vadd.f32 v51, v14;
	(v2sf) =	vpush v7, $0x6;
	s8 =	sshll.u32 s4, $0x6;
	s7 =	spop (v2sf)  }
0xd4: {  	v19 =	vadd.f32 v50, v20;
	v53 =	vadd.f32 v45, v49;
	v55 =	vmul.f32 v45, v45;
	v63 =	vld [tilespmem:s4+$0x16A00];
	s5 =	sshra.s32 s8, $0x2;
	s8 =	sshll.u32 s7, $0x6  }
0xd5: {  	v49 =	vmul.f32 v40, v40;
	v50 =	vadd.f32 v40, v39;
	s6 =	spop (v2sf);
	(v2sf) =	vpush v6, $0x6;
	v30 =	vld [tilespmem:s7+$0x16A13];
	s8 =	sadd.s32 $0x4C0, s8  }
0xd6: {  	v13 =	vadd.f32 v48, v53;
	v14 =	vadd.f32 v55, v14;
	v58 =	vmul.f32 v48, v48;
	v59 =	vld [tilespmem:s5+$0x1200];
	s5 =	sshra.s32 s8, $0x2;
	s8 =	sshll.u32 s6, $0x6  }
0xd7: {  	v19 =	vadd.f32 v57, v19;
	v48 =	vmul.f32 v39, v39;
	v61 =	vld [tilespmem:s5+$0x1200];
	s5 =	sadd.s32 $0x21C0, s8;
	s8 =	spop (v2sf);
	(v2sf) =	vpush v5, $0x6  }
0xd8: {  	v35 =	vld [tilespmem:s6+$0x16A87];
	v14 =	vadd.f32 v58, v14;
	v13 =	vadd.f32 v52, v13;
	v60 =	vmul.f32 v52, v52  }
0xd9: {  	v19 =	vadd.f32 v19, v19;
	v15 =	vadd.f32 v49, v48;
	s4 =	sshra.s32 s5, $0x2;
	s5 =	sshll.u32 s8, $0x6;
	v24 =	vld [tilespmem:s8+$0x16AC1]  }
0xda: {  	v13 =	vmul.f32 v13, v13;
	v14 =	vadd.f32 v60, v14;
	v29 =	vld [tilespmem:s4+$0x1200];
	s4 =	sadd.s32 $0x3040, s5;
	s5 =	spop (v2sf);
	(v2sf) =	vpush v9, $0x7  }
0xdb: {  	v22 =	vadd.f32 v30, v63;
	v20 =	vadd.f32 v59, v62;
	s4 =	sshra.s32 s4, $0x2;
	s7 =	sshll.u32 s5, $0x6;
	v32 =	vmul.f32 v59, v59;
	v42 =	vld [tilespmem:s5+$0x16BF1]  }
0xdc: {  	(v2sf) =	vpush v8, $0x7;
	v13 =	vsub.f32 v13, v14;
	v33 =	vld [tilespmem:s4+$0x1200];
	s7 =	sadd.s32 $0x7C40, s7  }
0xdd: {  	v19 =	vnsel vm2, $0x0, v19;
	v59 =	vld [tilespmem:s26+$0x1A000];
	v34 =	vadd.f32 v61, v20;
	s4 =	sshra.s32 s7, $0x2;
	v14 =	vadd.f32 v32, v31  }
0xde: {  	v36 =	vmul.f32 v61, v61;
	v20 =	vadd.f32 v35, v22;
	v37 =	vld [tilespmem:s4+$0x1200];
	s4 =	spop (v2sf);
	(v2sf) =	vpush v7, $0x7  }
0xdf: {  	v13 =	vadd.f32 v19, v13;
	v18 =	vadd.f32 v29, v34;
	s8 =	sshll.u32 s4, $0x6;
	s7 =	spop (v2sf);
	v45 =	vld [tilespmem:s4+$0x16A00]  }
0xe0: {  	v14 =	vadd.f32 v36, v14;
	v38 =	vmul.f32 v29, v29;
	v46 =	vadd.f32 v24, v20;
	s6 =	sshra.s32 s8, $0x2;
	s8 =	sshll.u32 s7, $0x6;
	v25 =	vld [tilespmem:s7+$0x16A13]  }
0xe1: {  	(v2sf) =	vpush v6, $0x7;
	v18 =	vadd.f32 v33, v18;
	v43 =	vld [tilespmem:s6+$0x1200];
	s8 =	sadd.s32 $0x4C0, s8  }
0xe2: {  	v32 =	vmul.f32 v26, v26;
	v14 =	vadd.f32 v38, v14;
	v17 =	vadd.f32 v42, v46;
	v46 =	vld [tilespmem:s26+$0x1A010];
	s6 =	spop (v2sf);
	s5 =	sshra.s32 s8, $0x2  }
0xe3: {  	v41 =	vmul.f32 v33, v33;
	v33 =	vmul.f32 v59, v59;
	(v2sf) =	vpush v5, $0x7;
	s8 =	sshll.u32 s6, $0x6;
	v47 =	vld [tilespmem:s5+$0x1200]  }
0xe4: {  	v34 =	vadd.f32 v59, v26;
	v18 =	vadd.f32 v37, v18;
	v53 =	vld [tilespmem:s6+$0x16A87];
	s8 =	sadd.s32 $0x21C0, s8;
	s5 =	spop (v2sf)  }
0xe5: {  	v14 =	vadd.f32 v41, v14;
	v44 =	vmul.f32 v37, v37;
	v23 =	vadd.f32 v33, v32;
	v33 =	vld [tilespmem:s26+$0x18020];
	s4 =	sshra.s32 s8, $0x2;
	s8 =	sshll.u32 s5, $0x6  }
0xe6: {  	v17 =	vadd.f32 v17, v17;
	(v2sf) =	vpush v9, $0x8;
	v18 =	vmul.f32 v18, v18;
	v56 =	vld [tilespmem:s5+$0x16AC1];
	s8 =	sadd.s32 $0x3040, s8;
	s7 =	spop (v2sf)  }
0xe7: {  	v14 =	vadd.f32 v44, v14;
	v16 =	vadd.f32 v25, v45;
	v51 =	vld [tilespmem:s4+$0x1200];
	v52 =	vmul.f32 v43, v43;
	s4 =	sshra.s32 s8, $0x2;
	s8 =	sshll.u32 s7, $0x6  }
0xe8: {  	v45 =	vld [tilespmem:s26+$0x18010];
	v19 =	vadd.f32 v43, v50;
	(v2sf) =	vpush v8, $0x8;
	s6 =	sadd.s32 $0x7C40, s8  }
0xe9: {  	v17 =	vnsel vm2, $0x0, v17;
	v14 =	vsub.f32 v18, v14;
	v54 =	vld [tilespmem:s4+$0x1200];
	v15 =	vadd.f32 v52, v15;
	s4 =	sshra.s32 s6, $0x2  }
0xea: {  	v55 =	vmul.f32 v47, v47;
	v19 =	vadd.f32 v47, v19;
	v57 =	vld [tilespmem:s4+$0x1200];
	s4 =	spop (v2sf);
	(v2sf) =	vpush v7, $0x8  }
0xeb: {  	v61 =	vld [tilespmem:s7+$0x16BF1];
	v16 =	vadd.f32 v53, v16;
	v14 =	vadd.f32 v17, v14  }
0xec: {  	v15 =	vadd.f32 v55, v15;
	v58 =	vmul.f32 v51, v51;
	s8 =	sshll.u32 s4, $0x6;
	s6 =	spop (v2sf);
	(v2sf) =	vpush v6, $0x8;
	v30 =	vld [tilespmem:s4+$0x16A00]  }
0xed: {  	v52 =	vmul.f32 v46, v46;
	v16 =	vadd.f32 v56, v16;
	v19 =	vadd.f32 v51, v19;
	s5 =	sshra.s32 s8, $0x2;
	s8 =	sshll.u32 s6, $0x6;
	v27 =	vld [tilespmem:s6+$0x16A13]  }
0xee: {  	v21 =	vadd.f32 v46, v45;
	v51 =	vmul.f32 v45, v45;
	v15 =	vadd.f32 v58, v15;
	s7 =	spop (v2sf);
	v63 =	vld [tilespmem:s5+$0x1200];
	s8 =	sadd.s32 $0x4C0, s8  }
0xef: {  	v60 =	vmul.f32 v54, v54;
	v62 =	vadd.f32 v54, v19;
	(v2sf) =	vpush v5, $0x8;
	v37 =	vld [tilespmem:s7+$0x16A87];
	s5 =	sshra.s32 s8, $0x2;
	s8 =	sshll.u32 s7, $0x6  }
0xf0: {  	v16 =	vadd.f32 v61, v16;
	v53 =	vadd.f32 v52, v51;
	v31 =	vld [tilespmem:s5+$0x1200];
	s8 =	sadd.s32 $0x21C0, s8;
	s5 =	spop (v2sf)  }
0xf1: {  	v15 =	vadd.f32 v60, v15;
	v17 =	vadd.f32 v57, v62;
	v20 =	vmul.f32 v57, v57;
	s4 =	sshra.s32 s8, $0x2;
	s8 =	sshll.u32 s5, $0x6;
	v42 =	vld [tilespmem:s5+$0x16AC1]  }
0xf2: {  	v16 =	vadd.f32 v16, v16;
	(v2sf) =	vpush v9, $0x9;
	s6 =	spop (v2sf);
	v35 =	vld [tilespmem:s4+$0x1200];
	s8 =	sadd.s32 $0x3040, s8  }
0xf3: {  	v15 =	vadd.f32 v20, v15;
	v17 =	vmul.f32 v17, v17;
	v18 =	vadd.f32 v27, v30;
	v48 =	vld [tilespmem:s6+$0x16BF1];
	s4 =	sshra.s32 s8, $0x2;
	s8 =	sshll.u32 s6, $0x6  }
0xf4: {  	(v2sf) =	vpush v8, $0x9;
	v36 =	vmul.f32 v63, v63;
	v38 =	vadd.f32 v63, v34;
	v34 =	vld [tilespmem:s26+$0x1A020];
	s7 =	sadd.s32 $0x7C40, s8  }
0xf5: {  	v15 =	vsub.f32 v17, v15;
	v39 =	vld [tilespmem:s4+$0x1200];
	v18 =	vadd.f32 v37, v18;
	s4 =	sshra.s32 s7, $0x2  }
0xf6: {  	v40 =	vadd.f32 v36, v23;
	v41 =	vmul.f32 v31, v31;
	v17 =	vadd.f32 v31, v38;
	v43 =	vld [tilespmem:s4+$0x1200];
	s4 =	spop (v2sf)  }
0xf7: {  	v16 =	vnsel vm2, $0x0, v16;
	(v2sf) =	vpush v7, $0x9;
	v18 =	vadd.f32 v42, v18;
	s8 =	sshll.u32 s4, $0x6;
	s7 =	spop (v2sf);
	v28 =	vld [tilespmem:s4+$0x16A00]  }
0xf8: {  	v15 =	vadd.f32 v16, v15;
	v20 =	vadd.f32 v41, v40;
	v44 =	vmul.f32 v35, v35;
	s5 =	sshra.s32 s8, $0x2;
	s8 =	sshll.u32 s7, $0x6;
	v55 =	vld [tilespmem:s7+$0x16A13]  }
0xf9: {  	v17 =	vadd.f32 v35, v17;
	(v2sf) =	vpush v6, $0x9;
	v49 =	vld [tilespmem:s5+$0x1200];
	s8 =	sadd.s32 $0x4C0, s8;
	s6 =	spop (v2sf)  }
0xfa: {  	v18 =	vadd.f32 v48, v18;
	v20 =	vadd.f32 v44, v20;
	v47 =	vmul.f32 v39, v39;
	s5 =	sshra.s32 s8, $0x2;
	s8 =	sshll.u32 s6, $0x6;
	v59 =	vld [tilespmem:s6+$0x16A87]  }
0xfb: {  	v17 =	vadd.f32 v39, v17;
	(v2sf) =	vpush v5, $0x9;
	v50 =	vld [tilespmem:s5+$0x1200];
	s5 =	sadd.s32 $0x21C0, s8;
	s8 =	spop (v2sf)  }
0xfc: {  	v18 =	vadd.f32 v18, v18;
	v20 =	vadd.f32 v47, v20;
	v22 =	vmul.f32 v43, v43;
	s4 =	sshra.s32 s5, $0x2;
	s5 =	sshll.u32 s8, $0x6;
	v60 =	vld [tilespmem:s8+$0x16AC1]  }
0xfd: {  	v44 =	vmul.f32 v34, v34;
	v17 =	vadd.f32 v43, v17;
	v25 =	vadd.f32 v55, v28;
	v55 =	vld [tilespmem:s26+$0x18030];
	s5 =	sadd.s32 $0x3040, s5  }
0xfe: {  	v20 =	vadd.f32 v22, v20;
	v29 =	vld [tilespmem:s4+$0x1200];
	v54 =	vmul.f32 v49, v49;
	v19 =	vadd.f32 v49, v21;
	s4 =	sshra.s32 s5, $0x2  }
0xff: {  	v43 =	vmul.f32 v33, v33;
	s5 =	spop (v2sf);
	(v2sf) =	vpush v9, $0xA;
	v56 =	vld [tilespmem:s4+$0x1200];
	v24 =	vadd.f32 v59, v25  }
0x100: {  	v17 =	vmul.f32 v17, v17;
	s7 =	sshll.u32 s5, $0x6;
	v57 =	vadd.f32 v54, v53;
	(v2sf) =	vpush v8, $0xA;
	v63 =	vld [tilespmem:s5+$0x16BF1]  }
0x101: {  	v58 =	vmul.f32 v50, v50;
	s4 =	sadd.s32 $0x7C40, s7;
	v39 =	vadd.f32 v60, v24;
	v24 =	vadd.f32 v44, v43;
	v43 =	vld [tilespmem:s26+$0x18040]  }
0x102: {  	v46 =	vadd.f32 v34, v33;
	v19 =	vadd.f32 v50, v19;
	s4 =	sshra.s32 s4, $0x2;
	v44 =	vld [tilespmem:s26+$0x1A040]  }
0x103: {  	v38 =	vnsel vm2, $0x0, v18;
	v17 =	vsub.f32 v17, v20;
	v21 =	vadd.f32 v58, v57;
	v62 =	vld [tilespmem:s4+$0x1200];
	s4 =	spop (v2sf)  }
0x104: {  	v61 =	vmul.f32 v29, v29;
	v19 =	vadd.f32 v29, v19;
	(v2sf) =	vpush v7, $0xA;
	s6 =	spop (v2sf);
	v37 =	vld [tilespmem:s4+$0x16A00]  }
0x105: {  	v16 =	vadd.f32 v38, v17;
	s7 =	sshll.u32 s4, $0x6;
	(v2sf) =	vpush v6, $0xA;
	v42 =	vld [tilespmem:s6+$0x16A13]  }
0x106: {  	v21 =	vadd.f32 v61, v21;
	v32 =	vmul.f32 v56, v56;
	v19 =	vadd.f32 v56, v19;
	s5 =	sshra.s32 s7, $0x2;
	s8 =	sshll.u32 s6, $0x6;
	v56 =	vld [tilespmem:s26+$0x1A030]  }
0x107: {  	s7 =	spop (v2sf);
	(v2sf) =	vpush v5, $0xA;
	v18 =	vadd.f32 v63, v39;
	v35 =	vld [tilespmem:s5+$0x1200];
	s8 =	sadd.s32 $0x4C0, s8  }
0x108: {  	v47 =	vld [tilespmem:s7+$0x16A87];
	v21 =	vadd.f32 v32, v21;
	s5 =	sshra.s32 s8, $0x2;
	s8 =	sshll.u32 s7, $0x6;
	v19 =	vadd.f32 v62, v19;
	v36 =	vmul.f32 v62, v62  }
0x109: {  	v33 =	vmul.f32 v55, v55;
	v18 =	vadd.f32 v18, v18;
	v25 =	vadd.f32 v44, v43;
	v40 =	vld [tilespmem:s5+$0x1200];
	s8 =	sadd.s32 $0x21C0, s8;
	s5 =	spop (v2sf)  }
0x10a: {  	(v2sf) =	vpush v9, $0xB;
	s4 =	sshra.s32 s8, $0x2;
	s8 =	sshll.u32 s5, $0x6;
	v41 =	vadd.f32 v36, v21;
	v19 =	vmul.f32 v19, v19  }
0x10b: {  	s6 =	spop (v2sf);
	v50 =	vld [tilespmem:s5+$0x16AC1];
	(v2sf) =	vpush v8, $0xB;
	s8 =	sadd.s32 $0x3040, s8;
	v21 =	vadd.f32 v42, v37;
	v34 =	vmul.f32 v56, v56  }
0x10c: {  	v45 =	vld [tilespmem:s4+$0x1200];
	s4 =	sshra.s32 s8, $0x2;
	s8 =	sshll.u32 s6, $0x6;
	v48 =	vmul.f32 v35, v35;
	v17 =	vsub.f32 v19, v41;
	v19 =	vadd.f32 v35, v46  }
0x10d: {  	v53 =	vld [tilespmem:s6+$0x16BF1];
	s8 =	sadd.s32 $0x7C40, s8;
	v20 =	vadd.f32 v47, v21;
	v35 =	vadd.f32 v56, v55  }
0x10e: {  	v18 =	vnsel vm2, $0x0, v18;
	v49 =	vld [tilespmem:s4+$0x1200];
	v21 =	vadd.f32 v34, v33;
	s4 =	sshra.s32 s8, $0x2;
	v24 =	vadd.f32 v48, v24  }
0x10f: {  	v51 =	vmul.f32 v40, v40;
	v52 =	vld [tilespmem:s4+$0x1200];
	v19 =	vadd.f32 v40, v19;
	s4 =	spop (v2sf);
	(v2sf) =	vpush v7, $0xB  }
0x110: {  	v33 =	vld [tilespmem:s26+$0x1A050];
	v17 =	vadd.f32 v18, v17;
	v20 =	vadd.f32 v50, v20;
	s7 =	sshll.u32 s4, $0x6;
	s6 =	spop (v2sf)  }
0x111: {  	v24 =	vadd.f32 v51, v24;
	v54 =	vmul.f32 v45, v45;
	(v2sf) =	vpush v6, $0xB;
	v59 =	vld [tilespmem:s4+$0x16A00];
	s5 =	sshra.s32 s7, $0x2;
	s8 =	sshll.u32 s6, $0x6  }
0x112: {  	v19 =	vadd.f32 v45, v19;
	v20 =	vadd.f32 v53, v20;
	v58 =	vld [tilespmem:s5+$0x1200];
	s8 =	sadd.s32 $0x4C0, s8  }
0x113: {  	v63 =	vld [tilespmem:s6+$0x16A13];
	v24 =	vadd.f32 v54, v24;
	v57 =	vmul.f32 v49, v49;
	s7 =	spop (v2sf);
	s5 =	sshra.s32 s8, $0x2;
	(v2sf) =	vpush v5, $0xB  }
0x114: {  	v53 =	vmul.f32 v43, v43;
	v54 =	vmul.f32 v44, v44;
	v19 =	vadd.f32 v49, v19;
	s8 =	sshll.u32 s7, $0x6;
	v62 =	vld [tilespmem:s5+$0x1200]  }
0x115: {  	v20 =	vadd.f32 v20, v20;
	v60 =	vadd.f32 v57, v24;
	v61 =	vmul.f32 v52, v52;
	s5 =	spop (v2sf);
	v36 =	vld [tilespmem:s7+$0x16A87];
	s8 =	sadd.s32 $0x21C0, s8  }
0x116: {  	v24 =	vadd.f32 v54, v53;
	v19 =	vadd.f32 v52, v19;
	s6 =	spop (v2sf);
	v39 =	vld [tilespmem:s5+$0x16AC1];
	s4 =	sshra.s32 s8, $0x2;
	s8 =	sshll.u32 s5, $0x6  }
0x117: {  	(v2sf) =	vpush v9, $0xC;
	v18 =	vadd.f32 v61, v60;
	v31 =	vld [tilespmem:s6+$0x16BF1];
	s8 =	sadd.s32 $0x3040, s8;
	v37 =	vmul.f32 v58, v58  }
0x118: {  	v22 =	vadd.f32 v63, v59;
	v30 =	vld [tilespmem:s4+$0x1200];
	v23 =	vadd.f32 v58, v35;
	s4 =	sshra.s32 s8, $0x2;
	s8 =	sshll.u32 s6, $0x6  }
0x119: {  	(v2sf) =	vpush v8, $0xC;
	v19 =	vmul.f32 v19, v19;
	v38 =	vld [tilespmem:s4+$0x1200];
	s8 =	sadd.s32 $0x7C40, s8;
	v21 =	vadd.f32 v37, v21  }
0x11a: {  	v40 =	vmul.f32 v62, v62;
	v23 =	vadd.f32 v62, v23;
	v22 =	vadd.f32 v36, v22;
	v62 =	vld [tilespmem:s26+$0x18050];
	s4 =	sshra.s32 s8, $0x2  }
0x11b: {  	v18 =	vsub.f32 v19, v18;
	v41 =	vld [tilespmem:s4+$0x1200];
	s4 =	spop (v2sf);
	(v2sf) =	vpush v7, $0xC  }
0x11c: {  	v20 =	vnsel vm2, $0x0, v20;
	v21 =	vadd.f32 v40, v21;
	v19 =	vadd.f32 v39, v22;
	s6 =	spop (v2sf)  }
0x11d: {  	v18 =	vadd.f32 v20, v18;
	v42 =	vmul.f32 v30, v30;
	s7 =	sshll.u32 s4, $0x6;
	(v2sf) =	vpush v6, $0xC;
	v47 =	vld [tilespmem:s4+$0x16A00];
	s8 =	sshll.u32 s6, $0x6  }
0x11e: {  	v23 =	vadd.f32 v30, v23;
	v30 =	vperm.xlane v17, v0;
	s5 =	sshra.s32 s7, $0x2;
	v50 =	vld [tilespmem:s6+$0x16A13];
	v19 =	vadd.f32 v31, v19;
	s8 =	sadd.s32 $0x4C0, s8;
	s7 =	spop (v2sf)  }
0x11f: {  	v21 =	vadd.f32 v42, v21;
	v45 =	vmul.f32 v38, v38;
	v46 =	vld [tilespmem:s5+$0x1200];
	(v2sf) =	vpush v5, $0xC;
	s5 =	sshra.s32 s8, $0x2;
	s8 =	sshll.u32 s7, $0x6  }
0x120: {  	v23 =	vadd.f32 v38, v23;
	v29 =	vadd.f32 v33, v62;
	v49 =	vld [tilespmem:s5+$0x1200];
	s8 =	sadd.s32 $0x21C0, s8;
	s5 =	spop (v2sf)  }
0x121: {  	v17 =	vadd.f32 v30, v17;
	v21 =	vadd.f32 v45, v21;
	v48 =	vmul.f32 v41, v41;
	s4 =	sshra.s32 s8, $0x2;
	s8 =	sshll.u32 s5, $0x6  }
0x122: {  	v55 =	vld [tilespmem:s7+$0x16A87];
	v19 =	vadd.f32 v19, v19;
	v51 =	vadd.f32 v41, v23;
	v45 =	vmul.f32 v33, v33;
	s8 =	sadd.s32 $0x3040, s8;
	s6 =	spop (v2sf)  }
0x123: {  	v33 =	vperm.xlane v4, v0;
	v21 =	vadd.f32 v48, v21;
	v52 =	vld [tilespmem:s4+$0x1200];
	(v2sf) =	vpush v9, $0xD;
	s4 =	sshra.s32 s8, $0x2;
	s8 =	sshll.u32 s6, $0x6  }
0x124: {  	v32 =	vld [tilespmem:s5+$0x16AC1];
	v22 =	vmul.f32 v51, v51;
	v20 =	vadd.f32 v50, v47;
	(v2sf) =	vpush v8, $0xD;
	s8 =	sadd.s32 $0x7C40, s8  }
0x125: {  	v4 =	vadd.f32 v33, v4;
	v57 =	vmul.f32 v46, v46;
	v58 =	vadd.f32 v46, v25;
	v56 =	vld [tilespmem:s4+$0x1200];
	s4 =	sshra.s32 s8, $0x2  }
0x126: {  	v21 =	vsub.f32 v22, v21;
	v59 =	vld [tilespmem:s4+$0x1200];
	s4 =	spop (v2sf);
	(v2sf) =	vpush v7, $0xD  }
0x127: {  	v61 =	vld [tilespmem:s6+$0x16BF1];
	v20 =	vadd.f32 v55, v20;
	v24 =	vadd.f32 v57, v24  }
0x128: {  	v35 =	vld [tilespmem:s26+$0x1A060];
	v19 =	vnsel vm2, $0x0, v19;
	v22 =	vadd.f32 v49, v58;
	s6 =	spop (v2sf);
	(v2sf) =	vpush v6, $0xD  }
0x129: {  	v60 =	vmul.f32 v49, v49;
	v20 =	vadd.f32 v32, v20;
	v32 =	vperm.xlane v18, v0;
	s7 =	sshll.u32 s4, $0x6;
	v38 =	vld [tilespmem:s4+$0x16A00];
	s8 =	sshll.u32 s6, $0x6  }
0x12a: {  	v63 =	vmul.f32 v52, v52;
	v22 =	vadd.f32 v52, v22;
	v52 =	vld [tilespmem:s26+$0x18060];
	s5 =	sshra.s32 s7, $0x2;
	s8 =	sadd.s32 $0x4C0, s8;
	s7 =	spop (v2sf);
	(v2sf) =	vpush v5, $0xD  }
0x12b: {  	v19 =	vadd.f32 v19, v21;
	v24 =	vadd.f32 v60, v24;
	v36 =	vld [tilespmem:s5+$0x1200];
	s5 =	sshra.s32 s8, $0x2;
	s8 =	sshll.u32 s7, $0x6  }
0x12c: {  	v20 =	vadd.f32 v61, v20;
	v18 =	vadd.f32 v32, v18;
	v39 =	vld [tilespmem:s5+$0x1200];
	s5 =	spop (v2sf);
	s8 =	sadd.s32 $0x21C0, s8  }
0x12d: {  	v42 =	vld [tilespmem:s6+$0x16A13];
	v24 =	vadd.f32 v63, v24;
	v37 =	vmul.f32 v56, v56;
	v22 =	vadd.f32 v56, v22;
	s4 =	sshra.s32 s8, $0x2;
	s8 =	sshll.u32 s5, $0x6  }
0x12e: {  	v44 =	vmul.f32 v62, v62;
	v20 =	vadd.f32 v20, v20;
	v46 =	vld [tilespmem:s7+$0x16A87];
	(v2sf) =	vpush v9, $0xE;
	s6 =	spop (v2sf);
	s8 =	sadd.s32 $0x3040, s8  }
0x12f: {  	v40 =	vadd.f32 v37, v24;
	v41 =	vmul.f32 v59, v59;
	v22 =	vadd.f32 v59, v22;
	v43 =	vld [tilespmem:s4+$0x1200];
	s4 =	sshra.s32 s8, $0x2;
	s8 =	sshll.u32 s6, $0x6  }
0x130: {  	v24 =	vadd.f32 v45, v44;
	v37 =	vmul.f32 v35, v35;
	v34 =	vld [tilespmem:s5+$0x16AC1];
	(v2sf) =	vpush v8, $0xE;
	s8 =	sadd.s32 $0x7C40, s8  }
0x131: {  	v28 =	vadd.f32 v35, v52;
	v21 =	vadd.f32 v41, v40;
	v22 =	vmul.f32 v22, v22;
	v47 =	vld [tilespmem:s4+$0x1200];
	s4 =	sshra.s32 s8, $0x2  }
0x132: {  	v48 =	vmul.f32 v36, v36;
	v23 =	vadd.f32 v36, v29;
	v49 =	vld [tilespmem:s4+$0x1200];
	s4 =	spop (v2sf);
	(v2sf) =	vpush v7, $0xE  }
0x133: {  	v26 =	vadd.f32 v42, v38;
	v51 =	vld [tilespmem:s6+$0x16BF1];
	v36 =	vmul.f32 v52, v52;
	v21 =	vsub.f32 v22, v21;
	s6 =	spop (v2sf)  }
0x134: {  	v20 =	vnsel vm2, $0x0, v20;
	v24 =	vadd.f32 v48, v24;
	v23 =	vadd.f32 v39, v23;
	s7 =	sshll.u32 s4, $0x6;
	v56 =	vld [tilespmem:s4+$0x16A00];
	s8 =	sshll.u32 s6, $0x6  }
0x135: {  	v50 =	vmul.f32 v39, v39;
	v57 =	vadd.f32 v46, v26;
	v29 =	vadd.f32 v37, v36;
	s5 =	sshra.s32 s7, $0x2;
	v60 =	vld [tilespmem:s6+$0x16A13];
	s8 =	sadd.s32 $0x4C0, s8;
	s7 =	spop (v2sf)  }
0x136: {  	v20 =	vadd.f32 v20, v21;
	(v2sf) =	vpush v6, $0xE;
	v54 =	vld [tilespmem:s5+$0x1200];
	s5 =	sshra.s32 s8, $0x2;
	s8 =	sshll.u32 s7, $0x6  }
0x137: {  	v24 =	vadd.f32 v50, v24;
	v61 =	vadd.f32 v34, v57;
	v53 =	vmul.f32 v43, v43;
	v58 =	vld [tilespmem:s5+$0x1200];
	s8 =	sadd.s32 $0x21C0, s8;
	s5 =	spop (v2sf)  }
0x138: {  	v23 =	vadd.f32 v43, v23;
	(v2sf) =	vpush v5, $0xE;
	v63 =	vld [tilespmem:s7+$0x16A87];
	s4 =	sshra.s32 s8, $0x2;
	s8 =	sshll.u32 s5, $0x6  }
0x139: {  	v17 =	vperm.xlane v17, v0;
	v21 =	vadd.f32 v51, v61;
	v24 =	vadd.f32 v53, v24;
	v39 =	vld [tilespmem:s5+$0x16AC1];
	s8 =	sadd.s32 $0x3040, s8;
	s6 =	spop (v2sf)  }
0x13a: {  	v55 =	vmul.f32 v47, v47;
	v23 =	vadd.f32 v47, v23;
	v62 =	vld [tilespmem:s4+$0x1200];
	(v2sf) =	vpush v9, $0xF;
	s4 =	sshra.s32 s8, $0x2;
	s8 =	sshll.u32 s6, $0x6  }
0x13b: {  	v21 =	vadd.f32 v21, v21;
	(v2sf) =	vpush v8, $0xF;
	v42 =	vld [tilespmem:s6+$0x16BF1];
	s8 =	sadd.s32 $0x7C40, s8  }
0x13c: {  	v4 =	vsel vm3, v4, v17;
	v24 =	vadd.f32 v55, v24;
	v52 =	vadd.f32 v60, v56;
	v38 =	vld [tilespmem:s4+$0x1200];
	s4 =	sshra.s32 s8, $0x2  }
0x13d: {  	v23 =	vadd.f32 v49, v23;
	v40 =	vmul.f32 v54, v54;
	v41 =	vld [tilespmem:s4+$0x1200];
	s4 =	spop (v2sf);
	(v2sf) =	vpush v7, $0xF  }
0x13e: {  	v18 =	vperm.xlane v18, v0;
	v46 =	vld [tilespmem:s26+$0x18070];
	v43 =	vadd.f32 v54, v28;
	v56 =	vadd.f32 v63, v52  }
0x13f: {  	v47 =	vld [tilespmem:s26+$0x1A070];
	v44 =	vadd.f32 v40, v29;
	v45 =	vmul.f32 v58, v58;
	s6 =	spop (v2sf);
	(v2sf) =	vpush v6, $0xF  }
0x140: {  	v34 =	vperm.xlane v10, v0;
	v48 =	vadd.f32 v58, v43;
	v8 =	vadd.f32 v39, v56;
	s7 =	sshll.u32 s4, $0x6;
	v53 =	vld [tilespmem:s4+$0x16A00]  }
0x141: {  	v59 =	vmul.f32 v49, v49;
	v49 =	vadd.f32 v45, v44;
	s5 =	sshra.s32 s7, $0x2;
	s8 =	sshll.u32 s6, $0x6;
	v57 =	vld [tilespmem:s6+$0x16A13];
	s7 =	spop (v2sf);
	(v2sf) =	vpush v5, $0xF  }
0x142: {  	v50 =	vmul.f32 v62, v62;
	v6 =	vadd.f32 v62, v48;
	v8 =	vadd.f32 v42, v8;
	v42 =	vld [tilespmem:s26+$0x1A080];
	s8 =	sadd.s32 $0x4C0, s8  }
0x143: {  	v24 =	vadd.f32 v59, v24;
	v23 =	vmul.f32 v23, v23;
	v60 =	vmul.f32 v46, v46;
	v51 =	vld [tilespmem:s5+$0x1200];
	s5 =	sshra.s32 s8, $0x2  }
0x144: {  	v7 =	vadd.f32 v50, v49;
	v55 =	vmul.f32 v38, v38;
	v6 =	vadd.f32 v38, v6;
	s8 =	sshll.u32 s7, $0x6;
	v54 =	vld [tilespmem:s5+$0x1200]  }
0x145: {  	v61 =	vmul.f32 v47, v47;
	v23 =	vsub.f32 v23, v24;
	v29 =	vadd.f32 v47, v46;
	s4 =	spop (v2sf);
	v62 =	vld [tilespmem:s7+$0x16A87];
	s5 =	sadd.s32 $0x21C0, s8  }
0x146: {  	v7 =	vadd.f32 v55, v7;
	v59 =	vmul.f32 v41, v41;
	v6 =	vadd.f32 v41, v6;
	v41 =	vld [tilespmem:s26+$0x18080];
	s8 =	sshll.u32 s4, $0x6;
	s5 =	sshra.s32 s5, $0x2  }
0x147: {  	v21 =	vnsel vm2, $0x0, v21;
	v35 =	vadd.f32 v61, v60;
	v8 =	vadd.f32 v8, v8;
	s6 =	sadd.s32 $0x3040, s8;
	v58 =	vld [tilespmem:s5+$0x1200];
	s5 =	spop (v2sf)  }
0x148: {  	v5 =	vadd.f32 v21, v23;
	v37 =	vld [tilespmem:s4+$0x16AC1];
	v7 =	vadd.f32 v59, v7;
	v6 =	vmul.f32 v6, v6;
	s6 =	sshra.s32 s6, $0x2;
	s8 =	sshll.u32 s5, $0x6  }
0x149: {  	v8 =	vnsel vm2, $0x0, v8;
	v36 =	vmul.f32 v51, v51;
	v38 =	vadd.f32 v51, v29;
	v63 =	vld [tilespmem:s6+$0x1200];
	s7 =	sadd.s32 $0x7C40, s8;
	s4 =	spop (v2sf)  }
0x14a: {  	v23 =	vadd.f32 v57, v53;
	v52 =	vmul.f32 v42, v42;
	v6 =	vsub.f32 v6, v7;
	v45 =	vld [tilespmem:s5+$0x16BF1];
	s8 =	sshra.s32 s7, $0x2;
	s6 =	spop (v2sf);
	s26 =	sshll.u32 s4, $0x6  }
0x14b: {  	v9 =	vadd.f32 v36, v35;
	v40 =	vmul.f32 v54, v54;
	v24 =	vadd.f32 v54, v38;
	v39 =	vld [tilespmem:s8+$0x1200];
	s8 =	sshra.s32 s26, $0x2;
	s26 =	sshll.u32 s6, $0x6  }
0x14c: {  	v23 =	vadd.f32 v62, v23;
	v50 =	vmul.f32 v41, v41;
	v51 =	vadd.f32 v42, v41;
	v46 =	vld [tilespmem:s8+$0x1200];
	s7 =	sadd.s32 $0x4C0, s26;
	s5 =	spop (v2sf)  }
0x14d: {  	v35 =	vperm.xlane v19, v0;
	v36 =	vperm.xlane v20, v0;
	v6 =	vadd.f32 v8, v6;
	v47 =	vld [tilespmem:s4+$0x16A00];
	s8 =	sshra.s32 s7, $0x2;
	s26 =	sshll.u32 s5, $0x6  }
0x14e: {  	v38 =	vperm.xlane v5, v0;
	v43 =	vadd.f32 v40, v9;
	v22 =	vadd.f32 v37, v23;
	v48 =	vld [tilespmem:s8+$0x1200];
	s4 =	spop (v2sf);
	s7 =	sadd.s32 $0x21C0, s26  }
0x14f: {  	v27 =	vadd.f32 v52, v50;
	v37 =	vperm.xlane v11, v0;
	v17 =	vadd.f32 v35, v19;
	v53 =	vld [tilespmem:s6+$0x16A13];
	s8 =	sshll.u32 s4, $0x6;
	s7 =	sshra.s32 s7, $0x2  }
0x150: {  	v20 =	vadd.f32 v36, v20;
	v40 =	vperm.xlane v13, v0;
	v5 =	vadd.f32 v38, v5;
	s26 =	sadd.s32 $0x3040, s8;
	v55 =	vld [tilespmem:s7+$0x1200];
	s7 =	spop (v2sf)  }
0x151: {  	v50 =	vperm.xlane v4, v1;
	v57 =	vld [tilespmem:s5+$0x16A87];
	v28 =	vadd.f32 v46, v51;
	v56 =	vmul.f32 v46, v46;
	s8 =	sshra.s32 s26, $0x2;
	s26 =	sshll.u32 s7, $0x6  }
0x152: {  	v44 =	vmul.f32 v58, v58;
	v24 =	vadd.f32 v58, v24;
	v21 =	vadd.f32 v45, v22;
	v58 =	vld [tilespmem:s8+$0x1200];
	s8 =	sadd.s32 $0x7C40, s26  }
0x153: {  	v61 =	vld [tilespmem:s4+$0x16AC1];
	v59 =	vadd.f32 v56, v27;
	v60 =	vadd.f32 v48, v28;
	v9 =	vmul.f32 v48, v48;
	s26 =	sshra.s32 s8, $0x2  }
0x154: {  	v49 =	vmul.f32 v63, v63;
	v24 =	vadd.f32 v63, v24;
	v8 =	vadd.f32 v53, v47;
	v62 =	vld [tilespmem:s26+$0x1200]  }
0x155: {  	v28 =	vld [tilespmem:s7+$0x16BF1];
	v9 =	vadd.f32 v9, v59;
	v63 =	vadd.f32 v55, v60;
	v25 =	vmul.f32 v55, v55  }
0x156: {  	v17 =	vperm.xlane v17, v0;
	v7 =	vadd.f32 v44, v43;
	v8 =	vadd.f32 v57, v8  }
0x157: {  	v29 =	vmul.f32 v58, v58;
	v9 =	vadd.f32 v25, v9;
	v23 =	vadd.f32 v58, v63  }
0x158: {  	v41 =	vperm.xlane v20, v0;
	v7 =	vadd.f32 v49, v7;
	v8 =	vadd.f32 v61, v8  }
0x159: {  	v9 =	vadd.f32 v29, v9;
	v23 =	vadd.f32 v62, v23;
	v22 =	vmul.f32 v62, v62  }
0x15a: {  	v54 =	vmul.f32 v39, v39;
	v24 =	vadd.f32 v39, v24;
	v8 =	vadd.f32 v28, v8  }
0x15b: {  	v5 =	vperm.xlane v5, v0;
	v9 =	vadd.f32 v22, v9;
	v31 =	vmul.f32 v23, v23  }
0x15c: {  	v7 =	vadd.f32 v54, v7;
	v24 =	vmul.f32 v24, v24;
	v8 =	vadd.f32 v8, v8  }
0x15d: {  	v45 =	vperm.xlane v14, v0;
	v21 =	vadd.f32 v21, v21;
	v9 =	vsub.f32 v31, v9  }
0x15e: {  	v4 =	vadd.f32 v50, v4;
	v7 =	vsub.f32 v24, v7;
	v8 =	vnsel vm2, $0x0, v8  }
0x15f: {  	v43 =	vperm.xlane v6, v0;
	v21 =	vnsel vm2, $0x0, v21;
	v8 =	vadd.f32 v8, v9  }
0x160: {  	v39 =	vperm.xlane v12, v0;
	v47 =	vperm.xlane v15, v0;
	v7 =	vadd.f32 v21, v7  }
0x161: {  	v6 =	vadd.f32 v43, v6;
	v46 =	vperm.xlane v16, v0;
	v42 =	vperm.xlane v8, v0  }
0x162: {  	v12 =	vadd.f32 v39, v12;
	v48 =	vadd.f32 v45, v14;
	v44 =	vperm.xlane v7, v0  }
0x163: {  	v6 =	vperm.xlane v6, v0;
	v49 =	vadd.f32 v46, v16;
	v8 =	vadd.f32 v42, v8  }
0x164: {  	v12 =	vsel vm3, v12, v41;
	v7 =	vadd.f32 v44, v7;
	v9 =	vadd.f32 v34, v10  }
0x165: {  	v10 =	vadd.f32 v37, v11;
	v11 =	vadd.f32 v40, v13;
	v8 =	vperm.xlane v8, v0  }
0x166: {  	v54 =	vperm.xlane v12, v1;
	v6 =	vsel vm3, v48, v6;
	v7 =	vperm.xlane v7, v0  }
0x167: {  	v5 =	vsel vm3, v11, v5;
	v11 =	vadd.f32 v47, v15;
	v8 =	vsel vm3, v49, v8  }
0x168: {  	v12 =	vadd.f32 v54, v12;
	v13 =	vperm.xlane v6, v1;
	v52 =	vperm.xlane v8, v1  }
0x169: {  	v9 =	vsel vm3, v9, v18;
	v10 =	vsel vm3, v10, v17;
	v7 =	vsel vm3, v11, v7  }
0x16a: {  	v51 =	vperm.xlane v5, v1;
	v53 =	vperm.xlane v7, v1;
	v8 =	vadd.f32 v52, v8  }
0x16b: {  	v6 =	vadd.f32 v13, v6;
	v55 =	vperm.xlane v9, v1;
	v56 =	vperm.xlane v10, v1  }
0x16c: {  	v5 =	vadd.f32 v51, v5;
	v7 =	vadd.f32 v53, v7;
	v8 =	vperm.xlane v8, v1  }
0x16d: {  	v6 =	vperm.xlane v6, v1;
	v9 =	vadd.f32 v55, v9;
	v10 =	vadd.f32 v56, v10  }
0x16e: {  	v5 =	vperm.xlane v5, v1;
	v7 =	vperm.xlane v7, v1;
	v8 =	vsel vm0, v12, v8  }
0x16f: {  	v57 =	vperm.xlane v8, v2  }
0x170: {  	v4 =	vsel vm0, v4, v5;
	v5 =	vsel vm0, v9, v6;
	v58 =	vsel vm0, v10, v7  }
0x171: {  	v9 =	vperm.xlane v5, v2;
	v7 =	vperm.xlane v58, v2;
	v8 =	vadd.f32 v57, v8  }
0x172: {  	v59 =	vperm.xlane v4, v2  }
0x173: {  	v5 =	vadd.f32 v9, v5;
	v6 =	vadd.f32 v7, v58;
	v60 =	vperm.xlane v8, v2;
	_ =	sdelay $0x1  }
0x174: {  	v4 =	vadd.f32 v59, v4;
	v6 =	vperm.xlane v6, v2;
	v5 =	vsel vm1, v5, v60  }
0x175: {  	v7 =	vperm.xlane v5, v3  }
0x176: {  	v61 =	vld [tilespmem:s25+$0xFFFFFE00];
	v4 =	vsel vm1, v4, v6  }
0x177: {  	v63 =	vld [tilespmem:s25+$0x0];
	v62 =	vperm.xlane v4, v3;
	v5 =	vadd.f32 v7, v5;
	_ =	sdelay $0x1  }
0x178: {  	v4 =	vadd.f32 v62, v4;
	v5 =	vperm.xlane v5, v3;
	_ =	sdelay $0x1  }
0x179: {  	p0 =	sne.s32 s0, $0x7C00;
	v4 =	vsel vm4, v4, v5  }
.Ltmp1:
0x17a: {  	v5 =	vadd.f32 v63, v61;
	v4 =	vmul.f32 $5.000000000e-01, v4;
	(pc) =	sbr.rel @p0 .LBB2_4-.Ltmp1, $4  }
0x17b: {  	_ = 	snop  }
0x17c: {  	v4 =	vadd.f32 v5, v4  }
0x17d: {  	s2 =	sadd.s32 $0x10, s2  }
0x17e: {  	s0 =	sadd.s32 $0x400, s0;
	s25 =	sadd.s32 $0x10, s25;
	[tilespmem:s24+$0x0] =	vst v4;
	s24 =	sadd.s32 $0x10, s24  }
0x17f: {  	s29 =	sadd.s32 $0x1, s29  }
0x180: {  	p0 =	sne.s32 s29, s21  }
.Ltmp2:
0x181: {  	s0 =	simm.s32 $0x1C390;
	(pc) =	sbr.rel @p0 .LBB2_1-.Ltmp2, $4  }
0x182: {  	[hbm4b:s20+s1] =	stream.linear.scatter [tilespmem:s0], [sflag:$0x2], $0x200, $0x38;
	[tilespmem:$0x1C590] =	vst v63  }
0x183: {  	_ =	swait.ge [sflag:s28], $0x200  }
0x184: {  	[sflag:s28] =	ssyncset.done $0x0  }
0x185: {  	[sflag:s28] =	ssyncadd.s32 $0xFFFFFE00  }
0x186: {  	_ =	sfence.sel $0x180000  }
0x187: {  	[bflag:$0x0] =	sbarrier.arrive $0xFFFF  }
0x188: {  	_ =	strace $0x90000047  }
0x189: {  	s0 =	stileid.u32;
	[bflag:$0x2] =	sbarrier.arrive $0xFFFF  }
0x18a: {  	p0 =	sne.s32 s0, $0x0;
	s0 =	rddreg [dreg:$0x9]  }
0x18b: {  	s0 =	sadd.s32 @!p0 $0x100000, s0  }
0x18c: {  	[sflag:s0] =	ssyncadd.tile.s32 @!p0 $0x1;
	_ =	shalt  }
.Lfunc_end2:
_tile_overlayer_lowered:
.L_overlay_start_2:
0x18d: {  	(tag) =	ssettag $0x2  }
0x18e: {  	s0 =	rddreg [dreg:$0x0];
	s2 =	stileid.u32  }
0x18f: {  	s1 =	rddreg [dreg:$0x1];
	p0 =	sne.s32 s2, $0x0  }
0x190: {  	s3 =	rddreg [dreg:$0x2];
	[bflag:$0x3] =	sbarrier.arrive $0xFFFF;
	s2 =	simm.s32 @!p0 $0x1C02  }
0x191: {  	[timem:s3], [sflag:s2] =	dma.local @!p0 [hbm:s0], s1  }
0x192: {  	s0 =	simm.s32 @!p0 $0x2  }
0x193: {  	_ =	swait.ge @!p0 [sflag:s0], s1  }
0x194: {  	s1 =	ssub.s32 @!p0 $0x0, s1;
	[sflag:s0] =	ssyncset.done @!p0 $0x0  }
0x195: {  	[sflag:s0] =	ssyncadd.s32 @!p0 s1  }
0x196: {  	[bflag:$0x3] =	sbarrier.arrive $0xFFFF  }
0x197: {  	_ =	shalt  }

</sc_bundles>
